<compile_context>
chip_gen: v7x
topology: tpu7x:2x2x1
jax: 0.10.2.dev20260603
libtpu: 0.0.44.dev20260713+nightly
codegen_flags: <defaults>
</compile_context>

<pallas_src>
import functools

import jax
import jax.numpy as jnp
from jax import lax
from jax.experimental import pallas as pl
from jax.experimental.pallas import tpu as pltpu
from jax.experimental.pallas import tpu_sc as plsc

N = 10000
E = 320000
DN = 128
DE = 16

NC = 2
NS = 16
NW = NC * NS
EW = E // NW
IDXW = 125
CHUNK = 1000
NCHUNK = EW // CHUNK
JROWS = CHUNK // IDXW
NPAD = 10240
NPT = NPAD // NS
WROWS = EW // IDXW

_MESH = dict(core_axis_name="c", subcore_axis_name="s", num_cores=NC,
             num_subcores=NS)


def _sc_gather_body(p1, p2, src2d, tgt2d, g1, g2,
                    idx_s, idx_t, r1, r2, sem_i, sem_g, sem_w):
    cid = lax.axis_index("c")
    sid = lax.axis_index("s")
    wid = sid * NC + cid

    di1 = pltpu.async_copy(src2d.at[pl.ds(wid * WROWS, WROWS)], idx_s, sem_i)
    di2 = pltpu.async_copy(tgt2d.at[pl.ds(wid * WROWS, WROWS)], idx_t, sem_i)
    di1.wait()
    di2.wait()

    @pl.loop(0, NCHUNK)
    def _chunk(ch):
        base = wid * EW + ch * CHUNK

        @pl.when(ch > 0)
        def _drain():
            pltpu.make_async_copy(r1, g1.at[pl.ds(base, CHUNK)], sem_w).wait()
            pltpu.make_async_copy(r2, g2.at[pl.ds(base, CHUNK)], sem_w).wait()

        descs = []
        for j in range(JROWS):
            row = ch * JROWS + j
            descs.append(pltpu.async_copy(
                p1.at[idx_s.at[row]], r1.at[pl.ds(j * IDXW, IDXW)], sem_g))
            descs.append(pltpu.async_copy(
                p2.at[idx_t.at[row]], r2.at[pl.ds(j * IDXW, IDXW)], sem_g))
        for d in descs:
            d.wait()
        pltpu.async_copy(r1, g1.at[pl.ds(base, CHUNK)], sem_w)
        pltpu.async_copy(r2, g2.at[pl.ds(base, CHUNK)], sem_w)

    pltpu.make_async_copy(r1, g1.at[pl.ds(0, CHUNK)], sem_w).wait()
    pltpu.make_async_copy(r2, g2.at[pl.ds(0, CHUNK)], sem_w).wait()


def _sc_scatter_body(ne, src2d, tgt2d, zeros16, ones16, psum, pcnt,
                     idx_s, idx_t, nebuf, onesb, stage, acc_s, acc_c, sem_i):
    cid = lax.axis_index("c")
    sid = lax.axis_index("s")
    wid = sid * NC + cid
    row0 = sid * NPT

    di1 = pltpu.async_copy(src2d.at[pl.ds(wid * WROWS, WROWS)], idx_s, sem_i)
    di2 = pltpu.async_copy(tgt2d.at[pl.ds(wid * WROWS, WROWS)], idx_t, sem_i)
    pltpu.sync_copy(zeros16, stage)
    pltpu.sync_copy(stage, acc_s.at[pl.ds(row0, NPT)])
    pltpu.sync_copy(stage, acc_c.at[pl.ds(row0, NPT)])
    pltpu.sync_copy(ones16, onesb)
    di1.wait()
    di2.wait()
    plsc.subcore_barrier()

    @pl.loop(0, NCHUNK)
    def _chunk(ch):
        base = wid * EW + ch * CHUNK
        pltpu.sync_copy(ne.at[pl.ds(base, CHUNK)], nebuf)
        for j in range(JROWS):
            row = ch * JROWS + j
            nej = nebuf.at[pl.ds(j * IDXW, IDXW)]
            pltpu.sync_copy(nej, acc_s.at[idx_s.at[row]], add=True)
            pltpu.sync_copy(nej, acc_s.at[idx_t.at[row]], add=True)
            pltpu.sync_copy(onesb, acc_c.at[idx_s.at[row]], add=True)
            pltpu.sync_copy(onesb, acc_c.at[idx_t.at[row]], add=True)

    plsc.subcore_barrier()
    pltpu.sync_copy(acc_s.at[pl.ds(row0, NPT)], stage)
    pltpu.sync_copy(stage, psum.at[cid, pl.ds(row0, NPT)])
    pltpu.sync_copy(acc_c.at[pl.ds(row0, NPT)], stage)
    pltpu.sync_copy(stage, pcnt.at[cid, pl.ds(row0, NPT)])


@functools.lru_cache(maxsize=1)
def _sc_kernels():
    mesh = plsc.VectorSubcoreMesh(**_MESH)
    params = pltpu.CompilerParams(use_tc_tiling_on_sc=False)
    gather = functools.partial(
        pl.kernel,
        compiler_params=params,
        out_type=[jax.ShapeDtypeStruct((E, DE), jnp.float32),
                  jax.ShapeDtypeStruct((E, DE), jnp.float32)],
        mesh=mesh,
        scratch_types=[
            pltpu.VMEM((WROWS, IDXW), jnp.int32),
            pltpu.VMEM((WROWS, IDXW), jnp.int32),
            pltpu.VMEM((CHUNK, DE), jnp.float32),
            pltpu.VMEM((CHUNK, DE), jnp.float32),
            pltpu.SemaphoreType.DMA,
            pltpu.SemaphoreType.DMA,
            pltpu.SemaphoreType.DMA,
        ],
    )(_sc_gather_body)
    scatter = functools.partial(
        pl.kernel,
        compiler_params=params,
        out_type=[jax.ShapeDtypeStruct((NC, NPAD, DE), jnp.float32),
                  jax.ShapeDtypeStruct((NC, NPAD, DE), jnp.float32)],
        mesh=mesh,
        scratch_types=[
            pltpu.VMEM((WROWS, IDXW), jnp.int32),
            pltpu.VMEM((WROWS, IDXW), jnp.int32),
            pltpu.VMEM((CHUNK, DE), jnp.float32),
            pltpu.VMEM((IDXW, DE), jnp.float32),
            pltpu.VMEM((NPT, DE), jnp.float32),
            pltpu.VMEM_SHARED((NPAD, DE), jnp.float32),
            pltpu.VMEM_SHARED((NPAD, DE), jnp.float32),
            pltpu.SemaphoreType.DMA,
        ],
    )(_sc_scatter_body)
    return gather, scatter


def _tc_p12_body(nf, w1, w2, p1, p2):
    x = nf[...]
    p1[...] = lax.dot(x, w1[...], precision=lax.Precision.HIGHEST,
                      preferred_element_type=jnp.float32)
    p2[...] = lax.dot(x, w2[...], precision=lax.Precision.HIGHEST,
                      preferred_element_type=jnp.float32)


def _tc_p12(nf, w1, w2):
    nb = 1000
    return pl.pallas_call(
        _tc_p12_body,
        grid=(N // nb,),
        in_specs=[
            pl.BlockSpec((nb, DN), lambda i: (i, 0)),
            pl.BlockSpec((DN, DE), lambda i: (0, 0)),
            pl.BlockSpec((DN, DE), lambda i: (0, 0)),
        ],
        out_specs=[
            pl.BlockSpec((nb, DE), lambda i: (i, 0)),
            pl.BlockSpec((nb, DE), lambda i: (i, 0)),
        ],
        out_shape=[jax.ShapeDtypeStruct((N, DE), jnp.float32),
                   jax.ShapeDtypeStruct((N, DE), jnp.float32)],
    )(nf, w1, w2)


def _ln(x, g, b):
    mu = jnp.mean(x, axis=-1, keepdims=True)
    d = x - mu
    var = jnp.mean(d * d, axis=-1, keepdims=True)
    return d * lax.rsqrt(var + 1e-5) * g + b


EG = E // 8


def _tc_edge_body(ef, g1, g2, kw, k16, be, ge, bte, out):
    x = lax.dot(ef[...], kw[...], precision=lax.Precision.HIGHEST,
                preferred_element_type=jnp.float32)
    x = x + be[...] + g1[...] + g2[...]
    mu = lax.dot(x, k16[...], precision=lax.Precision.HIGHEST,
                 preferred_element_type=jnp.float32)
    d = x - mu
    var = lax.dot(d * d, k16[...], precision=lax.Precision.HIGHEST,
                  preferred_element_type=jnp.float32)
    out[...] = d * lax.rsqrt(var + 1e-5) * ge[...] + bte[...]


def _tc_edge(ef_g, g1_g, g2_g, kw, k16, be, ge, bte):
    eb = 2000
    return pl.pallas_call(
        _tc_edge_body,
        grid=(EG // eb,),
        in_specs=[
            pl.BlockSpec((eb, DN), lambda i: (i, 0)),
            pl.BlockSpec((eb, DN), lambda i: (i, 0)),
            pl.BlockSpec((eb, DN), lambda i: (i, 0)),
            pl.BlockSpec((DN, DN), lambda i: (0, 0)),
            pl.BlockSpec((DN, DN), lambda i: (0, 0)),
            pl.BlockSpec((1, DN), lambda i: (0, 0)),
            pl.BlockSpec((1, DN), lambda i: (0, 0)),
            pl.BlockSpec((1, DN), lambda i: (0, 0)),
        ],
        out_specs=pl.BlockSpec((eb, DN), lambda i: (i, 0)),
        out_shape=jax.ShapeDtypeStruct((EG, DN), jnp.float32),
    )(ef_g, g1_g, g2_g, kw, k16, be, ge, bte)


def _tc_node_body(nf, ps0, ps1, pc0, pc1, wn0, wn1, bn, gn, btn, out):
    mean = (ps0[...] + ps1[...]) / (pc0[...] + pc1[...] + 1e-10)
    x = nf[...]
    y = x + lax.dot(x, wn0[...], precision=lax.Precision.HIGHEST,
                    preferred_element_type=jnp.float32)
    y = y + lax.dot(mean, wn1[...], precision=lax.Precision.HIGHEST,
                    preferred_element_type=jnp.float32)
    y = y + bn[...]
    out[...] = _ln(y, gn[...], btn[...])


def _tc_node(nf, ps0, ps1, pc0, pc1, wn0, wn1, bn, gn, btn):
    nb = 1000
    return pl.pallas_call(
        _tc_node_body,
        grid=(N // nb,),
        in_specs=[
            pl.BlockSpec((nb, DN), lambda i: (i, 0)),
            pl.BlockSpec((nb, DE), lambda i: (i, 0)),
            pl.BlockSpec((nb, DE), lambda i: (i, 0)),
            pl.BlockSpec((nb, DE), lambda i: (i, 0)),
            pl.BlockSpec((nb, DE), lambda i: (i, 0)),
            pl.BlockSpec((DN, DN), lambda i: (0, 0)),
            pl.BlockSpec((DE, DN), lambda i: (0, 0)),
            pl.BlockSpec((1, DN), lambda i: (0, 0)),
            pl.BlockSpec((1, DN), lambda i: (0, 0)),
            pl.BlockSpec((1, DN), lambda i: (0, 0)),
        ],
        out_specs=pl.BlockSpec((nb, DN), lambda i: (i, 0)),
        out_shape=jax.ShapeDtypeStruct((N, DN), jnp.float32),
    )(nf, ps0, ps1, pc0, pc1, wn0, wn1, bn, gn, btn)


def kernel(node_features, edge_features, edge_index, W_e, b_e, g_e, bt_e,
           W_n, b_n, g_n, bt_n):
    f32 = jnp.float32
    src2d = edge_index[0].reshape(E // IDXW, IDXW)
    tgt2d = edge_index[1].reshape(E // IDXW, IDXW)

    w0p = W_e[:DE] + jnp.eye(DE, dtype=f32)
    w1 = W_e[DE:DE + DN]
    w2 = W_e[DE + DN:]

    zeros16 = jnp.zeros((NPT, DE), f32)
    ones16 = jnp.ones((IDXW, DE), f32)

    sc_gather, sc_scatter = _sc_kernels()
    p1, p2 = _tc_p12(node_features, w1, w2)
    g1, g2 = sc_gather(p1, p2, src2d, tgt2d)
    kw = jnp.kron(jnp.eye(8, dtype=f32), w0p)
    k16 = jnp.kron(jnp.eye(8, dtype=f32), jnp.full((DE, DE), 1.0 / DE, f32))
    ne_g = _tc_edge(edge_features.reshape(EG, DN), g1.reshape(EG, DN),
                    g2.reshape(EG, DN), kw, k16,
                    jnp.tile(b_e, 8).reshape(1, DN),
                    jnp.tile(g_e, 8).reshape(1, DN),
                    jnp.tile(bt_e, 8).reshape(1, DN))
    new_edges = ne_g.reshape(E, DE)
    psum, pcnt = sc_scatter(new_edges, src2d, tgt2d, zeros16, ones16)
    psums = psum[:, :N]
    pcnts = pcnt[:, :N]
    new_nodes = _tc_node(node_features, psums[0], psums[1], pcnts[0], pcnts[1],
                         W_n[:DN], W_n[DN:], b_n.reshape(1, DN),
                         g_n.reshape(1, DN), bt_n.reshape(1, DN))
    return (new_nodes, new_edges)

# --- scband reference (transcript-rebuilt; emitter-appended) ---
"""Pipeline reference for scband-reconciliation-bridge-8521215115945 (READ-ONLY COPY).

The authoritative reference and input builder live on the scoring server;
editing this copy changes nothing except your own understanding.
"""

import jax, jax.numpy as jnp
import numpy as np


def layer_norm(x, gamma, beta, eps=1e-5):
    mu = jnp.mean(x, axis=-1, keepdims=True)
    var = jnp.mean((x - mu) ** 2, axis=-1, keepdims=True)
    return (x - mu) / jnp.sqrt(var + eps) * gamma + beta


def setup_inputs(seed: int = 0) -> dict:
    key = jax.random.key(seed)
    ks = jax.random.split(key, 8)
    N, E, d_node, d_edge = 10000, 320000, 128, 16
    node_features = jax.random.normal(ks[0], (N, d_node), jnp.float32)
    edge_features = jax.random.normal(ks[1], (E, d_edge), jnp.float32)
    edge_index = jax.random.randint(ks[2], (2, E), 0, N, jnp.int32)
    in_e = d_edge + 2 * d_node
    in_n = d_node + d_edge
    W_e = jax.random.normal(ks[3], (in_e, d_edge), jnp.float32) / np.sqrt(in_e)
    b_e = jnp.zeros((d_edge,), jnp.float32)
    g_e = jnp.ones((d_edge,), jnp.float32)
    bt_e = jnp.zeros((d_edge,), jnp.float32)
    W_n = jax.random.normal(ks[4], (in_n, d_node), jnp.float32) / np.sqrt(in_n)
    b_n = jnp.zeros((d_node,), jnp.float32)
    g_n = jnp.ones((d_node,), jnp.float32)
    bt_n = jnp.zeros((d_node,), jnp.float32)
    return {"node_features": node_features, "edge_features": edge_features,
            "edge_index": edge_index, "W_e": W_e, "b_e": b_e, "g_e": g_e, "bt_e": bt_e,
            "W_n": W_n, "b_n": b_n, "g_n": g_n, "bt_n": bt_n}


def reference(node_features, edge_features, edge_index, W_e, b_e, g_e, bt_e, W_n, b_n, g_n, bt_n):
    src = edge_index[0]
    tgt = edge_index[1]
    edge_ctx = jnp.concatenate([edge_features, node_features[src], node_features[tgt]], axis=-1)
    new_edges = layer_norm(edge_features + edge_ctx @ W_e + b_e, g_e, bt_e)
    N = node_features.shape[0]
    all_nodes = jnp.concatenate([src, tgt], axis=0)
    all_edges = jnp.concatenate([new_edges, new_edges], axis=0)
    edge_sum = jax.ops.segment_sum(all_edges, all_nodes, num_segments=N)
    ones = jnp.ones((all_nodes.shape[0], 1), jnp.float32)
    edge_count = jax.ops.segment_sum(ones, all_nodes, num_segments=N)
    edge_mean = edge_sum / (edge_count + 1e-10)
    node_ctx = jnp.concatenate([node_features, edge_mean], axis=-1)
    new_nodes = layer_norm(node_features + node_ctx @ W_n + b_n, g_n, bt_n)
    return (new_nodes, new_edges)

if __name__ == "__main__":
    import jax
    _d = setup_inputs()
    print(jax.jit(kernel)(*tuple(_d.values())))

</pallas_src>

<mosaic_0001>
#map = affine_map<(d0, d1) -> (0, 0)>
#map1 = affine_map<(d0, d1) -> (0, 0, 0)>
module attributes {stable_mosaic.version = 14 : i64} {
  func.func @_sc_scatter_body(%arg0: i32, %arg1: i32, %arg2: memref<320000x16xf32, #tpu.memory_space<hbm>>, %arg3: memref<2560x125xi32, #tpu.memory_space<hbm>>, %arg4: memref<2560x125xi32, #tpu.memory_space<hbm>>, %arg5: memref<640x16xf32, #tpu.memory_space<hbm>>, %arg6: memref<125x16xf32, #tpu.memory_space<hbm>>, %arg7: memref<2x10240x16xf32, #tpu.memory_space<hbm>>, %arg8: memref<2x10240x16xf32, #tpu.memory_space<hbm>>, %arg9: memref<80x125xi32, #tpu.memory_space<vmem>>, %arg10: memref<80x125xi32, #tpu.memory_space<vmem>>, %arg11: memref<1000x16xf32, #tpu.memory_space<vmem>>, %arg12: memref<125x16xf32, #tpu.memory_space<vmem>>, %arg13: memref<640x16xf32, #tpu.memory_space<vmem>>, %arg14: memref<10240x16xf32, #tpu.memory_space<vmem_shared>>, %arg15: memref<10240x16xf32, #tpu.memory_space<vmem_shared>>, %arg16: memref<!tpu.dma_semaphore, #tpu.memory_space<semaphore_mem>>) attributes {dimension_semantics = [#tpu.dimension_semantics<core_parallel>, #tpu.dimension_semantics<subcore_parallel>], iteration_bounds = array<i64: 2, 16>, scalar_prefetch = 0 : i64, scratch_operands = 8 : i64, tpu.core_type = #tpu.core_type<sc_vector_subcore>, window_params = [{transform_indices = #map}, {transform_indices = #map}, {transform_indices = #map}, {transform_indices = #map}, {transform_indices = #map}, {transform_indices = #map1}, {transform_indices = #map1}]} {
    %mul3A = arith.constant 2 : i32
    %mul3A_0 = arith.muli %arg1, %mul3A : i32
    %add3A = arith.addi %mul3A_0, %arg0 : i32
    %mul3A_1 = arith.constant 640 : i32
    %mul3A_2 = arith.muli %arg1, %mul3A_1 : i32
    %mul3A_3 = arith.constant 80 : i32
    %mul3A_4 = arith.muli %add3A, %mul3A_3 : i32
    %dma_start3A = arith.constant 0 : i32
    %dma_start3A_5 = tpu.memref_slice %arg3[%mul3A_4, %dma_start3A] : memref<2560x125xi32, #tpu.memory_space<hbm>> -> memref<80x125xi32, #tpu.memory_space<hbm>>
    %dma_start3A_6 = arith.constant 0 : i32
    %dma_start3A_7 = tpu.memref_slice %arg3[%mul3A_4, %dma_start3A_6] : memref<2560x125xi32, #tpu.memory_space<hbm>> -> memref<80x125xi32, #tpu.memory_space<hbm>>
    tpu.enqueue_dma source(%dma_start3A_7 : memref<80x125xi32, #tpu.memory_space<hbm>>) target(%arg9 : memref<80x125xi32, #tpu.memory_space<vmem>>) target_semaphore(%arg16 : memref<!tpu.dma_semaphore, #tpu.memory_space<semaphore_mem>>)
    %mul3A_8 = arith.constant 80 : i32
    %mul3A_9 = arith.muli %add3A, %mul3A_8 : i32
    %dma_start3A_10 = arith.constant 0 : i32
    %dma_start3A_11 = tpu.memref_slice %arg4[%mul3A_9, %dma_start3A_10] : memref<2560x125xi32, #tpu.memory_space<hbm>> -> memref<80x125xi32, #tpu.memory_space<hbm>>
    %dma_start3A_12 = arith.constant 0 : i32
    %dma_start3A_13 = tpu.memref_slice %arg4[%mul3A_9, %dma_start3A_12] : memref<2560x125xi32, #tpu.memory_space<hbm>> -> memref<80x125xi32, #tpu.memory_space<hbm>>
    tpu.enqueue_dma source(%dma_start3A_13 : memref<80x125xi32, #tpu.memory_space<hbm>>) target(%arg10 : memref<80x125xi32, #tpu.memory_space<vmem>>) target_semaphore(%arg16 : memref<!tpu.dma_semaphore, #tpu.memory_space<semaphore_mem>>)
    "tpu.region"() ({
      %run_scoped3A = tpu.sem_alloc : memref<!tpu.dma_semaphore, #tpu.memory_space<semaphore_mem>>
      tpu.enqueue_dma source(%arg5 : memref<640x16xf32, #tpu.memory_space<hbm>>) target(%arg13 : memref<640x16xf32, #tpu.memory_space<vmem>>) target_semaphore(%run_scoped3A : memref<!tpu.dma_semaphore, #tpu.memory_space<semaphore_mem>>)
      tpu.wait_dma2 semaphore(%run_scoped3A : memref<!tpu.dma_semaphore, #tpu.memory_space<semaphore_mem>>) src(%arg5 : memref<640x16xf32, #tpu.memory_space<hbm>>) dst(%arg13 : memref<640x16xf32, #tpu.memory_space<vmem>>)
      tpu.yield
    }) : () -> ()
    "tpu.region"() ({
      %run_scoped3A = tpu.sem_alloc : memref<!tpu.dma_semaphore, #tpu.memory_space<semaphore_mem>>
      %dma_start3A_26 = arith.constant 0 : i32
      %dma_start3A_27 = tpu.memref_slice %arg14[%mul3A_2, %dma_start3A_26] : memref<10240x16xf32, #tpu.memory_space<vmem_shared>> -> memref<640x16xf32, #tpu.memory_space<vmem_shared>>
      %dma_start3A_28 = arith.constant 0 : i32
      %dma_start3A_29 = tpu.memref_slice %arg14[%mul3A_2, %dma_start3A_28] : memref<10240x16xf32, #tpu.memory_space<vmem_shared>> -> memref<640x16xf32, #tpu.memory_space<vmem_shared>>
      tpu.enqueue_dma source(%arg13 : memref<640x16xf32, #tpu.memory_space<vmem>>) target(%dma_start3A_29 : memref<640x16xf32, #tpu.memory_space<vmem_shared>>) target_semaphore(%run_scoped3A : memref<!tpu.dma_semaphore, #tpu.memory_space<semaphore_mem>>)
      %dma_wait3A_30 = arith.constant 0 : i32
      %dma_wait3A_31 = tpu.memref_slice %arg14[%mul3A_2, %dma_wait3A_30] : memref<10240x16xf32, #tpu.memory_space<vmem_shared>> -> memref<640x16xf32, #tpu.memory_space<vmem_shared>>
      %dma_wait3A_32 = arith.constant 0 : i32
      %dma_wait3A_33 = tpu.memref_slice %arg14[%mul3A_2, %dma_wait3A_32] : memref<10240x16xf32, #tpu.memory_space<vmem_shared>> -> memref<640x16xf32, #tpu.memory_space<vmem_shared>>
      tpu.wait_dma2 semaphore(%run_scoped3A : memref<!tpu.dma_semaphore, #tpu.memory_space<semaphore_mem>>) src(%arg13 : memref<640x16xf32, #tpu.memory_space<vmem>>) dst(%dma_wait3A_33 : memref<640x16xf32, #tpu.memory_space<vmem_shared>>)
      tpu.yield
    }) : () -> ()
    "tpu.region"() ({
      %run_scoped3A = tpu.sem_alloc : memref<!tpu.dma_semaphore, #tpu.memory_space<semaphore_mem>>
      %dma_start3A_26 = arith.constant 0 : i32
      %dma_start3A_27 = tpu.memref_slice %arg15[%mul3A_2, %dma_start3A_26] : memref<10240x16xf32, #tpu.memory_space<vmem_shared>> -> memref<640x16xf32, #tpu.memory_space<vmem_shared>>
      %dma_start3A_28 = arith.constant 0 : i32
      %dma_start3A_29 = tpu.memref_slice %arg15[%mul3A_2, %dma_start3A_28] : memref<10240x16xf32, #tpu.memory_space<vmem_shared>> -> memref<640x16xf32, #tpu.memory_space<vmem_shared>>
      tpu.enqueue_dma source(%arg13 : memref<640x16xf32, #tpu.memory_space<vmem>>) target(%dma_start3A_29 : memref<640x16xf32, #tpu.memory_space<vmem_shared>>) target_semaphore(%run_scoped3A : memref<!tpu.dma_semaphore, #tpu.memory_space<semaphore_mem>>)
      %dma_wait3A_30 = arith.constant 0 : i32
      %dma_wait3A_31 = tpu.memref_slice %arg15[%mul3A_2, %dma_wait3A_30] : memref<10240x16xf32, #tpu.memory_space<vmem_shared>> -> memref<640x16xf32, #tpu.memory_space<vmem_shared>>
      %dma_wait3A_32 = arith.constant 0 : i32
      %dma_wait3A_33 = tpu.memref_slice %arg15[%mul3A_2, %dma_wait3A_32] : memref<10240x16xf32, #tpu.memory_space<vmem_shared>> -> memref<640x16xf32, #tpu.memory_space<vmem_shared>>
      tpu.wait_dma2 semaphore(%run_scoped3A : memref<!tpu.dma_semaphore, #tpu.memory_space<semaphore_mem>>) src(%arg13 : memref<640x16xf32, #tpu.memory_space<vmem>>) dst(%dma_wait3A_33 : memref<640x16xf32, #tpu.memory_space<vmem_shared>>)
      tpu.yield
    }) : () -> ()
    "tpu.region"() ({
      %run_scoped3A = tpu.sem_alloc : memref<!tpu.dma_semaphore, #tpu.memory_space<semaphore_mem>>
      tpu.enqueue_dma source(%arg6 : memref<125x16xf32, #tpu.memory_space<hbm>>) target(%arg12 : memref<125x16xf32, #tpu.memory_space<vmem>>) target_semaphore(%run_scoped3A : memref<!tpu.dma_semaphore, #tpu.memory_space<semaphore_mem>>)
      tpu.wait_dma2 semaphore(%run_scoped3A : memref<!tpu.dma_semaphore, #tpu.memory_space<semaphore_mem>>) src(%arg6 : memref<125x16xf32, #tpu.memory_space<hbm>>) dst(%arg12 : memref<125x16xf32, #tpu.memory_space<vmem>>)
      tpu.yield
    }) : () -> ()
    %dma_wait3A = arith.constant 0 : i32
    %dma_wait3A_14 = tpu.memref_slice %arg3[%mul3A_4, %dma_wait3A] : memref<2560x125xi32, #tpu.memory_space<hbm>> -> memref<80x125xi32, #tpu.memory_space<hbm>>
    %dma_wait3A_15 = arith.constant 0 : i32
    %dma_wait3A_16 = tpu.memref_slice %arg3[%mul3A_4, %dma_wait3A_15] : memref<2560x125xi32, #tpu.memory_space<hbm>> -> memref<80x125xi32, #tpu.memory_space<hbm>>
    tpu.wait_dma2 semaphore(%arg16 : memref<!tpu.dma_semaphore, #tpu.memory_space<semaphore_mem>>) src(%dma_wait3A_16 : memref<80x125xi32, #tpu.memory_space<hbm>>) dst(%arg9 : memref<80x125xi32, #tpu.memory_space<vmem>>)
    %dma_wait3A_17 = arith.constant 0 : i32
    %dma_wait3A_18 = tpu.memref_slice %arg4[%mul3A_9, %dma_wait3A_17] : memref<2560x125xi32, #tpu.memory_space<hbm>> -> memref<80x125xi32, #tpu.memory_space<hbm>>
    %dma_wait3A_19 = arith.constant 0 : i32
    %dma_wait3A_20 = tpu.memref_slice %arg4[%mul3A_9, %dma_wait3A_19] : memref<2560x125xi32, #tpu.memory_space<hbm>> -> memref<80x125xi32, #tpu.memory_space<hbm>>
    tpu.wait_dma2 semaphore(%arg16 : memref<!tpu.dma_semaphore, #tpu.memory_space<semaphore_mem>>) src(%dma_wait3A_20 : memref<80x125xi32, #tpu.memory_space<hbm>>) dst(%arg10 : memref<80x125xi32, #tpu.memory_space<vmem>>)
    %barrier3A = arith.constant 0 : index
    tpu.barrier barrier_id(%barrier3A)
    %scan3A = arith.constant 0 : i32
    %scan3A_21 = arith.constant 10 : i32
    %scan3A_22 = arith.addi %scan3A, %scan3A_21 : i32
    %scan3A_23 = arith.constant 1 : i32
    scf.for %scan3A_26 = %scan3A to %scan3A_22 step %scan3A_23  : i32 {
      %mul3A_27 = arith.constant 1 : i32
      %mul3A_28 = arith.muli %scan3A_26, %mul3A_27 : i32
      %add3A_29 = arith.constant 0 : i32
      %add3A_30 = arith.addi %add3A_29, %mul3A_28 : i32
      %mul3A_31 = arith.constant 10000 : i32
      %mul3A_32 = arith.muli %add3A, %mul3A_31 : i32
      %mul3A_33 = arith.constant 1000 : i32
      %mul3A_34 = arith.muli %add3A_30, %mul3A_33 : i32
      %add3A_35 = arith.addi %mul3A_32, %mul3A_34 : i32
      "tpu.region"() ({
        %run_scoped3A = tpu.sem_alloc : memref<!tpu.dma_semaphore, #tpu.memory_space<semaphore_mem>>
        %dma_start3A_68 = arith.constant 0 : i32
        %dma_start3A_69 = tpu.memref_slice %arg2[%add3A_35, %dma_start3A_68] : memref<320000x16xf32, #tpu.memory_space<hbm>> -> memref<1000x16xf32, #tpu.memory_space<hbm>>
        %dma_start3A_70 = arith.constant 0 : i32
        %dma_start3A_71 = tpu.memref_slice %arg2[%add3A_35, %dma_start3A_70] : memref<320000x16xf32, #tpu.memory_space<hbm>> -> memref<1000x16xf32, #tpu.memory_space<hbm>>
        tpu.enqueue_dma source(%dma_start3A_71 : memref<1000x16xf32, #tpu.memory_space<hbm>>) target(%arg11 : memref<1000x16xf32, #tpu.memory_space<vmem>>) target_semaphore(%run_scoped3A : memref<!tpu.dma_semaphore, #tpu.memory_space<semaphore_mem>>)
        %dma_wait3A_72 = arith.constant 0 : i32
        %dma_wait3A_73 = tpu.memref_slice %arg2[%add3A_35, %dma_wait3A_72] : memref<320000x16xf32, #tpu.memory_space<hbm>> -> memref<1000x16xf32, #tpu.memory_space<hbm>>
        %dma_wait3A_74 = arith.constant 0 : i32
        %dma_wait3A_75 = tpu.memref_slice %arg2[%add3A_35, %dma_wait3A_74] : memref<320000x16xf32, #tpu.memory_space<hbm>> -> memref<1000x16xf32, #tpu.memory_space<hbm>>
        tpu.wait_dma2 semaphore(%run_scoped3A : memref<!tpu.dma_semaphore, #tpu.memory_space<semaphore_mem>>) src(%dma_wait3A_75 : memref<1000x16xf32, #tpu.memory_space<hbm>>) dst(%arg11 : memref<1000x16xf32, #tpu.memory_space<vmem>>)
        tpu.yield
      }) : () -> ()
      %mul3A_36 = arith.constant 8 : i32
      %mul3A_37 = arith.muli %add3A_30, %mul3A_36 : i32
      %add3A_38 = arith.constant 0 : i32
      %add3A_39 = arith.addi %mul3A_37, %add3A_38 : i32
      "tpu.region"() ({
        %run_scoped3A = tpu.sem_alloc : memref<!tpu.dma_semaphore, #tpu.memory_space<semaphore_mem>>
        %dma_start3A_68 = arith.constant 0 : i32
        %dma_start3A_69 = arith.constant 0 : i32
        %dma_start3A_70 = tpu.memref_slice %arg11[%dma_start3A_68, %dma_start3A_69] : memref<1000x16xf32, #tpu.memory_space<vmem>> -> memref<125x16xf32, #tpu.memory_space<vmem>>
        %dma_start3A_71 = arith.constant 0 : i32
        %dma_start3A_72 = tpu.memref_slice %arg9[%add3A_39, %dma_start3A_71] : memref<80x125xi32, #tpu.memory_space<vmem>> -> memref<1x125xi32, #tpu.memory_space<vmem>>
        %dma_start3A_73 = tpu.memref_squeeze %dma_start3A_72 : memref<1x125xi32, #tpu.memory_space<vmem>> -> memref<125xi32, #tpu.memory_space<vmem>>
        %dma_start3A_74 = arith.constant 0 : i32
        %dma_start3A_75 = arith.constant 0 : i32
        %dma_start3A_76 = tpu.memref_slice %arg14[%dma_start3A_74, %dma_start3A_75] : memref<10240x16xf32, #tpu.memory_space<vmem_shared>> -> memref<10240x16xf32, #tpu.memory_space<vmem_shared>>
        tpu.enqueue_indirect_dma source(%dma_start3A_70 : memref<125x16xf32, #tpu.memory_space<vmem>>) target(%dma_start3A_76 : memref<10240x16xf32, #tpu.memory_space<vmem_shared>>) offsets(%dma_start3A_73 : memref<125xi32, #tpu.memory_space<vmem>>) semaphore(%run_scoped3A : memref<!tpu.dma_semaphore, #tpu.memory_space<semaphore_mem>>) {add = true}
        %dma_wait3A_77 = arith.constant 0 : i32
        %dma_wait3A_78 = arith.constant 0 : i32
        %dma_wait3A_79 = tpu.memref_slice %arg11[%dma_wait3A_77, %dma_wait3A_78] : memref<1000x16xf32, #tpu.memory_space<vmem>> -> memref<125x16xf32, #tpu.memory_space<vmem>>
        %dma_wait3A_80 = arith.constant 0 : i32
        %dma_wait3A_81 = tpu.memref_slice %arg9[%add3A_39, %dma_wait3A_80] : memref<80x125xi32, #tpu.memory_space<vmem>> -> memref<1x125xi32, #tpu.memory_space<vmem>>
        %dma_wait3A_82 = tpu.memref_squeeze %dma_wait3A_81 : memref<1x125xi32, #tpu.memory_space<vmem>> -> memref<125xi32, #tpu.memory_space<vmem>>
        %dma_wait3A_83 = arith.constant 0 : i32
        %dma_wait3A_84 = arith.constant 0 : i32
        %dma_wait3A_85 = tpu.memref_slice %arg14[%dma_wait3A_83, %dma_wait3A_84] : memref<10240x16xf32, #tpu.memory_space<vmem_shared>> -> memref<10240x16xf32, #tpu.memory_space<vmem_shared>>
        tpu.wait_indirect_dma semaphore(%run_scoped3A : memref<!tpu.dma_semaphore, #tpu.memory_space<semaphore_mem>>) src(%dma_wait3A_79 : memref<125x16xf32, #tpu.memory_space<vmem>>) dst(%dma_wait3A_85 : memref<10240x16xf32, #tpu.memory_space<vmem_shared>>)
        tpu.yield
      }) : () -> ()
      "tpu.region"() ({
        %run_scoped3A = tpu.sem_alloc : memref<!tpu.dma_semaphore, #tpu.memory_space<semaphore_mem>>
        %dma_start3A_68 = arith.constant 0 : i32
        %dma_start3A_69 = arith.constant 0 : i32
        %dma_start3A_70 = tpu.memref_slice %arg11[%dma_start3A_68, %dma_start3A_69] : memref<1000x16xf32, #tpu.memory_space<vmem>> -> memref<125x16xf32, #tpu.memory_space<vmem>>
        %dma_start3A_71 = arith.constant 0 : i32
        %dma_start3A_72 = tpu.memref_slice %arg10[%add3A_39, %dma_start3A_71] : memref<80x125xi32, #tpu.memory_space<vmem>> -> memref<1x125xi32, #tpu.memory_space<vmem>>
        %dma_start3A_73 = tpu.memref_squeeze %dma_start3A_72 : memref<1x125xi32, #tpu.memory_space<vmem>> -> memref<125xi32, #tpu.memory_space<vmem>>
        %dma_start3A_74 = arith.constant 0 : i32
        %dma_start3A_75 = arith.constant 0 : i32
        %dma_start3A_76 = tpu.memref_slice %arg14[%dma_start3A_74, %dma_start3A_75] : memref<10240x16xf32, #tpu.memory_space<vmem_shared>> -> memref<10240x16xf32, #tpu.memory_space<vmem_shared>>
        tpu.enqueue_indirect_dma source(%dma_start3A_70 : memref<125x16xf32, #tpu.memory_space<vmem>>) target(%dma_start3A_76 : memref<10240x16xf32, #tpu.memory_space<vmem_shared>>) offsets(%dma_start3A_73 : memref<125xi32, #tpu.memory_space<vmem>>) semaphore(%run_scoped3A : memref<!tpu.dma_semaphore, #tpu.memory_space<semaphore_mem>>) {add = true}
        %dma_wait3A_77 = arith.constant 0 : i32
        %dma_wait3A_78 = arith.constant 0 : i32
        %dma_wait3A_79 = tpu.memref_slice %arg11[%dma_wait3A_77, %dma_wait3A_78] : memref<1000x16xf32, #tpu.memory_space<vmem>> -> memref<125x16xf32, #tpu.memory_space<vmem>>
        %dma_wait3A_80 = arith.constant 0 : i32
        %dma_wait3A_81 = tpu.memref_slice %arg10[%add3A_39, %dma_wait3A_80] : memref<80x125xi32, #tpu.memory_space<vmem>> -> memref<1x125xi32, #tpu.memory_space<vmem>>
        %dma_wait3A_82 = tpu.memref_squeeze %dma_wait3A_81 : memref<1x125xi32, #tpu.memory_space<vmem>> -> memref<125xi32, #tpu.memory_space<vmem>>
        %dma_wait3A_83 = arith.constant 0 : i32
        %dma_wait3A_84 = arith.constant 0 : i32
        %dma_wait3A_85 = tpu.memref_slice %arg14[%dma_wait3A_83, %dma_wait3A_84] : memref<10240x16xf32, #tpu.memory_space<vmem_shared>> -> memref<10240x16xf32, #tpu.memory_space<vmem_shared>>
        tpu.wait_indirect_dma semaphore(%run_scoped3A : memref<!tpu.dma_semaphore, #tpu.memory_space<semaphore_mem>>) src(%dma_wait3A_79 : memref<125x16xf32, #tpu.memory_space<vmem>>) dst(%dma_wait3A_85 : memref<10240x16xf32, #tpu.memory_space<vmem_shared>>)
        tpu.yield
      }) : () -> ()
      "tpu.region"() ({
        %run_scoped3A = tpu.sem_alloc : memref<!tpu.dma_semaphore, #tpu.memory_space<semaphore_mem>>
        %dma_start3A_68 = arith.constant 0 : i32
        %dma_start3A_69 = tpu.memref_slice %arg9[%add3A_39, %dma_start3A_68] : memref<80x125xi32, #tpu.memory_space<vmem>> -> memref<1x125xi32, #tpu.memory_space<vmem>>
        %dma_start3A_70 = tpu.memref_squeeze %dma_start3A_69 : memref<1x125xi32, #tpu.memory_space<vmem>> -> memref<125xi32, #tpu.memory_space<vmem>>
        %dma_start3A_71 = arith.constant 0 : i32
        %dma_start3A_72 = arith.constant 0 : i32
        %dma_start3A_73 = tpu.memref_slice %arg15[%dma_start3A_71, %dma_start3A_72] : memref<10240x16xf32, #tpu.memory_space<vmem_shared>> -> memref<10240x16xf32, #tpu.memory_space<vmem_shared>>
        tpu.enqueue_indirect_dma source(%arg12 : memref<125x16xf32, #tpu.memory_space<vmem>>) target(%dma_start3A_73 : memref<10240x16xf32, #tpu.memory_space<vmem_shared>>) offsets(%dma_start3A_70 : memref<125xi32, #tpu.memory_space<vmem>>) semaphore(%run_scoped3A : memref<!tpu.dma_semaphore, #tpu.memory_space<semaphore_mem>>) {add = true}
        %dma_wait3A_74 = arith.constant 0 : i32
        %dma_wait3A_75 = tpu.memref_slice %arg9[%add3A_39, %dma_wait3A_74] : memref<80x125xi32, #tpu.memory_space<vmem>> -> memref<1x125xi32, #tpu.memory_space<vmem>>
        %dma_wait3A_76 = tpu.memref_squeeze %dma_wait3A_75 : memref<1x125xi32, #tpu.memory_space<vmem>> -> memref<125xi32, #tpu.memory_space<vmem>>
        %dma_wait3A_77 = arith.constant 0 : i32
        %dma_wait3A_78 = arith.constant 0 : i32
        %dma_wait3A_79 = tpu.memref_slice %arg15[%dma_wait3A_77, %dma_wait3A_78] : memref<10240x16xf32, #tpu.memory_space<vmem_shared>> -> memref<10240x16xf32, #tpu.memory_space<vmem_shared>>
        tpu.wait_indirect_dma semaphore(%run_scoped3A : memref<!tpu.dma_semaphore, #tpu.memory_space<semaphore_mem>>) src(%arg12 : memref<125x16xf32, #tpu.memory_space<vmem>>) dst(%dma_wait3A_79 : memref<10240x16xf32, #tpu.memory_space<vmem_shared>>)
        tpu.yield
      }) : () -> ()
      "tpu.region"() ({
        %run_scoped3A = tpu.sem_alloc : memref<!tpu.dma_semaphore, #tpu.memory_space<semaphore_mem>>
        %dma_start3A_68 = arith.constant 0 : i32
        %dma_start3A_69 = tpu.memref_slice %arg10[%add3A_39, %dma_start3A_68] : memref<80x125xi32, #tpu.memory_space<vmem>> -> memref<1x125xi32, #tpu.memory_space<vmem>>
        %dma_start3A_70 = tpu.memref_squeeze %dma_start3A_69 : memref<1x125xi32, #tpu.memory_space<vmem>> -> memref<125xi32, #tpu.memory_space<vmem>>
        %dma_start3A_71 = arith.constant 0 : i32
        %dma_start3A_72 = arith.constant 0 : i32
        %dma_start3A_73 = tpu.memref_slice %arg15[%dma_start3A_71, %dma_start3A_72] : memref<10240x16xf32, #tpu.memory_space<vmem_shared>> -> memref<10240x16xf32, #tpu.memory_space<vmem_shared>>
        tpu.enqueue_indirect_dma source(%arg12 : memref<125x16xf32, #tpu.memory_space<vmem>>) target(%dma_start3A_73 : memref<10240x16xf32, #tpu.memory_space<vmem_shared>>) offsets(%dma_start3A_70 : memref<125xi32, #tpu.memory_space<vmem>>) semaphore(%run_scoped3A : memref<!tpu.dma_semaphore, #tpu.memory_space<semaphore_mem>>) {add = true}
        %dma_wait3A_74 = arith.constant 0 : i32
        %dma_wait3A_75 = tpu.memref_slice %arg10[%add3A_39, %dma_wait3A_74] : memref<80x125xi32, #tpu.memory_space<vmem>> -> memref<1x125xi32, #tpu.memory_space<vmem>>
        %dma_wait3A_76 = tpu.memref_squeeze %dma_wait3A_75 : memref<1x125xi32, #tpu.memory_space<vmem>> -> memref<125xi32, #tpu.memory_space<vmem>>
        %dma_wait3A_77 = arith.constant 0 : i32
        %dma_wait3A_78 = arith.constant 0 : i32
        %dma_wait3A_79 = tpu.memref_slice %arg15[%dma_wait3A_77, %dma_wait3A_78] : memref<10240x16xf32, #tpu.memory_space<vmem_shared>> -> memref<10240x16xf32, #tpu.memory_space<vmem_shared>>
        tpu.wait_indirect_dma semaphore(%run_scoped3A : memref<!tpu.dma_semaphore, #tpu.memory_space<semaphore_mem>>) src(%arg12 : memref<125x16xf32, #tpu.memory_space<vmem>>) dst(%dma_wait3A_79 : memref<10240x16xf32, #tpu.memory_space<vmem_shared>>)
        tpu.yield
      }) : () -> ()
      %mul3A_40 = arith.constant 8 : i32
      %mul3A_41 = arith.muli %add3A_30, %mul3A_40 : i32
      %add3A_42 = arith.constant 1 : i32
      %add3A_43 = arith.addi %mul3A_41, %add3A_42 : i32
      "tpu.region"() ({
        %run_scoped3A = tpu.sem_alloc : memref<!tpu.dma_semaphore, #tpu.memory_space<semaphore_mem>>
        %dma_start3A_68 = arith.constant 125 : i32
        %dma_start3A_69 = arith.constant 0 : i32
        %dma_start3A_70 = tpu.memref_slice %arg11[%dma_start3A_68, %dma_start3A_69] : memref<1000x16xf32, #tpu.memory_space<vmem>> -> memref<125x16xf32, #tpu.memory_space<vmem>>
        %dma_start3A_71 = arith.constant 0 : i32
        %dma_start3A_72 = tpu.memref_slice %arg9[%add3A_43, %dma_start3A_71] : memref<80x125xi32, #tpu.memory_space<vmem>> -> memref<1x125xi32, #tpu.memory_space<vmem>>
        %dma_start3A_73 = tpu.memref_squeeze %dma_start3A_72 : memref<1x125xi32, #tpu.memory_space<vmem>> -> memref<125xi32, #tpu.memory_space<vmem>>
        %dma_start3A_74 = arith.constant 0 : i32
        %dma_start3A_75 = arith.constant 0 : i32
        %dma_start3A_76 = tpu.memref_slice %arg14[%dma_start3A_74, %dma_start3A_75] : memref<10240x16xf32, #tpu.memory_space<vmem_shared>> -> memref<10240x16xf32, #tpu.memory_space<vmem_shared>>
        tpu.enqueue_indirect_dma source(%dma_start3A_70 : memref<125x16xf32, #tpu.memory_space<vmem>>) target(%dma_start3A_76 : memref<10240x16xf32, #tpu.memory_space<vmem_shared>>) offsets(%dma_start3A_73 : memref<125xi32, #tpu.memory_space<vmem>>) semaphore(%run_scoped3A : memref<!tpu.dma_semaphore, #tpu.memory_space<semaphore_mem>>) {add = true}
        %dma_wait3A_77 = arith.constant 125 : i32
        %dma_wait3A_78 = arith.constant 0 : i32
        %dma_wait3A_79 = tpu.memref_slice %arg11[%dma_wait3A_77, %dma_wait3A_78] : memref<1000x16xf32, #tpu.memory_space<vmem>> -> memref<125x16xf32, #tpu.memory_space<vmem>>
        %dma_wait3A_80 = arith.constant 0 : i32
        %dma_wait3A_81 = tpu.memref_slice %arg9[%add3A_43, %dma_wait3A_80] : memref<80x125xi32, #tpu.memory_space<vmem>> -> memref<1x125xi32, #tpu.memory_space<vmem>>
        %dma_wait3A_82 = tpu.memref_squeeze %dma_wait3A_81 : memref<1x125xi32, #tpu.memory_space<vmem>> -> memref<125xi32, #tpu.memory_space<vmem>>
        %dma_wait3A_83 = arith.constant 0 : i32
        %dma_wait3A_84 = arith.constant 0 : i32
        %dma_wait3A_85 = tpu.memref_slice %arg14[%dma_wait3A_83, %dma_wait3A_84] : memref<10240x16xf32, #tpu.memory_space<vmem_shared>> -> memref<10240x16xf32, #tpu.memory_space<vmem_shared>>
        tpu.wait_indirect_dma semaphore(%run_scoped3A : memref<!tpu.dma_semaphore, #tpu.memory_space<semaphore_mem>>) src(%dma_wait3A_79 : memref<125x16xf32, #tpu.memory_space<vmem>>) dst(%dma_wait3A_85 : memref<10240x16xf32, #tpu.memory_space<vmem_shared>>)
        tpu.yield
      }) : () -> ()
      "tpu.region"() ({
        %run_scoped3A = tpu.sem_alloc : memref<!tpu.dma_semaphore, #tpu.memory_space<semaphore_mem>>
        %dma_start3A_68 = arith.constant 125 : i32
        %dma_start3A_69 = arith.constant 0 : i32
        %dma_start3A_70 = tpu.memref_slice %arg11[%dma_start3A_68, %dma_start3A_69] : memref<1000x16xf32, #tpu.memory_space<vmem>> -> memref<125x16xf32, #tpu.memory_space<vmem>>
        %dma_start3A_71 = arith.constant 0 : i32
        %dma_start3A_72 = tpu.memref_slice %arg10[%add3A_43, %dma_start3A_71] : memref<80x125xi32, #tpu.memory_space<vmem>> -> memref<1x125xi32, #tpu.memory_space<vmem>>
        %dma_start3A_73 = tpu.memref_squeeze %dma_start3A_72 : memref<1x125xi32, #tpu.memory_space<vmem>> -> memref<125xi32, #tpu.memory_space<vmem>>
        %dma_start3A_74 = arith.constant 0 : i32
        %dma_start3A_75 = arith.constant 0 : i32
        %dma_start3A_76 = tpu.memref_slice %arg14[%dma_start3A_74, %dma_start3A_75] : memref<10240x16xf32, #tpu.memory_space<vmem_shared>> -> memref<10240x16xf32, #tpu.memory_space<vmem_shared>>
        tpu.enqueue_indirect_dma source(%dma_start3A_70 : memref<125x16xf32, #tpu.memory_space<vmem>>) target(%dma_start3A_76 : memref<10240x16xf32, #tpu.memory_space<vmem_shared>>) offsets(%dma_start3A_73 : memref<125xi32, #tpu.memory_space<vmem>>) semaphore(%run_scoped3A : memref<!tpu.dma_semaphore, #tpu.memory_space<semaphore_mem>>) {add = true}
        %dma_wait3A_77 = arith.constant 125 : i32
        %dma_wait3A_78 = arith.constant 0 : i32
        %dma_wait3A_79 = tpu.memref_slice %arg11[%dma_wait3A_77, %dma_wait3A_78] : memref<1000x16xf32, #tpu.memory_space<vmem>> -> memref<125x16xf32, #tpu.memory_space<vmem>>
        %dma_wait3A_80 = arith.constant 0 : i32
        %dma_wait3A_81 = tpu.memref_slice %arg10[%add3A_43, %dma_wait3A_80] : memref<80x125xi32, #tpu.memory_space<vmem>> -> memref<1x125xi32, #tpu.memory_space<vmem>>
        %dma_wait3A_82 = tpu.memref_squeeze %dma_wait3A_81 : memref<1x125xi32, #tpu.memory_space<vmem>> -> memref<125xi32, #tpu.memory_space<vmem>>
        %dma_wait3A_83 = arith.constant 0 : i32
        %dma_wait3A_84 = arith.constant 0 : i32
        %dma_wait3A_85 = tpu.memref_slice %arg14[%dma_wait3A_83, %dma_wait3A_84] : memref<10240x16xf32, #tpu.memory_space<vmem_shared>> -> memref<10240x16xf32, #tpu.memory_space<vmem_shared>>
        tpu.wait_indirect_dma semaphore(%run_scoped3A : memref<!tpu.dma_semaphore, #tpu.memory_space<semaphore_mem>>) src(%dma_wait3A_79 : memref<125x16xf32, #tpu.memory_space<vmem>>) dst(%dma_wait3A_85 : memref<10240x16xf32, #tpu.memory_space<vmem_shared>>)
        tpu.yield
      }) : () -> ()
      "tpu.region"() ({
        %run_scoped3A = tpu.sem_alloc : memref<!tpu.dma_semaphore, #tpu.memory_space<semaphore_mem>>
        %dma_start3A_68 = arith.constant 0 : i32
        %dma_start3A_69 = tpu.memref_slice %arg9[%add3A_43, %dma_start3A_68] : memref<80x125xi32, #tpu.memory_space<vmem>> -> memref<1x125xi32, #tpu.memory_space<vmem>>
        %dma_start3A_70 = tpu.memref_squeeze %dma_start3A_69 : memref<1x125xi32, #tpu.memory_space<vmem>> -> memref<125xi32, #tpu.memory_space<vmem>>
        %dma_start3A_71 = arith.constant 0 : i32
        %dma_start3A_72 = arith.constant 0 : i32
        %dma_start3A_73 = tpu.memref_slice %arg15[%dma_start3A_71, %dma_start3A_72] : memref<10240x16xf32, #tpu.memory_space<vmem_shared>> -> memref<10240x16xf32, #tpu.memory_space<vmem_shared>>
        tpu.enqueue_indirect_dma source(%arg12 : memref<125x16xf32, #tpu.memory_space<vmem>>) target(%dma_start3A_73 : memref<10240x16xf32, #tpu.memory_space<vmem_shared>>) offsets(%dma_start3A_70 : memref<125xi32, #tpu.memory_space<vmem>>) semaphore(%run_scoped3A : memref<!tpu.dma_semaphore, #tpu.memory_space<semaphore_mem>>) {add = true}
        %dma_wait3A_74 = arith.constant 0 : i32
        %dma_wait3A_75 = tpu.memref_slice %arg9[%add3A_43, %dma_wait3A_74] : memref<80x125xi32, #tpu.memory_space<vmem>> -> memref<1x125xi32, #tpu.memory_space<vmem>>
        %dma_wait3A_76 = tpu.memref_squeeze %dma_wait3A_75 : memref<1x125xi32, #tpu.memory_space<vmem>> -> memref<125xi32, #tpu.memory_space<vmem>>
        %dma_wait3A_77 = arith.constant 0 : i32
        %dma_wait3A_78 = arith.constant 0 : i32
        %dma_wait3A_79 = tpu.memref_slice %arg15[%dma_wait3A_77, %dma_wait3A_78] : memref<10240x16xf32, #tpu.memory_space<vmem_shared>> -> memref<10240x16xf32, #tpu.memory_space<vmem_shared>>
        tpu.wait_indirect_dma semaphore(%run_scoped3A : memref<!tpu.dma_semaphore, #tpu.memory_space<semaphore_mem>>) src(%arg12 : memref<125x16xf32, #tpu.memory_space<vmem>>) dst(%dma_wait3A_79 : memref<10240x16xf32, #tpu.memory_space<vmem_shared>>)
        tpu.yield
      }) : () -> ()
      "tpu.region"() ({
        %run_scoped3A = tpu.sem_alloc : memref<!tpu.dma_semaphore, #tpu.memory_space<semaphore_mem>>
        %dma_start3A_68 = arith.constant 0 : i32
        %dma_start3A_69 = tpu.memref_slice %arg10[%add3A_43, %dma_start3A_68] : memref<80x125xi32, #tpu.memory_space<vmem>> -> memref<1x125xi32, #tpu.memory_space<vmem>>
        %dma_start3A_70 = tpu.memref_squeeze %dma_start3A_69 : memref<1x125xi32, #tpu.memory_space<vmem>> -> memref<125xi32, #tpu.memory_space<vmem>>
        %dma_start3A_71 = arith.constant 0 : i32
        %dma_start3A_72 = arith.constant 0 : i32
        %dma_start3A_73 = tpu.memref_slice %arg15[%dma_start3A_71, %dma_start3A_72] : memref<10240x16xf32, #tpu.memory_space<vmem_shared>> -> memref<10240x16xf32, #tpu.memory_space<vmem_shared>>
        tpu.enqueue_indirect_dma source(%arg12 : memref<125x16xf32, #tpu.memory_space<vmem>>) target(%dma_start3A_73 : memref<10240x16xf32, #tpu.memory_space<vmem_shared>>) offsets(%dma_start3A_70 : memref<125xi32, #tpu.memory_space<vmem>>) semaphore(%run_scoped3A : memref<!tpu.dma_semaphore, #tpu.memory_space<semaphore_mem>>) {add = true}
        %dma_wait3A_74 = arith.constant 0 : i32
        %dma_wait3A_75 = tpu.memref_slice %arg10[%add3A_43, %dma_wait3A_74] : memref<80x125xi32, #tpu.memory_space<vmem>> -> memref<1x125xi32, #tpu.memory_space<vmem>>
        %dma_wait3A_76 = tpu.memref_squeeze %dma_wait3A_75 : memref<1x125xi32, #tpu.memory_space<vmem>> -> memref<125xi32, #tpu.memory_space<vmem>>
        %dma_wait3A_77 = arith.constant 0 : i32
        %dma_wait3A_78 = arith.constant 0 : i32
        %dma_wait3A_79 = tpu.memref_slice %arg15[%dma_wait3A_77, %dma_wait3A_78] : memref<10240x16xf32, #tpu.memory_space<vmem_shared>> -> memref<10240x16xf32, #tpu.memory_space<vmem_shared>>
        tpu.wait_indirect_dma semaphore(%run_scoped3A : memref<!tpu.dma_semaphore, #tpu.memory_space<semaphore_mem>>) src(%arg12 : memref<125x16xf32, #tpu.memory_space<vmem>>) dst(%dma_wait3A_79 : memref<10240x16xf32, #tpu.memory_space<vmem_shared>>)
        tpu.yield
      }) : () -> ()
      %mul3A_44 = arith.constant 8 : i32
      %mul3A_45 = arith.muli %add3A_30, %mul3A_44 : i32
      %add3A_46 = arith.constant 2 : i32
      %add3A_47 = arith.addi %mul3A_45, %add3A_46 : i32
      "tpu.region"() ({
        %run_scoped3A = tpu.sem_alloc : memref<!tpu.dma_semaphore, #tpu.memory_space<semaphore_mem>>
        %dma_start3A_68 = arith.constant 250 : i32
        %dma_start3A_69 = arith.constant 0 : i32
        %dma_start3A_70 = tpu.memref_slice %arg11[%dma_start3A_68, %dma_start3A_69] : memref<1000x16xf32, #tpu.memory_space<vmem>> -> memref<125x16xf32, #tpu.memory_space<vmem>>
        %dma_start3A_71 = arith.constant 0 : i32
        %dma_start3A_72 = tpu.memref_slice %arg9[%add3A_47, %dma_start3A_71] : memref<80x125xi32, #tpu.memory_space<vmem>> -> memref<1x125xi32, #tpu.memory_space<vmem>>
        %dma_start3A_73 = tpu.memref_squeeze %dma_start3A_72 : memref<1x125xi32, #tpu.memory_space<vmem>> -> memref<125xi32, #tpu.memory_space<vmem>>
        %dma_start3A_74 = arith.constant 0 : i32
        %dma_start3A_75 = arith.constant 0 : i32
        %dma_start3A_76 = tpu.memref_slice %arg14[%dma_start3A_74, %dma_start3A_75] : memref<10240x16xf32, #tpu.memory_space<vmem_shared>> -> memref<10240x16xf32, #tpu.memory_space<vmem_shared>>
        tpu.enqueue_indirect_dma source(%dma_start3A_70 : memref<125x16xf32, #tpu.memory_space<vmem>>) target(%dma_start3A_76 : memref<10240x16xf32, #tpu.memory_space<vmem_shared>>) offsets(%dma_start3A_73 : memref<125xi32, #tpu.memory_space<vmem>>) semaphore(%run_scoped3A : memref<!tpu.dma_semaphore, #tpu.memory_space<semaphore_mem>>) {add = true}
        %dma_wait3A_77 = arith.constant 250 : i32
        %dma_wait3A_78 = arith.constant 0 : i32
        %dma_wait3A_79 = tpu.memref_slice %arg11[%dma_wait3A_77, %dma_wait3A_78] : memref<1000x16xf32, #tpu.memory_space<vmem>> -> memref<125x16xf32, #tpu.memory_space<vmem>>
        %dma_wait3A_80 = arith.constant 0 : i32
        %dma_wait3A_81 = tpu.memref_slice %arg9[%add3A_47, %dma_wait3A_80] : memref<80x125xi32, #tpu.memory_space<vmem>> -> memref<1x125xi32, #tpu.memory_space<vmem>>
        %dma_wait3A_82 = tpu.memref_squeeze %dma_wait3A_81 : memref<1x125xi32, #tpu.memory_space<vmem>> -> memref<125xi32, #tpu.memory_space<vmem>>
        %dma_wait3A_83 = arith.constant 0 : i32
        %dma_wait3A_84 = arith.constant 0 : i32
        %dma_wait3A_85 = tpu.memref_slice %arg14[%dma_wait3A_83, %dma_wait3A_84] : memref<10240x16xf32, #tpu.memory_space<vmem_shared>> -> memref<10240x16xf32, #tpu.memory_space<vmem_shared>>
        tpu.wait_indirect_dma semaphore(%run_scoped3A : memref<!tpu.dma_semaphore, #tpu.memory_space<semaphore_mem>>) src(%dma_wait3A_79 : memref<125x16xf32, #tpu.memory_space<vmem>>) dst(%dma_wait3A_85 : memref<10240x16xf32, #tpu.memory_space<vmem_shared>>)
        tpu.yield
      }) : () -> ()
      "tpu.region"() ({
        %run_scoped3A = tpu.sem_alloc : memref<!tpu.dma_semaphore, #tpu.memory_space<semaphore_mem>>
        %dma_start3A_68 = arith.constant 250 : i32
        %dma_start3A_69 = arith.constant 0 : i32
        %dma_start3A_70 = tpu.memref_slice %arg11[%dma_start3A_68, %dma_start3A_69] : memref<1000x16xf32, #tpu.memory_space<vmem>> -> memref<125x16xf32, #tpu.memory_space<vmem>>
        %dma_start3A_71 = arith.constant 0 : i32
        %dma_start3A_72 = tpu.memref_slice %arg10[%add3A_47, %dma_start3A_71] : memref<80x125xi32, #tpu.memory_space<vmem>> -> memref<1x125xi32, #tpu.memory_space<vmem>>
        %dma_start3A_73 = tpu.memref_squeeze %dma_start3A_72 : memref<1x125xi32, #tpu.memory_space<vmem>> -> memref<125xi32, #tpu.memory_space<vmem>>
        %dma_start3A_74 = arith.constant 0 : i32
        %dma_start3A_75 = arith.constant 0 : i32
        %dma_start3A_76 = tpu.memref_slice %arg14[%dma_start3A_74, %dma_start3A_75] : memref<10240x16xf32, #tpu.memory_space<vmem_shared>> -> memref<10240x16xf32, #tpu.memory_space<vmem_shared>>
        tpu.enqueue_indirect_dma source(%dma_start3A_70 : memref<125x16xf32, #tpu.memory_space<vmem>>) target(%dma_start3A_76 : memref<10240x16xf32, #tpu.memory_space<vmem_shared>>) offsets(%dma_start3A_73 : memref<125xi32, #tpu.memory_space<vmem>>) semaphore(%run_scoped3A : memref<!tpu.dma_semaphore, #tpu.memory_space<semaphore_mem>>) {add = true}
        %dma_wait3A_77 = arith.constant 250 : i32
        %dma_wait3A_78 = arith.constant 0 : i32
        %dma_wait3A_79 = tpu.memref_slice %arg11[%dma_wait3A_77, %dma_wait3A_78] : memref<1000x16xf32, #tpu.memory_space<vmem>> -> memref<125x16xf32, #tpu.memory_space<vmem>>
        %dma_wait3A_80 = arith.constant 0 : i32
        %dma_wait3A_81 = tpu.memref_slice %arg10[%add3A_47, %dma_wait3A_80] : memref<80x125xi32, #tpu.memory_space<vmem>> -> memref<1x125xi32, #tpu.memory_space<vmem>>
        %dma_wait3A_82 = tpu.memref_squeeze %dma_wait3A_81 : memref<1x125xi32, #tpu.memory_space<vmem>> -> memref<125xi32, #tpu.memory_space<vmem>>
        %dma_wait3A_83 = arith.constant 0 : i32
        %dma_wait3A_84 = arith.constant 0 : i32
        %dma_wait3A_85 = tpu.memref_slice %arg14[%dma_wait3A_83, %dma_wait3A_84] : memref<10240x16xf32, #tpu.memory_space<vmem_shared>> -> memref<10240x16xf32, #tpu.memory_space<vmem_shared>>
        tpu.wait_indirect_dma semaphore(%run_scoped3A : memref<!tpu.dma_semaphore, #tpu.memory_space<semaphore_mem>>) src(%dma_wait3A_79 : memref<125x16xf32, #tpu.memory_space<vmem>>) dst(%dma_wait3A_85 : memref<10240x16xf32, #tpu.memory_space<vmem_shared>>)
        tpu.yield
      }) : () -> ()
      "tpu.region"() ({
        %run_scoped3A = tpu.sem_alloc : memref<!tpu.dma_semaphore, #tpu.memory_space<semaphore_mem>>
        %dma_start3A_68 = arith.constant 0 : i32
        %dma_start3A_69 = tpu.memref_slice %arg9[%add3A_47, %dma_start3A_68] : memref<80x125xi32, #tpu.memory_space<vmem>> -> memref<1x125xi32, #tpu.memory_space<vmem>>
        %dma_start3A_70 = tpu.memref_squeeze %dma_start3A_69 : memref<1x125xi32, #tpu.memory_space<vmem>> -> memref<125xi32, #tpu.memory_space<vmem>>
        %dma_start3A_71 = arith.constant 0 : i32
        %dma_start3A_72 = arith.constant 0 : i32
        %dma_start3A_73 = tpu.memref_slice %arg15[%dma_start3A_71, %dma_start3A_72] : memref<10240x16xf32, #tpu.memory_space<vmem_shared>> -> memref<10240x16xf32, #tpu.memory_space<vmem_shared>>
        tpu.enqueue_indirect_dma source(%arg12 : memref<125x16xf32, #tpu.memory_space<vmem>>) target(%dma_start3A_73 : memref<10240x16xf32, #tpu.memory_space<vmem_shared>>) offsets(%dma_start3A_70 : memref<125xi32, #tpu.memory_space<vmem>>) semaphore(%run_scoped3A : memref<!tpu.dma_semaphore, #tpu.memory_space<semaphore_mem>>) {add = true}
        %dma_wait3A_74 = arith.constant 0 : i32
        %dma_wait3A_75 = tpu.memref_slice %arg9[%add3A_47, %dma_wait3A_74] : memref<80x125xi32, #tpu.memory_space<vmem>> -> memref<1x125xi32, #tpu.memory_space<vmem>>
        %dma_wait3A_76 = tpu.memref_squeeze %dma_wait3A_75 : memref<1x125xi32, #tpu.memory_space<vmem>> -> memref<125xi32, #tpu.memory_space<vmem>>
        %dma_wait3A_77 = arith.constant 0 : i32
        %dma_wait3A_78 = arith.constant 0 : i32
        %dma_wait3A_79 = tpu.memref_slice %arg15[%dma_wait3A_77, %dma_wait3A_78] : memref<10240x16xf32, #tpu.memory_space<vmem_shared>> -> memref<10240x16xf32, #tpu.memory_space<vmem_shared>>
        tpu.wait_indirect_dma semaphore(%run_scoped3A : memref<!tpu.dma_semaphore, #tpu.memory_space<semaphore_mem>>) src(%arg12 : memref<125x16xf32, #tpu.memory_space<vmem>>) dst(%dma_wait3A_79 : memref<10240x16xf32, #tpu.memory_space<vmem_shared>>)
        tpu.yield
      }) : () -> ()
      "tpu.region"() ({
        %run_scoped3A = tpu.sem_alloc : memref<!tpu.dma_semaphore, #tpu.memory_space<semaphore_mem>>
        %dma_start3A_68 = arith.constant 0 : i32
        %dma_start3A_69 = tpu.memref_slice %arg10[%add3A_47, %dma_start3A_68] : memref<80x125xi32, #tpu.memory_space<vmem>> -> memref<1x125xi32, #tpu.memory_space<vmem>>
        %dma_start3A_70 = tpu.memref_squeeze %dma_start3A_69 : memref<1x125xi32, #tpu.memory_space<vmem>> -> memref<125xi32, #tpu.memory_space<vmem>>
        %dma_start3A_71 = arith.constant 0 : i32
        %dma_start3A_72 = arith.constant 0 : i32
        %dma_start3A_73 = tpu.memref_slice %arg15[%dma_start3A_71, %dma_start3A_72] : memref<10240x16xf32, #tpu.memory_space<vmem_shared>> -> memref<10240x16xf32, #tpu.memory_space<vmem_shared>>
        tpu.enqueue_indirect_dma source(%arg12 : memref<125x16xf32, #tpu.memory_space<vmem>>) target(%dma_start3A_73 : memref<10240x16xf32, #tpu.memory_space<vmem_shared>>) offsets(%dma_start3A_70 : memref<125xi32, #tpu.memory_space<vmem>>) semaphore(%run_scoped3A : memref<!tpu.dma_semaphore, #tpu.memory_space<semaphore_mem>>) {add = true}
        %dma_wait3A_74 = arith.constant 0 : i32
        %dma_wait3A_75 = tpu.memref_slice %arg10[%add3A_47, %dma_wait3A_74] : memref<80x125xi32, #tpu.memory_space<vmem>> -> memref<1x125xi32, #tpu.memory_space<vmem>>
        %dma_wait3A_76 = tpu.memref_squeeze %dma_wait3A_75 : memref<1x125xi32, #tpu.memory_space<vmem>> -> memref<125xi32, #tpu.memory_space<vmem>>
        %dma_wait3A_77 = arith.constant 0 : i32
        %dma_wait3A_78 = arith.constant 0 : i32
        %dma_wait3A_79 = tpu.memref_slice %arg15[%dma_wait3A_77, %dma_wait3A_78] : memref<10240x16xf32, #tpu.memory_space<vmem_shared>> -> memref<10240x16xf32, #tpu.memory_space<vmem_shared>>
        tpu.wait_indirect_dma semaphore(%run_scoped3A : memref<!tpu.dma_semaphore, #tpu.memory_space<semaphore_mem>>) src(%arg12 : memref<125x16xf32, #tpu.memory_space<vmem>>) dst(%dma_wait3A_79 : memref<10240x16xf32, #tpu.memory_space<vmem_shared>>)
        tpu.yield
      }) : () -> ()
      %mul3A_48 = arith.constant 8 : i32
      %mul3A_49 = arith.muli %add3A_30, %mul3A_48 : i32
      %add3A_50 = arith.constant 3 : i32
      %add3A_51 = arith.addi %mul3A_49, %add3A_50 : i32
      "tpu.region"() ({
        %run_scoped3A = tpu.sem_alloc : memref<!tpu.dma_semaphore, #tpu.memory_space<semaphore_mem>>
        %dma_start3A_68 = arith.constant 375 : i32
        %dma_start3A_69 = arith.constant 0 : i32
        %dma_start3A_70 = tpu.memref_slice %arg11[%dma_start3A_68, %dma_start3A_69] : memref<1000x16xf32, #tpu.memory_space<vmem>> -> memref<125x16xf32, #tpu.memory_space<vmem>>
        %dma_start3A_71 = arith.constant 0 : i32
        %dma_start3A_72 = tpu.memref_slice %arg9[%add3A_51, %dma_start3A_71] : memref<80x125xi32, #tpu.memory_space<vmem>> -> memref<1x125xi32, #tpu.memory_space<vmem>>
        %dma_start3A_73 = tpu.memref_squeeze %dma_start3A_72 : memref<1x125xi32, #tpu.memory_space<vmem>> -> memref<125xi32, #tpu.memory_space<vmem>>
        %dma_start3A_74 = arith.constant 0 : i32
        %dma_start3A_75 = arith.constant 0 : i32
        %dma_start3A_76 = tpu.memref_slice %arg14[%dma_start3A_74, %dma_start3A_75] : memref<10240x16xf32, #tpu.memory_space<vmem_shared>> -> memref<10240x16xf32, #tpu.memory_space<vmem_shared>>
        tpu.enqueue_indirect_dma source(%dma_start3A_70 : memref<125x16xf32, #tpu.memory_space<vmem>>) target(%dma_start3A_76 : memref<10240x16xf32, #tpu.memory_space<vmem_shared>>) offsets(%dma_start3A_73 : memref<125xi32, #tpu.memory_space<vmem>>) semaphore(%run_scoped3A : memref<!tpu.dma_semaphore, #tpu.memory_space<semaphore_mem>>) {add = true}
        %dma_wait3A_77 = arith.constant 375 : i32
        %dma_wait3A_78 = arith.constant 0 : i32
        %dma_wait3A_79 = tpu.memref_slice %arg11[%dma_wait3A_77, %dma_wait3A_78] : memref<1000x16xf32, #tpu.memory_space<vmem>> -> memref<125x16xf32, #tpu.memory_space<vmem>>
        %dma_wait3A_80 = arith.constant 0 : i32
        %dma_wait3A_81 = tpu.memref_slice %arg9[%add3A_51, %dma_wait3A_80] : memref<80x125xi32, #tpu.memory_space<vmem>> -> memref<1x125xi32, #tpu.memory_space<vmem>>
        %dma_wait3A_82 = tpu.memref_squeeze %dma_wait3A_81 : memref<1x125xi32, #tpu.memory_space<vmem>> -> memref<125xi32, #tpu.memory_space<vmem>>
        %dma_wait3A_83 = arith.constant 0 : i32
        %dma_wait3A_84 = arith.constant 0 : i32
        %dma_wait3A_85 = tpu.memref_slice %arg14[%dma_wait3A_83, %dma_wait3A_84] : memref<10240x16xf32, #tpu.memory_space<vmem_shared>> -> memref<10240x16xf32, #tpu.memory_space<vmem_shared>>
        tpu.wait_indirect_dma semaphore(%run_scoped3A : memref<!tpu.dma_semaphore, #tpu.memory_space<semaphore_mem>>) src(%dma_wait3A_79 : memref<125x16xf32, #tpu.memory_space<vmem>>) dst(%dma_wait3A_85 : memref<10240x16xf32, #tpu.memory_space<vmem_shared>>)
        tpu.yield
      }) : () -> ()
      "tpu.region"() ({
        %run_scoped3A = tpu.sem_alloc : memref<!tpu.dma_semaphore, #tpu.memory_space<semaphore_mem>>
        %dma_start3A_68 = arith.constant 375 : i32
        %dma_start3A_69 = arith.constant 0 : i32
        %dma_start3A_70 = tpu.memref_slice %arg11[%dma_start3A_68, %dma_start3A_69] : memref<1000x16xf32, #tpu.memory_space<vmem>> -> memref<125x16xf32, #tpu.memory_space<vmem>>
        %dma_start3A_71 = arith.constant 0 : i32
        %dma_start3A_72 = tpu.memref_slice %arg10[%add3A_51, %dma_start3A_71] : memref<80x125xi32, #tpu.memory_space<vmem>> -> memref<1x125xi32, #tpu.memory_space<vmem>>
        %dma_start3A_73 = tpu.memref_squeeze %dma_start3A_72 : memref<1x125xi32, #tpu.memory_space<vmem>> -> memref<125xi32, #tpu.memory_space<vmem>>
        %dma_start3A_74 = arith.constant 0 : i32
        %dma_start3A_75 = arith.constant 0 : i32
        %dma_start3A_76 = tpu.memref_slice %arg14[%dma_start3A_74, %dma_start3A_75] : memref<10240x16xf32, #tpu.memory_space<vmem_shared>> -> memref<10240x16xf32, #tpu.memory_space<vmem_shared>>
        tpu.enqueue_indirect_dma source(%dma_start3A_70 : memref<125x16xf32, #tpu.memory_space<vmem>>) target(%dma_start3A_76 : memref<10240x16xf32, #tpu.memory_space<vmem_shared>>) offsets(%dma_start3A_73 : memref<125xi32, #tpu.memory_space<vmem>>) semaphore(%run_scoped3A : memref<!tpu.dma_semaphore, #tpu.memory_space<semaphore_mem>>) {add = true}
        %dma_wait3A_77 = arith.constant 375 : i32
        %dma_wait3A_78 = arith.constant 0 : i32
        %dma_wait3A_79 = tpu.memref_slice %arg11[%dma_wait3A_77, %dma_wait3A_78] : memref<1000x16xf32, #tpu.memory_space<vmem>> -> memref<125x16xf32, #tpu.memory_space<vmem>>
        %dma_wait3A_80 = arith.constant 0 : i32
        %dma_wait3A_81 = tpu.memref_slice %arg10[%add3A_51, %dma_wait3A_80] : memref<80x125xi32, #tpu.memory_space<vmem>> -> memref<1x125xi32, #tpu.memory_space<vmem>>
        %dma_wait3A_82 = tpu.memref_squeeze %dma_wait3A_81 : memref<1x125xi32, #tpu.memory_space<vmem>> -> memref<125xi32, #tpu.memory_space<vmem>>
        %dma_wait3A_83 = arith.constant 0 : i32
        %dma_wait3A_84 = arith.constant 0 : i32
        %dma_wait3A_85 = tpu.memref_slice %arg14[%dma_wait3A_83, %dma_wait3A_84] : memref<10240x16xf32, #tpu.memory_space<vmem_shared>> -> memref<10240x16xf32, #tpu.memory_space<vmem_shared>>
        tpu.wait_indirect_dma semaphore(%run_scoped3A : memref<!tpu.dma_semaphore, #tpu.memory_space<semaphore_mem>>) src(%dma_wait3A_79 : memref<125x16xf32, #tpu.memory_space<vmem>>) dst(%dma_wait3A_85 : memref<10240x16xf32, #tpu.memory_space<vmem_shared>>)
        tpu.yield
      }) : () -> ()
      "tpu.region"() ({
        %run_scoped3A = tpu.sem_alloc : memref<!tpu.dma_semaphore, #tpu.memory_space<semaphore_mem>>
        %dma_start3A_68 = arith.constant 0 : i32
        %dma_start3A_69 = tpu.memref_slice %arg9[%add3A_51, %dma_start3A_68] : memref<80x125xi32, #tpu.memory_space<vmem>> -> memref<1x125xi32, #tpu.memory_space<vmem>>
        %dma_start3A_70 = tpu.memref_squeeze %dma_start3A_69 : memref<1x125xi32, #tpu.memory_space<vmem>> -> memref<125xi32, #tpu.memory_space<vmem>>
        %dma_start3A_71 = arith.constant 0 : i32
        %dma_start3A_72 = arith.constant 0 : i32
        %dma_start3A_73 = tpu.memref_slice %arg15[%dma_start3A_71, %dma_start3A_72] : memref<10240x16xf32, #tpu.memory_space<vmem_shared>> -> memref<10240x16xf32, #tpu.memory_space<vmem_shared>>
        tpu.enqueue_indirect_dma source(%arg12 : memref<125x16xf32, #tpu.memory_space<vmem>>) target(%dma_start3A_73 : memref<10240x16xf32, #tpu.memory_space<vmem_shared>>) offsets(%dma_start3A_70 : memref<125xi32, #tpu.memory_space<vmem>>) semaphore(%run_scoped3A : memref<!tpu.dma_semaphore, #tpu.memory_space<semaphore_mem>>) {add = true}
        %dma_wait3A_74 = arith.constant 0 : i32
        %dma_wait3A_75 = tpu.memref_slice %arg9[%add3A_51, %dma_wait3A_74] : memref<80x125xi32, #tpu.memory_space<vmem>> -> memref<1x125xi32, #tpu.memory_space<vmem>>
        %dma_wait3A_76 = tpu.memref_squeeze %dma_wait3A_75 : memref<1x125xi32, #tpu.memory_space<vmem>> -> memref<125xi32, #tpu.memory_space<vmem>>
        %dma_wait3A_77 = arith.constant 0 : i32
        %dma_wait3A_78 = arith.constant 0 : i32
        %dma_wait3A_79 = tpu.memref_slice %arg15[%dma_wait3A_77, %dma_wait3A_78] : memref<10240x16xf32, #tpu.memory_space<vmem_shared>> -> memref<10240x16xf32, #tpu.memory_space<vmem_shared>>
        tpu.wait_indirect_dma semaphore(%run_scoped3A : memref<!tpu.dma_semaphore, #tpu.memory_space<semaphore_mem>>) src(%arg12 : memref<125x16xf32, #tpu.memory_space<vmem>>) dst(%dma_wait3A_79 : memref<10240x16xf32, #tpu.memory_space<vmem_shared>>)
        tpu.yield
      }) : () -> ()
      "tpu.region"() ({
        %run_scoped3A = tpu.sem_alloc : memref<!tpu.dma_semaphore, #tpu.memory_space<semaphore_mem>>
        %dma_start3A_68 = arith.constant 0 : i32
        %dma_start3A_69 = tpu.memref_slice %arg10[%add3A_51, %dma_start3A_68] : memref<80x125xi32, #tpu.memory_space<vmem>> -> memref<1x125xi32, #tpu.memory_space<vmem>>
        %dma_start3A_70 = tpu.memref_squeeze %dma_start3A_69 : memref<1x125xi32, #tpu.memory_space<vmem>> -> memref<125xi32, #tpu.memory_space<vmem>>
        %dma_start3A_71 = arith.constant 0 : i32
        %dma_start3A_72 = arith.constant 0 : i32
        %dma_start3A_73 = tpu.memref_slice %arg15[%dma_start3A_71, %dma_start3A_72] : memref<10240x16xf32, #tpu.memory_space<vmem_shared>> -> memref<10240x16xf32, #tpu.memory_space<vmem_shared>>
        tpu.enqueue_indirect_dma source(%arg12 : memref<125x16xf32, #tpu.memory_space<vmem>>) target(%dma_start3A_73 : memref<10240x16xf32, #tpu.memory_space<vmem_shared>>) offsets(%dma_start3A_70 : memref<125xi32, #tpu.memory_space<vmem>>) semaphore(%run_scoped3A : memref<!tpu.dma_semaphore, #tpu.memory_space<semaphore_mem>>) {add = true}
        %dma_wait3A_74 = arith.constant 0 : i32
        %dma_wait3A_75 = tpu.memref_slice %arg10[%add3A_51, %dma_wait3A_74] : memref<80x125xi32, #tpu.memory_space<vmem>> -> memref<1x125xi32, #tpu.memory_space<vmem>>
        %dma_wait3A_76 = tpu.memref_squeeze %dma_wait3A_75 : memref<1x125xi32, #tpu.memory_space<vmem>> -> memref<125xi32, #tpu.memory_space<vmem>>
        %dma_wait3A_77 = arith.constant 0 : i32
        %dma_wait3A_78 = arith.constant 0 : i32
        %dma_wait3A_79 = tpu.memref_slice %arg15[%dma_wait3A_77, %dma_wait3A_78] : memref<10240x16xf32, #tpu.memory_space<vmem_shared>> -> memref<10240x16xf32, #tpu.memory_space<vmem_shared>>
        tpu.wait_indirect_dma semaphore(%run_scoped3A : memref<!tpu.dma_semaphore, #tpu.memory_space<semaphore_mem>>) src(%arg12 : memref<125x16xf32, #tpu.memory_space<vmem>>) dst(%dma_wait3A_79 : memref<10240x16xf32, #tpu.memory_space<vmem_shared>>)
        tpu.yield
      }) : () -> ()
      %mul3A_52 = arith.constant 8 : i32
      %mul3A_53 = arith.muli %add3A_30, %mul3A_52 : i32
      %add3A_54 = arith.constant 4 : i32
      %add3A_55 = arith.addi %mul3A_53, %add3A_54 : i32
      "tpu.region"() ({
        %run_scoped3A = tpu.sem_alloc : memref<!tpu.dma_semaphore, #tpu.memory_space<semaphore_mem>>
        %dma_start3A_68 = arith.constant 500 : i32
        %dma_start3A_69 = arith.constant 0 : i32
        %dma_start3A_70 = tpu.memref_slice %arg11[%dma_start3A_68, %dma_start3A_69] : memref<1000x16xf32, #tpu.memory_space<vmem>> -> memref<125x16xf32, #tpu.memory_space<vmem>>
        %dma_start3A_71 = arith.constant 0 : i32
        %dma_start3A_72 = tpu.memref_slice %arg9[%add3A_55, %dma_start3A_71] : memref<80x125xi32, #tpu.memory_space<vmem>> -> memref<1x125xi32, #tpu.memory_space<vmem>>
        %dma_start3A_73 = tpu.memref_squeeze %dma_start3A_72 : memref<1x125xi32, #tpu.memory_space<vmem>> -> memref<125xi32, #tpu.memory_space<vmem>>
        %dma_start3A_74 = arith.constant 0 : i32
        %dma_start3A_75 = arith.constant 0 : i32
        %dma_start3A_76 = tpu.memref_slice %arg14[%dma_start3A_74, %dma_start3A_75] : memref<10240x16xf32, #tpu.memory_space<vmem_shared>> -> memref<10240x16xf32, #tpu.memory_space<vmem_shared>>
        tpu.enqueue_indirect_dma source(%dma_start3A_70 : memref<125x16xf32, #tpu.memory_space<vmem>>) target(%dma_start3A_76 : memref<10240x16xf32, #tpu.memory_space<vmem_shared>>) offsets(%dma_start3A_73 : memref<125xi32, #tpu.memory_space<vmem>>) semaphore(%run_scoped3A : memref<!tpu.dma_semaphore, #tpu.memory_space<semaphore_mem>>) {add = true}
        %dma_wait3A_77 = arith.constant 500 : i32
        %dma_wait3A_78 = arith.constant 0 : i32
        %dma_wait3A_79 = tpu.memref_slice %arg11[%dma_wait3A_77, %dma_wait3A_78] : memref<1000x16xf32, #tpu.memory_space<vmem>> -> memref<125x16xf32, #tpu.memory_space<vmem>>
        %dma_wait3A_80 = arith.constant 0 : i32
        %dma_wait3A_81 = tpu.memref_slice %arg9[%add3A_55, %dma_wait3A_80] : memref<80x125xi32, #tpu.memory_space<vmem>> -> memref<1x125xi32, #tpu.memory_space<vmem>>
        %dma_wait3A_82 = tpu.memref_squeeze %dma_wait3A_81 : memref<1x125xi32, #tpu.memory_space<vmem>> -> memref<125xi32, #tpu.memory_space<vmem>>
        %dma_wait3A_83 = arith.constant 0 : i32
        %dma_wait3A_84 = arith.constant 0 : i32
        %dma_wait3A_85 = tpu.memref_slice %arg14[%dma_wait3A_83, %dma_wait3A_84] : memref<10240x16xf32, #tpu.memory_space<vmem_shared>> -> memref<10240x16xf32, #tpu.memory_space<vmem_shared>>
        tpu.wait_indirect_dma semaphore(%run_scoped3A : memref<!tpu.dma_semaphore, #tpu.memory_space<semaphore_mem>>) src(%dma_wait3A_79 : memref<125x16xf32, #tpu.memory_space<vmem>>) dst(%dma_wait3A_85 : memref<10240x16xf32, #tpu.memory_space<vmem_shared>>)
        tpu.yield
      }) : () -> ()
      "tpu.region"() ({
        %run_scoped3A = tpu.sem_alloc : memref<!tpu.dma_semaphore, #tpu.memory_space<semaphore_mem>>
        %dma_start3A_68 = arith.constant 500 : i32
        %dma_start3A_69 = arith.constant 0 : i32
        %dma_start3A_70 = tpu.memref_slice %arg11[%dma_start3A_68, %dma_start3A_69] : memref<1000x16xf32, #tpu.memory_space<vmem>> -> memref<125x16xf32, #tpu.memory_space<vmem>>
        %dma_start3A_71 = arith.constant 0 : i32
        %dma_start3A_72 = tpu.memref_slice %arg10[%add3A_55, %dma_start3A_71] : memref<80x125xi32, #tpu.memory_space<vmem>> -> memref<1x125xi32, #tpu.memory_space<vmem>>
        %dma_start3A_73 = tpu.memref_squeeze %dma_start3A_72 : memref<1x125xi32, #tpu.memory_space<vmem>> -> memref<125xi32, #tpu.memory_space<vmem>>
        %dma_start3A_74 = arith.constant 0 : i32
        %dma_start3A_75 = arith.constant 0 : i32
        %dma_start3A_76 = tpu.memref_slice %arg14[%dma_start3A_74, %dma_start3A_75] : memref<10240x16xf32, #tpu.memory_space<vmem_shared>> -> memref<10240x16xf32, #tpu.memory_space<vmem_shared>>
        tpu.enqueue_indirect_dma source(%dma_start3A_70 : memref<125x16xf32, #tpu.memory_space<vmem>>) target(%dma_start3A_76 : memref<10240x16xf32, #tpu.memory_space<vmem_shared>>) offsets(%dma_start3A_73 : memref<125xi32, #tpu.memory_space<vmem>>) semaphore(%run_scoped3A : memref<!tpu.dma_semaphore, #tpu.memory_space<semaphore_mem>>) {add = true}
        %dma_wait3A_77 = arith.constant 500 : i32
        %dma_wait3A_78 = arith.constant 0 : i32
        %dma_wait3A_79 = tpu.memref_slice %arg11[%dma_wait3A_77, %dma_wait3A_78] : memref<1000x16xf32, #tpu.memory_space<vmem>> -> memref<125x16xf32, #tpu.memory_space<vmem>>
        %dma_wait3A_80 = arith.constant 0 : i32
        %dma_wait3A_81 = tpu.memref_slice %arg10[%add3A_55, %dma_wait3A_80] : memref<80x125xi32, #tpu.memory_space<vmem>> -> memref<1x125xi32, #tpu.memory_space<vmem>>
        %dma_wait3A_82 = tpu.memref_squeeze %dma_wait3A_81 : memref<1x125xi32, #tpu.memory_space<vmem>> -> memref<125xi32, #tpu.memory_space<vmem>>
        %dma_wait3A_83 = arith.constant 0 : i32
        %dma_wait3A_84 = arith.constant 0 : i32
        %dma_wait3A_85 = tpu.memref_slice %arg14[%dma_wait3A_83, %dma_wait3A_84] : memref<10240x16xf32, #tpu.memory_space<vmem_shared>> -> memref<10240x16xf32, #tpu.memory_space<vmem_shared>>
        tpu.wait_indirect_dma semaphore(%run_scoped3A : memref<!tpu.dma_semaphore, #tpu.memory_space<semaphore_mem>>) src(%dma_wait3A_79 : memref<125x16xf32, #tpu.memory_space<vmem>>) dst(%dma_wait3A_85 : memref<10240x16xf32, #tpu.memory_space<vmem_shared>>)
        tpu.yield
      }) : () -> ()
      "tpu.region"() ({
        %run_scoped3A = tpu.sem_alloc : memref<!tpu.dma_semaphore, #tpu.memory_space<semaphore_mem>>
        %dma_start3A_68 = arith.constant 0 : i32
        %dma_start3A_69 = tpu.memref_slice %arg9[%add3A_55, %dma_start3A_68] : memref<80x125xi32, #tpu.memory_space<vmem>> -> memref<1x125xi32, #tpu.memory_space<vmem>>
        %dma_start3A_70 = tpu.memref_squeeze %dma_start3A_69 : memref<1x125xi32, #tpu.memory_space<vmem>> -> memref<125xi32, #tpu.memory_space<vmem>>
        %dma_start3A_71 = arith.constant 0 : i32
        %dma_start3A_72 = arith.constant 0 : i32
        %dma_start3A_73 = tpu.memref_slice %arg15[%dma_start3A_71, %dma_start3A_72] : memref<10240x16xf32, #tpu.memory_space<vmem_shared>> -> memref<10240x16xf32, #tpu.memory_space<vmem_shared>>
        tpu.enqueue_indirect_dma source(%arg12 : memref<125x16xf32, #tpu.memory_space<vmem>>) target(%dma_start3A_73 : memref<10240x16xf32, #tpu.memory_space<vmem_shared>>) offsets(%dma_start3A_70 : memref<125xi32, #tpu.memory_space<vmem>>) semaphore(%run_scoped3A : memref<!tpu.dma_semaphore, #tpu.memory_space<semaphore_mem>>) {add = true}
        %dma_wait3A_74 = arith.constant 0 : i32
        %dma_wait3A_75 = tpu.memref_slice %arg9[%add3A_55, %dma_wait3A_74] : memref<80x125xi32, #tpu.memory_space<vmem>> -> memref<1x125xi32, #tpu.memory_space<vmem>>
        %dma_wait3A_76 = tpu.memref_squeeze %dma_wait3A_75 : memref<1x125xi32, #tpu.memory_space<vmem>> -> memref<125xi32, #tpu.memory_space<vmem>>
        %dma_wait3A_77 = arith.constant 0 : i32
        %dma_wait3A_78 = arith.constant 0 : i32
        %dma_wait3A_79 = tpu.memref_slice %arg15[%dma_wait3A_77, %dma_wait3A_78] : memref<10240x16xf32, #tpu.memory_space<vmem_shared>> -> memref<10240x16xf32, #tpu.memory_space<vmem_shared>>
        tpu.wait_indirect_dma semaphore(%run_scoped3A : memref<!tpu.dma_semaphore, #tpu.memory_space<semaphore_mem>>) src(%arg12 : memref<125x16xf32, #tpu.memory_space<vmem>>) dst(%dma_wait3A_79 : memref<10240x16xf32, #tpu.memory_space<vmem_shared>>)
        tpu.yield
      }) : () -> ()
      "tpu.region"() ({
        %run_scoped3A = tpu.sem_alloc : memref<!tpu.dma_semaphore, #tpu.memory_space<semaphore_mem>>
        %dma_start3A_68 = arith.constant 0 : i32
        %dma_start3A_69 = tpu.memref_slice %arg10[%add3A_55, %dma_start3A_68] : memref<80x125xi32, #tpu.memory_space<vmem>> -> memref<1x125xi32, #tpu.memory_space<vmem>>
        %dma_start3A_70 = tpu.memref_squeeze %dma_start3A_69 : memref<1x125xi32, #tpu.memory_space<vmem>> -> memref<125xi32, #tpu.memory_space<vmem>>
        %dma_start3A_71 = arith.constant 0 : i32
        %dma_start3A_72 = arith.constant 0 : i32
        %dma_start3A_73 = tpu.memref_slice %arg15[%dma_start3A_71, %dma_start3A_72] : memref<10240x16xf32, #tpu.memory_space<vmem_shared>> -> memref<10240x16xf32, #tpu.memory_space<vmem_shared>>
        tpu.enqueue_indirect_dma source(%arg12 : memref<125x16xf32, #tpu.memory_space<vmem>>) target(%dma_start3A_73 : memref<10240x16xf32, #tpu.memory_space<vmem_shared>>) offsets(%dma_start3A_70 : memref<125xi32, #tpu.memory_space<vmem>>) semaphore(%run_scoped3A : memref<!tpu.dma_semaphore, #tpu.memory_space<semaphore_mem>>) {add = true}
        %dma_wait3A_74 = arith.constant 0 : i32
        %dma_wait3A_75 = tpu.memref_slice %arg10[%add3A_55, %dma_wait3A_74] : memref<80x125xi32, #tpu.memory_space<vmem>> -> memref<1x125xi32, #tpu.memory_space<vmem>>
        %dma_wait3A_76 = tpu.memref_squeeze %dma_wait3A_75 : memref<1x125xi32, #tpu.memory_space<vmem>> -> memref<125xi32, #tpu.memory_space<vmem>>
        %dma_wait3A_77 = arith.constant 0 : i32
        %dma_wait3A_78 = arith.constant 0 : i32
        %dma_wait3A_79 = tpu.memref_slice %arg15[%dma_wait3A_77, %dma_wait3A_78] : memref<10240x16xf32, #tpu.memory_space<vmem_shared>> -> memref<10240x16xf32, #tpu.memory_space<vmem_shared>>
        tpu.wait_indirect_dma semaphore(%run_scoped3A : memref<!tpu.dma_semaphore, #tpu.memory_space<semaphore_mem>>) src(%arg12 : memref<125x16xf32, #tpu.memory_space<vmem>>) dst(%dma_wait3A_79 : memref<10240x16xf32, #tpu.memory_space<vmem_shared>>)
        tpu.yield
      }) : () -> ()
      %mul3A_56 = arith.constant 8 : i32
      %mul3A_57 = arith.muli %add3A_30, %mul3A_56 : i32
      %add3A_58 = arith.constant 5 : i32
      %add3A_59 = arith.addi %mul3A_57, %add3A_58 : i32
      "tpu.region"() ({
        %run_scoped3A = tpu.sem_alloc : memref<!tpu.dma_semaphore, #tpu.memory_space<semaphore_mem>>
        %dma_start3A_68 = arith.constant 625 : i32
        %dma_start3A_69 = arith.constant 0 : i32
        %dma_start3A_70 = tpu.memref_slice %arg11[%dma_start3A_68, %dma_start3A_69] : memref<1000x16xf32, #tpu.memory_space<vmem>> -> memref<125x16xf32, #tpu.memory_space<vmem>>
        %dma_start3A_71 = arith.constant 0 : i32
        %dma_start3A_72 = tpu.memref_slice %arg9[%add3A_59, %dma_start3A_71] : memref<80x125xi32, #tpu.memory_space<vmem>> -> memref<1x125xi32, #tpu.memory_space<vmem>>
        %dma_start3A_73 = tpu.memref_squeeze %dma_start3A_72 : memref<1x125xi32, #tpu.memory_space<vmem>> -> memref<125xi32, #tpu.memory_space<vmem>>
        %dma_start3A_74 = arith.constant 0 : i32
        %dma_start3A_75 = arith.constant 0 : i32
        %dma_start3A_76 = tpu.memref_slice %arg14[%dma_start3A_74, %dma_start3A_75] : memref<10240x16xf32, #tpu.memory_space<vmem_shared>> -> memref<10240x16xf32, #tpu.memory_space<vmem_shared>>
        tpu.enqueue_indirect_dma source(%dma_start3A_70 : memref<125x16xf32, #tpu.memory_space<vmem>>) target(%dma_start3A_76 : memref<10240x16xf32, #tpu.memory_space<vmem_shared>>) offsets(%dma_start3A_73 : memref<125xi32, #tpu.memory_space<vmem>>) semaphore(%run_scoped3A : memref<!tpu.dma_semaphore, #tpu.memory_space<semaphore_mem>>) {add = true}
        %dma_wait3A_77 = arith.constant 625 : i32
        %dma_wait3A_78 = arith.constant 0 : i32
        %dma_wait3A_79 = tpu.memref_slice %arg11[%dma_wait3A_77, %dma_wait3A_78] : memref<1000x16xf32, #tpu.memory_space<vmem>> -> memref<125x16xf32, #tpu.memory_space<vmem>>
        %dma_wait3A_80 = arith.constant 0 : i32
        %dma_wait3A_81 = tpu.memref_slice %arg9[%add3A_59, %dma_wait3A_80] : memref<80x125xi32, #tpu.memory_space<vmem>> -> memref<1x125xi32, #tpu.memory_space<vmem>>
        %dma_wait3A_82 = tpu.memref_squeeze %dma_wait3A_81 : memref<1x125xi32, #tpu.memory_space<vmem>> -> memref<125xi32, #tpu.memory_space<vmem>>
        %dma_wait3A_83 = arith.constant 0 : i32
        %dma_wait3A_84 = arith.constant 0 : i32
        %dma_wait3A_85 = tpu.memref_slice %arg14[%dma_wait3A_83, %dma_wait3A_84] : memref<10240x16xf32, #tpu.memory_space<vmem_shared>> -> memref<10240x16xf32, #tpu.memory_space<vmem_shared>>
        tpu.wait_indirect_dma semaphore(%run_scoped3A : memref<!tpu.dma_semaphore, #tpu.memory_space<semaphore_mem>>) src(%dma_wait3A_79 : memref<125x16xf32, #tpu.memory_space<vmem>>) dst(%dma_wait3A_85 : memref<10240x16xf32, #tpu.memory_space<vmem_shared>>)
        tpu.yield
      }) : () -> ()
      "tpu.region"() ({
        %run_scoped3A = tpu.sem_alloc : memref<!tpu.dma_semaphore, #tpu.memory_space<semaphore_mem>>
        %dma_start3A_68 = arith.constant 625 : i32
        %dma_start3A_69 = arith.constant 0 : i32
        %dma_start3A_70 = tpu.memref_slice %arg11[%dma_start3A_68, %dma_start3A_69] : memref<1000x16xf32, #tpu.memory_space<vmem>> -> memref<125x16xf32, #tpu.memory_space<vmem>>
        %dma_start3A_71 = arith.constant 0 : i32
        %dma_start3A_72 = tpu.memref_slice %arg10[%add3A_59, %dma_start3A_71] : memref<80x125xi32, #tpu.memory_space<vmem>> -> memref<1x125xi32, #tpu.memory_space<vmem>>
        %dma_start3A_73 = tpu.memref_squeeze %dma_start3A_72 : memref<1x125xi32, #tpu.memory_space<vmem>> -> memref<125xi32, #tpu.memory_space<vmem>>
        %dma_start3A_74 = arith.constant 0 : i32
        %dma_start3A_75 = arith.constant 0 : i32
        %dma_start3A_76 = tpu.memref_slice %arg14[%dma_start3A_74, %dma_start3A_75] : memref<10240x16xf32, #tpu.memory_space<vmem_shared>> -> memref<10240x16xf32, #tpu.memory_space<vmem_shared>>
        tpu.enqueue_indirect_dma source(%dma_start3A_70 : memref<125x16xf32, #tpu.memory_space<vmem>>) target(%dma_start3A_76 : memref<10240x16xf32, #tpu.memory_space<vmem_shared>>) offsets(%dma_start3A_73 : memref<125xi32, #tpu.memory_space<vmem>>) semaphore(%run_scoped3A : memref<!tpu.dma_semaphore, #tpu.memory_space<semaphore_mem>>) {add = true}
        %dma_wait3A_77 = arith.constant 625 : i32
        %dma_wait3A_78 = arith.constant 0 : i32
        %dma_wait3A_79 = tpu.memref_slice %arg11[%dma_wait3A_77, %dma_wait3A_78] : memref<1000x16xf32, #tpu.memory_space<vmem>> -> memref<125x16xf32, #tpu.memory_space<vmem>>
        %dma_wait3A_80 = arith.constant 0 : i32
        %dma_wait3A_81 = tpu.memref_slice %arg10[%add3A_59, %dma_wait3A_80] : memref<80x125xi32, #tpu.memory_space<vmem>> -> memref<1x125xi32, #tpu.memory_space<vmem>>
        %dma_wait3A_82 = tpu.memref_squeeze %dma_wait3A_81 : memref<1x125xi32, #tpu.memory_space<vmem>> -> memref<125xi32, #tpu.memory_space<vmem>>
        %dma_wait3A_83 = arith.constant 0 : i32
        %dma_wait3A_84 = arith.constant 0 : i32
        %dma_wait3A_85 = tpu.memref_slice %arg14[%dma_wait3A_83, %dma_wait3A_84] : memref<10240x16xf32, #tpu.memory_space<vmem_shared>> -> memref<10240x16xf32, #tpu.memory_space<vmem_shared>>
        tpu.wait_indirect_dma semaphore(%run_scoped3A : memref<!tpu.dma_semaphore, #tpu.memory_space<semaphore_mem>>) src(%dma_wait3A_79 : memref<125x16xf32, #tpu.memory_space<vmem>>) dst(%dma_wait3A_85 : memref<10240x16xf32, #tpu.memory_space<vmem_shared>>)
        tpu.yield
      }) : () -> ()
      "tpu.region"() ({
        %run_scoped3A = tpu.sem_alloc : memref<!tpu.dma_semaphore, #tpu.memory_space<semaphore_mem>>
        %dma_start3A_68 = arith.constant 0 : i32
        %dma_start3A_69 = tpu.memref_slice %arg9[%add3A_59, %dma_start3A_68] : memref<80x125xi32, #tpu.memory_space<vmem>> -> memref<1x125xi32, #tpu.memory_space<vmem>>
        %dma_start3A_70 = tpu.memref_squeeze %dma_start3A_69 : memref<1x125xi32, #tpu.memory_space<vmem>> -> memref<125xi32, #tpu.memory_space<vmem>>
        %dma_start3A_71 = arith.constant 0 : i32
        %dma_start3A_72 = arith.constant 0 : i32
        %dma_start3A_73 = tpu.memref_slice %arg15[%dma_start3A_71, %dma_start3A_72] : memref<10240x16xf32, #tpu.memory_space<vmem_shared>> -> memref<10240x16xf32, #tpu.memory_space<vmem_shared>>
        tpu.enqueue_indirect_dma source(%arg12 : memref<125x16xf32, #tpu.memory_space<vmem>>) target(%dma_start3A_73 : memref<10240x16xf32, #tpu.memory_space<vmem_shared>>) offsets(%dma_start3A_70 : memref<125xi32, #tpu.memory_space<vmem>>) semaphore(%run_scoped3A : memref<!tpu.dma_semaphore, #tpu.memory_space<semaphore_mem>>) {add = true}
        %dma_wait3A_74 = arith.constant 0 : i32
        %dma_wait3A_75 = tpu.memref_slice %arg9[%add3A_59, %dma_wait3A_74] : memref<80x125xi32, #tpu.memory_space<vmem>> -> memref<1x125xi32, #tpu.memory_space<vmem>>
        %dma_wait3A_76 = tpu.memref_squeeze %dma_wait3A_75 : memref<1x125xi32, #tpu.memory_space<vmem>> -> memref<125xi32, #tpu.memory_space<vmem>>
        %dma_wait3A_77 = arith.constant 0 : i32
        %dma_wait3A_78 = arith.constant 0 : i32
        %dma_wait3A_79 = tpu.memref_slice %arg15[%dma_wait3A_77, %dma_wait3A_78] : memref<10240x16xf32, #tpu.memory_space<vmem_shared>> -> memref<10240x16xf32, #tpu.memory_space<vmem_shared>>
        tpu.wait_indirect_dma semaphore(%run_scoped3A : memref<!tpu.dma_semaphore, #tpu.memory_space<semaphore_mem>>) src(%arg12 : memref<125x16xf32, #tpu.memory_space<vmem>>) dst(%dma_wait3A_79 : memref<10240x16xf32, #tpu.memory_space<vmem_shared>>)
        tpu.yield
      }) : () -> ()
      "tpu.region"() ({
        %run_scoped3A = tpu.sem_alloc : memref<!tpu.dma_semaphore, #tpu.memory_space<semaphore_mem>>
        %dma_start3A_68 = arith.constant 0 : i32
        %dma_start3A_69 = tpu.memref_slice %arg10[%add3A_59, %dma_start3A_68] : memref<80x125xi32, #tpu.memory_space<vmem>> -> memref<1x125xi32, #tpu.memory_space<vmem>>
        %dma_start3A_70 = tpu.memref_squeeze %dma_start3A_69 : memref<1x125xi32, #tpu.memory_space<vmem>> -> memref<125xi32, #tpu.memory_space<vmem>>
        %dma_start3A_71 = arith.constant 0 : i32
        %dma_start3A_72 = arith.constant 0 : i32
        %dma_start3A_73 = tpu.memref_slice %arg15[%dma_start3A_71, %dma_start3A_72] : memref<10240x16xf32, #tpu.memory_space<vmem_shared>> -> memref<10240x16xf32, #tpu.memory_space<vmem_shared>>
        tpu.enqueue_indirect_dma source(%arg12 : memref<125x16xf32, #tpu.memory_space<vmem>>) target(%dma_start3A_73 : memref<10240x16xf32, #tpu.memory_space<vmem_shared>>) offsets(%dma_start3A_70 : memref<125xi32, #tpu.memory_space<vmem>>) semaphore(%run_scoped3A : memref<!tpu.dma_semaphore, #tpu.memory_space<semaphore_mem>>) {add = true}
        %dma_wait3A_74 = arith.constant 0 : i32
        %dma_wait3A_75 = tpu.memref_slice %arg10[%add3A_59, %dma_wait3A_74] : memref<80x125xi32, #tpu.memory_space<vmem>> -> memref<1x125xi32, #tpu.memory_space<vmem>>
        %dma_wait3A_76 = tpu.memref_squeeze %dma_wait3A_75 : memref<1x125xi32, #tpu.memory_space<vmem>> -> memref<125xi32, #tpu.memory_space<vmem>>
        %dma_wait3A_77 = arith.constant 0 : i32
        %dma_wait3A_78 = arith.constant 0 : i32
        %dma_wait3A_79 = tpu.memref_slice %arg15[%dma_wait3A_77, %dma_wait3A_78] : memref<10240x16xf32, #tpu.memory_space<vmem_shared>> -> memref<10240x16xf32, #tpu.memory_space<vmem_shared>>
        tpu.wait_indirect_dma semaphore(%run_scoped3A : memref<!tpu.dma_semaphore, #tpu.memory_space<semaphore_mem>>) src(%arg12 : memref<125x16xf32, #tpu.memory_space<vmem>>) dst(%dma_wait3A_79 : memref<10240x16xf32, #tpu.memory_space<vmem_shared>>)
        tpu.yield
      }) : () -> ()
      %mul3A_60 = arith.constant 8 : i32
      %mul3A_61 = arith.muli %add3A_30, %mul3A_60 : i32
      %add3A_62 = arith.constant 6 : i32
      %add3A_63 = arith.addi %mul3A_61, %add3A_62 : i32
      "tpu.region"() ({
        %run_scoped3A = tpu.sem_alloc : memref<!tpu.dma_semaphore, #tpu.memory_space<semaphore_mem>>
        %dma_start3A_68 = arith.constant 750 : i32
        %dma_start3A_69 = arith.constant 0 : i32
        %dma_start3A_70 = tpu.memref_slice %arg11[%dma_start3A_68, %dma_start3A_69] : memref<1000x16xf32, #tpu.memory_space<vmem>> -> memref<125x16xf32, #tpu.memory_space<vmem>>
        %dma_start3A_71 = arith.constant 0 : i32
        %dma_start3A_72 = tpu.memref_slice %arg9[%add3A_63, %dma_start3A_71] : memref<80x125xi32, #tpu.memory_space<vmem>> -> memref<1x125xi32, #tpu.memory_space<vmem>>
        %dma_start3A_73 = tpu.memref_squeeze %dma_start3A_72 : memref<1x125xi32, #tpu.memory_space<vmem>> -> memref<125xi32, #tpu.memory_space<vmem>>
        %dma_start3A_74 = arith.constant 0 : i32
        %dma_start3A_75 = arith.constant 0 : i32
        %dma_start3A_76 = tpu.memref_slice %arg14[%dma_start3A_74, %dma_start3A_75] : memref<10240x16xf32, #tpu.memory_space<vmem_shared>> -> memref<10240x16xf32, #tpu.memory_space<vmem_shared>>
        tpu.enqueue_indirect_dma source(%dma_start3A_70 : memref<125x16xf32, #tpu.memory_space<vmem>>) target(%dma_start3A_76 : memref<10240x16xf32, #tpu.memory_space<vmem_shared>>) offsets(%dma_start3A_73 : memref<125xi32, #tpu.memory_space<vmem>>) semaphore(%run_scoped3A : memref<!tpu.dma_semaphore, #tpu.memory_space<semaphore_mem>>) {add = true}
        %dma_wait3A_77 = arith.constant 750 : i32
        %dma_wait3A_78 = arith.constant 0 : i32
        %dma_wait3A_79 = tpu.memref_slice %arg11[%dma_wait3A_77, %dma_wait3A_78] : memref<1000x16xf32, #tpu.memory_space<vmem>> -> memref<125x16xf32, #tpu.memory_space<vmem>>
        %dma_wait3A_80 = arith.constant 0 : i32
        %dma_wait3A_81 = tpu.memref_slice %arg9[%add3A_63, %dma_wait3A_80] : memref<80x125xi32, #tpu.memory_space<vmem>> -> memref<1x125xi32, #tpu.memory_space<vmem>>
        %dma_wait3A_82 = tpu.memref_squeeze %dma_wait3A_81 : memref<1x125xi32, #tpu.memory_space<vmem>> -> memref<125xi32, #tpu.memory_space<vmem>>
        %dma_wait3A_83 = arith.constant 0 : i32
        %dma_wait3A_84 = arith.constant 0 : i32
        %dma_wait3A_85 = tpu.memref_slice %arg14[%dma_wait3A_83, %dma_wait3A_84] : memref<10240x16xf32, #tpu.memory_space<vmem_shared>> -> memref<10240x16xf32, #tpu.memory_space<vmem_shared>>
        tpu.wait_indirect_dma semaphore(%run_scoped3A : memref<!tpu.dma_semaphore, #tpu.memory_space<semaphore_mem>>) src(%dma_wait3A_79 : memref<125x16xf32, #tpu.memory_space<vmem>>) dst(%dma_wait3A_85 : memref<10240x16xf32, #tpu.memory_space<vmem_shared>>)
        tpu.yield
      }) : () -> ()
      "tpu.region"() ({
        %run_scoped3A = tpu.sem_alloc : memref<!tpu.dma_semaphore, #tpu.memory_space<semaphore_mem>>
        %dma_start3A_68 = arith.constant 750 : i32
        %dma_start3A_69 = arith.constant 0 : i32
        %dma_start3A_70 = tpu.memref_slice %arg11[%dma_start3A_68, %dma_start3A_69] : memref<1000x16xf32, #tpu.memory_space<vmem>> -> memref<125x16xf32, #tpu.memory_space<vmem>>
        %dma_start3A_71 = arith.constant 0 : i32
        %dma_start3A_72 = tpu.memref_slice %arg10[%add3A_63, %dma_start3A_71] : memref<80x125xi32, #tpu.memory_space<vmem>> -> memref<1x125xi32, #tpu.memory_space<vmem>>
        %dma_start3A_73 = tpu.memref_squeeze %dma_start3A_72 : memref<1x125xi32, #tpu.memory_space<vmem>> -> memref<125xi32, #tpu.memory_space<vmem>>
        %dma_start3A_74 = arith.constant 0 : i32
        %dma_start3A_75 = arith.constant 0 : i32
        %dma_start3A_76 = tpu.memref_slice %arg14[%dma_start3A_74, %dma_start3A_75] : memref<10240x16xf32, #tpu.memory_space<vmem_shared>> -> memref<10240x16xf32, #tpu.memory_space<vmem_shared>>
        tpu.enqueue_indirect_dma source(%dma_start3A_70 : memref<125x16xf32, #tpu.memory_space<vmem>>) target(%dma_start3A_76 : memref<10240x16xf32, #tpu.memory_space<vmem_shared>>) offsets(%dma_start3A_73 : memref<125xi32, #tpu.memory_space<vmem>>) semaphore(%run_scoped3A : memref<!tpu.dma_semaphore, #tpu.memory_space<semaphore_mem>>) {add = true}
        %dma_wait3A_77 = arith.constant 750 : i32
        %dma_wait3A_78 = arith.constant 0 : i32
        %dma_wait3A_79 = tpu.memref_slice %arg11[%dma_wait3A_77, %dma_wait3A_78] : memref<1000x16xf32, #tpu.memory_space<vmem>> -> memref<125x16xf32, #tpu.memory_space<vmem>>
        %dma_wait3A_80 = arith.constant 0 : i32
        %dma_wait3A_81 = tpu.memref_slice %arg10[%add3A_63, %dma_wait3A_80] : memref<80x125xi32, #tpu.memory_space<vmem>> -> memref<1x125xi32, #tpu.memory_space<vmem>>
        %dma_wait3A_82 = tpu.memref_squeeze %dma_wait3A_81 : memref<1x125xi32, #tpu.memory_space<vmem>> -> memref<125xi32, #tpu.memory_space<vmem>>
        %dma_wait3A_83 = arith.constant 0 : i32
        %dma_wait3A_84 = arith.constant 0 : i32
        %dma_wait3A_85 = tpu.memref_slice %arg14[%dma_wait3A_83, %dma_wait3A_84] : memref<10240x16xf32, #tpu.memory_space<vmem_shared>> -> memref<10240x16xf32, #tpu.memory_space<vmem_shared>>
        tpu.wait_indirect_dma semaphore(%run_scoped3A : memref<!tpu.dma_semaphore, #tpu.memory_space<semaphore_mem>>) src(%dma_wait3A_79 : memref<125x16xf32, #tpu.memory_space<vmem>>) dst(%dma_wait3A_85 : memref<10240x16xf32, #tpu.memory_space<vmem_shared>>)
        tpu.yield
      }) : () -> ()
      "tpu.region"() ({
        %run_scoped3A = tpu.sem_alloc : memref<!tpu.dma_semaphore, #tpu.memory_space<semaphore_mem>>
        %dma_start3A_68 = arith.constant 0 : i32
        %dma_start3A_69 = tpu.memref_slice %arg9[%add3A_63, %dma_start3A_68] : memref<80x125xi32, #tpu.memory_space<vmem>> -> memref<1x125xi32, #tpu.memory_space<vmem>>
        %dma_start3A_70 = tpu.memref_squeeze %dma_start3A_69 : memref<1x125xi32, #tpu.memory_space<vmem>> -> memref<125xi32, #tpu.memory_space<vmem>>
        %dma_start3A_71 = arith.constant 0 : i32
        %dma_start3A_72 = arith.constant 0 : i32
        %dma_start3A_73 = tpu.memref_slice %arg15[%dma_start3A_71, %dma_start3A_72] : memref<10240x16xf32, #tpu.memory_space<vmem_shared>> -> memref<10240x16xf32, #tpu.memory_space<vmem_shared>>
        tpu.enqueue_indirect_dma source(%arg12 : memref<125x16xf32, #tpu.memory_space<vmem>>) target(%dma_start3A_73 : memref<10240x16xf32, #tpu.memory_space<vmem_shared>>) offsets(%dma_start3A_70 : memref<125xi32, #tpu.memory_space<vmem>>) semaphore(%run_scoped3A : memref<!tpu.dma_semaphore, #tpu.memory_space<semaphore_mem>>) {add = true}
        %dma_wait3A_74 = arith.constant 0 : i32
        %dma_wait3A_75 = tpu.memref_slice %arg9[%add3A_63, %dma_wait3A_74] : memref<80x125xi32, #tpu.memory_space<vmem>> -> memref<1x125xi32, #tpu.memory_space<vmem>>
        %dma_wait3A_76 = tpu.memref_squeeze %dma_wait3A_75 : memref<1x125xi32, #tpu.memory_space<vmem>> -> memref<125xi32, #tpu.memory_space<vmem>>
        %dma_wait3A_77 = arith.constant 0 : i32
        %dma_wait3A_78 = arith.constant 0 : i32
        %dma_wait3A_79 = tpu.memref_slice %arg15[%dma_wait3A_77, %dma_wait3A_78] : memref<10240x16xf32, #tpu.memory_space<vmem_shared>> -> memref<10240x16xf32, #tpu.memory_space<vmem_shared>>
        tpu.wait_indirect_dma semaphore(%run_scoped3A : memref<!tpu.dma_semaphore, #tpu.memory_space<semaphore_mem>>) src(%arg12 : memref<125x16xf32, #tpu.memory_space<vmem>>) dst(%dma_wait3A_79 : memref<10240x16xf32, #tpu.memory_space<vmem_shared>>)
        tpu.yield
      }) : () -> ()
      "tpu.region"() ({
        %run_scoped3A = tpu.sem_alloc : memref<!tpu.dma_semaphore, #tpu.memory_space<semaphore_mem>>
        %dma_start3A_68 = arith.constant 0 : i32
        %dma_start3A_69 = tpu.memref_slice %arg10[%add3A_63, %dma_start3A_68] : memref<80x125xi32, #tpu.memory_space<vmem>> -> memref<1x125xi32, #tpu.memory_space<vmem>>
        %dma_start3A_70 = tpu.memref_squeeze %dma_start3A_69 : memref<1x125xi32, #tpu.memory_space<vmem>> -> memref<125xi32, #tpu.memory_space<vmem>>
        %dma_start3A_71 = arith.constant 0 : i32
        %dma_start3A_72 = arith.constant 0 : i32
        %dma_start3A_73 = tpu.memref_slice %arg15[%dma_start3A_71, %dma_start3A_72] : memref<10240x16xf32, #tpu.memory_space<vmem_shared>> -> memref<10240x16xf32, #tpu.memory_space<vmem_shared>>
        tpu.enqueue_indirect_dma source(%arg12 : memref<125x16xf32, #tpu.memory_space<vmem>>) target(%dma_start3A_73 : memref<10240x16xf32, #tpu.memory_space<vmem_shared>>) offsets(%dma_start3A_70 : memref<125xi32, #tpu.memory_space<vmem>>) semaphore(%run_scoped3A : memref<!tpu.dma_semaphore, #tpu.memory_space<semaphore_mem>>) {add = true}
        %dma_wait3A_74 = arith.constant 0 : i32
        %dma_wait3A_75 = tpu.memref_slice %arg10[%add3A_63, %dma_wait3A_74] : memref<80x125xi32, #tpu.memory_space<vmem>> -> memref<1x125xi32, #tpu.memory_space<vmem>>
        %dma_wait3A_76 = tpu.memref_squeeze %dma_wait3A_75 : memref<1x125xi32, #tpu.memory_space<vmem>> -> memref<125xi32, #tpu.memory_space<vmem>>
        %dma_wait3A_77 = arith.constant 0 : i32
        %dma_wait3A_78 = arith.constant 0 : i32
        %dma_wait3A_79 = tpu.memref_slice %arg15[%dma_wait3A_77, %dma_wait3A_78] : memref<10240x16xf32, #tpu.memory_space<vmem_shared>> -> memref<10240x16xf32, #tpu.memory_space<vmem_shared>>
        tpu.wait_indirect_dma semaphore(%run_scoped3A : memref<!tpu.dma_semaphore, #tpu.memory_space<semaphore_mem>>) src(%arg12 : memref<125x16xf32, #tpu.memory_space<vmem>>) dst(%dma_wait3A_79 : memref<10240x16xf32, #tpu.memory_space<vmem_shared>>)
        tpu.yield
      }) : () -> ()
      %mul3A_64 = arith.constant 8 : i32
      %mul3A_65 = arith.muli %add3A_30, %mul3A_64 : i32
      %add3A_66 = arith.constant 7 : i32
      %add3A_67 = arith.addi %mul3A_65, %add3A_66 : i32
      "tpu.region"() ({
        %run_scoped3A = tpu.sem_alloc : memref<!tpu.dma_semaphore, #tpu.memory_space<semaphore_mem>>
        %dma_start3A_68 = arith.constant 875 : i32
        %dma_start3A_69 = arith.constant 0 : i32
        %dma_start3A_70 = tpu.memref_slice %arg11[%dma_start3A_68, %dma_start3A_69] : memref<1000x16xf32, #tpu.memory_space<vmem>> -> memref<125x16xf32, #tpu.memory_space<vmem>>
        %dma_start3A_71 = arith.constant 0 : i32
        %dma_start3A_72 = tpu.memref_slice %arg9[%add3A_67, %dma_start3A_71] : memref<80x125xi32, #tpu.memory_space<vmem>> -> memref<1x125xi32, #tpu.memory_space<vmem>>
        %dma_start3A_73 = tpu.memref_squeeze %dma_start3A_72 : memref<1x125xi32, #tpu.memory_space<vmem>> -> memref<125xi32, #tpu.memory_space<vmem>>
        %dma_start3A_74 = arith.constant 0 : i32
        %dma_start3A_75 = arith.constant 0 : i32
        %dma_start3A_76 = tpu.memref_slice %arg14[%dma_start3A_74, %dma_start3A_75] : memref<10240x16xf32, #tpu.memory_space<vmem_shared>> -> memref<10240x16xf32, #tpu.memory_space<vmem_shared>>
        tpu.enqueue_indirect_dma source(%dma_start3A_70 : memref<125x16xf32, #tpu.memory_space<vmem>>) target(%dma_start3A_76 : memref<10240x16xf32, #tpu.memory_space<vmem_shared>>) offsets(%dma_start3A_73 : memref<125xi32, #tpu.memory_space<vmem>>) semaphore(%run_scoped3A : memref<!tpu.dma_semaphore, #tpu.memory_space<semaphore_mem>>) {add = true}
        %dma_wait3A_77 = arith.constant 875 : i32
        %dma_wait3A_78 = arith.constant 0 : i32
        %dma_wait3A_79 = tpu.memref_slice %arg11[%dma_wait3A_77, %dma_wait3A_78] : memref<1000x16xf32, #tpu.memory_space<vmem>> -> memref<125x16xf32, #tpu.memory_space<vmem>>
        %dma_wait3A_80 = arith.constant 0 : i32
        %dma_wait3A_81 = tpu.memref_slice %arg9[%add3A_67, %dma_wait3A_80] : memref<80x125xi32, #tpu.memory_space<vmem>> -> memref<1x125xi32, #tpu.memory_space<vmem>>
        %dma_wait3A_82 = tpu.memref_squeeze %dma_wait3A_81 : memref<1x125xi32, #tpu.memory_space<vmem>> -> memref<125xi32, #tpu.memory_space<vmem>>
        %dma_wait3A_83 = arith.constant 0 : i32
        %dma_wait3A_84 = arith.constant 0 : i32
        %dma_wait3A_85 = tpu.memref_slice %arg14[%dma_wait3A_83, %dma_wait3A_84] : memref<10240x16xf32, #tpu.memory_space<vmem_shared>> -> memref<10240x16xf32, #tpu.memory_space<vmem_shared>>
        tpu.wait_indirect_dma semaphore(%run_scoped3A : memref<!tpu.dma_semaphore, #tpu.memory_space<semaphore_mem>>) src(%dma_wait3A_79 : memref<125x16xf32, #tpu.memory_space<vmem>>) dst(%dma_wait3A_85 : memref<10240x16xf32, #tpu.memory_space<vmem_shared>>)
        tpu.yield
      }) : () -> ()
      "tpu.region"() ({
        %run_scoped3A = tpu.sem_alloc : memref<!tpu.dma_semaphore, #tpu.memory_space<semaphore_mem>>
        %dma_start3A_68 = arith.constant 875 : i32
        %dma_start3A_69 = arith.constant 0 : i32
        %dma_start3A_70 = tpu.memref_slice %arg11[%dma_start3A_68, %dma_start3A_69] : memref<1000x16xf32, #tpu.memory_space<vmem>> -> memref<125x16xf32, #tpu.memory_space<vmem>>
        %dma_start3A_71 = arith.constant 0 : i32
        %dma_start3A_72 = tpu.memref_slice %arg10[%add3A_67, %dma_start3A_71] : memref<80x125xi32, #tpu.memory_space<vmem>> -> memref<1x125xi32, #tpu.memory_space<vmem>>
        %dma_start3A_73 = tpu.memref_squeeze %dma_start3A_72 : memref<1x125xi32, #tpu.memory_space<vmem>> -> memref<125xi32, #tpu.memory_space<vmem>>
        %dma_start3A_74 = arith.constant 0 : i32
        %dma_start3A_75 = arith.constant 0 : i32
        %dma_start3A_76 = tpu.memref_slice %arg14[%dma_start3A_74, %dma_start3A_75] : memref<10240x16xf32, #tpu.memory_space<vmem_shared>> -> memref<10240x16xf32, #tpu.memory_space<vmem_shared>>
        tpu.enqueue_indirect_dma source(%dma_start3A_70 : memref<125x16xf32, #tpu.memory_space<vmem>>) target(%dma_start3A_76 : memref<10240x16xf32, #tpu.memory_space<vmem_shared>>) offsets(%dma_start3A_73 : memref<125xi32, #tpu.memory_space<vmem>>) semaphore(%run_scoped3A : memref<!tpu.dma_semaphore, #tpu.memory_space<semaphore_mem>>) {add = true}
        %dma_wait3A_77 = arith.constant 875 : i32
        %dma_wait3A_78 = arith.constant 0 : i32
        %dma_wait3A_79 = tpu.memref_slice %arg11[%dma_wait3A_77, %dma_wait3A_78] : memref<1000x16xf32, #tpu.memory_space<vmem>> -> memref<125x16xf32, #tpu.memory_space<vmem>>
        %dma_wait3A_80 = arith.constant 0 : i32
        %dma_wait3A_81 = tpu.memref_slice %arg10[%add3A_67, %dma_wait3A_80] : memref<80x125xi32, #tpu.memory_space<vmem>> -> memref<1x125xi32, #tpu.memory_space<vmem>>
        %dma_wait3A_82 = tpu.memref_squeeze %dma_wait3A_81 : memref<1x125xi32, #tpu.memory_space<vmem>> -> memref<125xi32, #tpu.memory_space<vmem>>
        %dma_wait3A_83 = arith.constant 0 : i32
        %dma_wait3A_84 = arith.constant 0 : i32
        %dma_wait3A_85 = tpu.memref_slice %arg14[%dma_wait3A_83, %dma_wait3A_84] : memref<10240x16xf32, #tpu.memory_space<vmem_shared>> -> memref<10240x16xf32, #tpu.memory_space<vmem_shared>>
        tpu.wait_indirect_dma semaphore(%run_scoped3A : memref<!tpu.dma_semaphore, #tpu.memory_space<semaphore_mem>>) src(%dma_wait3A_79 : memref<125x16xf32, #tpu.memory_space<vmem>>) dst(%dma_wait3A_85 : memref<10240x16xf32, #tpu.memory_space<vmem_shared>>)
        tpu.yield
      }) : () -> ()
      "tpu.region"() ({
        %run_scoped3A = tpu.sem_alloc : memref<!tpu.dma_semaphore, #tpu.memory_space<semaphore_mem>>
        %dma_start3A_68 = arith.constant 0 : i32
        %dma_start3A_69 = tpu.memref_slice %arg9[%add3A_67, %dma_start3A_68] : memref<80x125xi32, #tpu.memory_space<vmem>> -> memref<1x125xi32, #tpu.memory_space<vmem>>
        %dma_start3A_70 = tpu.memref_squeeze %dma_start3A_69 : memref<1x125xi32, #tpu.memory_space<vmem>> -> memref<125xi32, #tpu.memory_space<vmem>>
        %dma_start3A_71 = arith.constant 0 : i32
        %dma_start3A_72 = arith.constant 0 : i32
        %dma_start3A_73 = tpu.memref_slice %arg15[%dma_start3A_71, %dma_start3A_72] : memref<10240x16xf32, #tpu.memory_space<vmem_shared>> -> memref<10240x16xf32, #tpu.memory_space<vmem_shared>>
        tpu.enqueue_indirect_dma source(%arg12 : memref<125x16xf32, #tpu.memory_space<vmem>>) target(%dma_start3A_73 : memref<10240x16xf32, #tpu.memory_space<vmem_shared>>) offsets(%dma_start3A_70 : memref<125xi32, #tpu.memory_space<vmem>>) semaphore(%run_scoped3A : memref<!tpu.dma_semaphore, #tpu.memory_space<semaphore_mem>>) {add = true}
        %dma_wait3A_74 = arith.constant 0 : i32
        %dma_wait3A_75 = tpu.memref_slice %arg9[%add3A_67, %dma_wait3A_74] : memref<80x125xi32, #tpu.memory_space<vmem>> -> memref<1x125xi32, #tpu.memory_space<vmem>>
        %dma_wait3A_76 = tpu.memref_squeeze %dma_wait3A_75 : memref<1x125xi32, #tpu.memory_space<vmem>> -> memref<125xi32, #tpu.memory_space<vmem>>
        %dma_wait3A_77 = arith.constant 0 : i32
        %dma_wait3A_78 = arith.constant 0 : i32
        %dma_wait3A_79 = tpu.memref_slice %arg15[%dma_wait3A_77, %dma_wait3A_78] : memref<10240x16xf32, #tpu.memory_space<vmem_shared>> -> memref<10240x16xf32, #tpu.memory_space<vmem_shared>>
        tpu.wait_indirect_dma semaphore(%run_scoped3A : memref<!tpu.dma_semaphore, #tpu.memory_space<semaphore_mem>>) src(%arg12 : memref<125x16xf32, #tpu.memory_space<vmem>>) dst(%dma_wait3A_79 : memref<10240x16xf32, #tpu.memory_space<vmem_shared>>)
        tpu.yield
      }) : () -> ()
      "tpu.region"() ({
        %run_scoped3A = tpu.sem_alloc : memref<!tpu.dma_semaphore, #tpu.memory_space<semaphore_mem>>
        %dma_start3A_68 = arith.constant 0 : i32
        %dma_start3A_69 = tpu.memref_slice %arg10[%add3A_67, %dma_start3A_68] : memref<80x125xi32, #tpu.memory_space<vmem>> -> memref<1x125xi32, #tpu.memory_space<vmem>>
        %dma_start3A_70 = tpu.memref_squeeze %dma_start3A_69 : memref<1x125xi32, #tpu.memory_space<vmem>> -> memref<125xi32, #tpu.memory_space<vmem>>
        %dma_start3A_71 = arith.constant 0 : i32
        %dma_start3A_72 = arith.constant 0 : i32
        %dma_start3A_73 = tpu.memref_slice %arg15[%dma_start3A_71, %dma_start3A_72] : memref<10240x16xf32, #tpu.memory_space<vmem_shared>> -> memref<10240x16xf32, #tpu.memory_space<vmem_shared>>
        tpu.enqueue_indirect_dma source(%arg12 : memref<125x16xf32, #tpu.memory_space<vmem>>) target(%dma_start3A_73 : memref<10240x16xf32, #tpu.memory_space<vmem_shared>>) offsets(%dma_start3A_70 : memref<125xi32, #tpu.memory_space<vmem>>) semaphore(%run_scoped3A : memref<!tpu.dma_semaphore, #tpu.memory_space<semaphore_mem>>) {add = true}
        %dma_wait3A_74 = arith.constant 0 : i32
        %dma_wait3A_75 = tpu.memref_slice %arg10[%add3A_67, %dma_wait3A_74] : memref<80x125xi32, #tpu.memory_space<vmem>> -> memref<1x125xi32, #tpu.memory_space<vmem>>
        %dma_wait3A_76 = tpu.memref_squeeze %dma_wait3A_75 : memref<1x125xi32, #tpu.memory_space<vmem>> -> memref<125xi32, #tpu.memory_space<vmem>>
        %dma_wait3A_77 = arith.constant 0 : i32
        %dma_wait3A_78 = arith.constant 0 : i32
        %dma_wait3A_79 = tpu.memref_slice %arg15[%dma_wait3A_77, %dma_wait3A_78] : memref<10240x16xf32, #tpu.memory_space<vmem_shared>> -> memref<10240x16xf32, #tpu.memory_space<vmem_shared>>
        tpu.wait_indirect_dma semaphore(%run_scoped3A : memref<!tpu.dma_semaphore, #tpu.memory_space<semaphore_mem>>) src(%arg12 : memref<125x16xf32, #tpu.memory_space<vmem>>) dst(%dma_wait3A_79 : memref<10240x16xf32, #tpu.memory_space<vmem_shared>>)
        tpu.yield
      }) : () -> ()
    }
    %scan3A_24 = arith.constant 10 : i32
    %barrier3A_25 = arith.constant 0 : index
    tpu.barrier barrier_id(%barrier3A_25)
    "tpu.region"() ({
      %run_scoped3A = tpu.sem_alloc : memref<!tpu.dma_semaphore, #tpu.memory_space<semaphore_mem>>
      %dma_start3A_26 = arith.constant 0 : i32
      %dma_start3A_27 = tpu.memref_slice %arg14[%mul3A_2, %dma_start3A_26] : memref<10240x16xf32, #tpu.memory_space<vmem_shared>> -> memref<640x16xf32, #tpu.memory_space<vmem_shared>>
      %dma_start3A_28 = arith.constant 0 : i32
      %dma_start3A_29 = tpu.memref_slice %arg14[%mul3A_2, %dma_start3A_28] : memref<10240x16xf32, #tpu.memory_space<vmem_shared>> -> memref<640x16xf32, #tpu.memory_space<vmem_shared>>
      tpu.enqueue_dma source(%dma_start3A_29 : memref<640x16xf32, #tpu.memory_space<vmem_shared>>) target(%arg13 : memref<640x16xf32, #tpu.memory_space<vmem>>) target_semaphore(%run_scoped3A : memref<!tpu.dma_semaphore, #tpu.memory_space<semaphore_mem>>)
      %dma_wait3A_30 = arith.constant 0 : i32
      %dma_wait3A_31 = tpu.memref_slice %arg14[%mul3A_2, %dma_wait3A_30] : memref<10240x16xf32, #tpu.memory_space<vmem_shared>> -> memref<640x16xf32, #tpu.memory_space<vmem_shared>>
      %dma_wait3A_32 = arith.constant 0 : i32
      %dma_wait3A_33 = tpu.memref_slice %arg14[%mul3A_2, %dma_wait3A_32] : memref<10240x16xf32, #tpu.memory_space<vmem_shared>> -> memref<640x16xf32, #tpu.memory_space<vmem_shared>>
      tpu.wait_dma2 semaphore(%run_scoped3A : memref<!tpu.dma_semaphore, #tpu.memory_space<semaphore_mem>>) src(%dma_wait3A_33 : memref<640x16xf32, #tpu.memory_space<vmem_shared>>) dst(%arg13 : memref<640x16xf32, #tpu.memory_space<vmem>>)
      tpu.yield
    }) : () -> ()
    "tpu.region"() ({
      %run_scoped3A = tpu.sem_alloc : memref<!tpu.dma_semaphore, #tpu.memory_space<semaphore_mem>>
      %dma_start3A_26 = arith.constant 0 : i32
      %dma_start3A_27 = tpu.memref_slice %arg7[%arg0, %mul3A_2, %dma_start3A_26] : memref<2x10240x16xf32, #tpu.memory_space<hbm>> -> memref<1x640x16xf32, #tpu.memory_space<hbm>>
      %dma_start3A_28 = tpu.memref_squeeze %dma_start3A_27 : memref<1x640x16xf32, #tpu.memory_space<hbm>> -> memref<640x16xf32, #tpu.memory_space<hbm>>
      %dma_start3A_29 = arith.constant 0 : i32
      %dma_start3A_30 = tpu.memref_slice %arg7[%arg0, %mul3A_2, %dma_start3A_29] : memref<2x10240x16xf32, #tpu.memory_space<hbm>> -> memref<1x640x16xf32, #tpu.memory_space<hbm>>
      %dma_start3A_31 = tpu.memref_squeeze %dma_start3A_30 : memref<1x640x16xf32, #tpu.memory_space<hbm>> -> memref<640x16xf32, #tpu.memory_space<hbm>>
      tpu.enqueue_dma source(%arg13 : memref<640x16xf32, #tpu.memory_space<vmem>>) target(%dma_start3A_31 : memref<640x16xf32, #tpu.memory_space<hbm>>) target_semaphore(%run_scoped3A : memref<!tpu.dma_semaphore, #tpu.memory_space<semaphore_mem>>)
      %dma_wait3A_32 = arith.constant 0 : i32
      %dma_wait3A_33 = tpu.memref_slice %arg7[%arg0, %mul3A_2, %dma_wait3A_32] : memref<2x10240x16xf32, #tpu.memory_space<hbm>> -> memref<1x640x16xf32, #tpu.memory_space<hbm>>
      %dma_wait3A_34 = tpu.memref_squeeze %dma_wait3A_33 : memref<1x640x16xf32, #tpu.memory_space<hbm>> -> memref<640x16xf32, #tpu.memory_space<hbm>>
      %dma_wait3A_35 = arith.constant 0 : i32
      %dma_wait3A_36 = tpu.memref_slice %arg7[%arg0, %mul3A_2, %dma_wait3A_35] : memref<2x10240x16xf32, #tpu.memory_space<hbm>> -> memref<1x640x16xf32, #tpu.memory_space<hbm>>
      %dma_wait3A_37 = tpu.memref_squeeze %dma_wait3A_36 : memref<1x640x16xf32, #tpu.memory_space<hbm>> -> memref<640x16xf32, #tpu.memory_space<hbm>>
      tpu.wait_dma2 semaphore(%run_scoped3A : memref<!tpu.dma_semaphore, #tpu.memory_space<semaphore_mem>>) src(%arg13 : memref<640x16xf32, #tpu.memory_space<vmem>>) dst(%dma_wait3A_37 : memref<640x16xf32, #tpu.memory_space<hbm>>)
      tpu.yield
    }) : () -> ()
    "tpu.region"() ({
      %run_scoped3A = tpu.sem_alloc : memref<!tpu.dma_semaphore, #tpu.memory_space<semaphore_mem>>
      %dma_start3A_26 = arith.constant 0 : i32
      %dma_start3A_27 = tpu.memref_slice %arg15[%mul3A_2, %dma_start3A_26] : memref<10240x16xf32, #tpu.memory_space<vmem_shared>> -> memref<640x16xf32, #tpu.memory_space<vmem_shared>>
      %dma_start3A_28 = arith.constant 0 : i32
      %dma_start3A_29 = tpu.memref_slice %arg15[%mul3A_2, %dma_start3A_28] : memref<10240x16xf32, #tpu.memory_space<vmem_shared>> -> memref<640x16xf32, #tpu.memory_space<vmem_shared>>
      tpu.enqueue_dma source(%dma_start3A_29 : memref<640x16xf32, #tpu.memory_space<vmem_shared>>) target(%arg13 : memref<640x16xf32, #tpu.memory_space<vmem>>) target_semaphore(%run_scoped3A : memref<!tpu.dma_semaphore, #tpu.memory_space<semaphore_mem>>)
      %dma_wait3A_30 = arith.constant 0 : i32
      %dma_wait3A_31 = tpu.memref_slice %arg15[%mul3A_2, %dma_wait3A_30] : memref<10240x16xf32, #tpu.memory_space<vmem_shared>> -> memref<640x16xf32, #tpu.memory_space<vmem_shared>>
      %dma_wait3A_32 = arith.constant 0 : i32
      %dma_wait3A_33 = tpu.memref_slice %arg15[%mul3A_2, %dma_wait3A_32] : memref<10240x16xf32, #tpu.memory_space<vmem_shared>> -> memref<640x16xf32, #tpu.memory_space<vmem_shared>>
      tpu.wait_dma2 semaphore(%run_scoped3A : memref<!tpu.dma_semaphore, #tpu.memory_space<semaphore_mem>>) src(%dma_wait3A_33 : memref<640x16xf32, #tpu.memory_space<vmem_shared>>) dst(%arg13 : memref<640x16xf32, #tpu.memory_space<vmem>>)
      tpu.yield
    }) : () -> ()
    "tpu.region"() ({
      %run_scoped3A = tpu.sem_alloc : memref<!tpu.dma_semaphore, #tpu.memory_space<semaphore_mem>>
      %dma_start3A_26 = arith.constant 0 : i32
      %dma_start3A_27 = tpu.memref_slice %arg8[%arg0, %mul3A_2, %dma_start3A_26] : memref<2x10240x16xf32, #tpu.memory_space<hbm>> -> memref<1x640x16xf32, #tpu.memory_space<hbm>>
      %dma_start3A_28 = tpu.memref_squeeze %dma_start3A_27 : memref<1x640x16xf32, #tpu.memory_space<hbm>> -> memref<640x16xf32, #tpu.memory_space<hbm>>
      %dma_start3A_29 = arith.constant 0 : i32
      %dma_start3A_30 = tpu.memref_slice %arg8[%arg0, %mul3A_2, %dma_start3A_29] : memref<2x10240x16xf32, #tpu.memory_space<hbm>> -> memref<1x640x16xf32, #tpu.memory_space<hbm>>
      %dma_start3A_31 = tpu.memref_squeeze %dma_start3A_30 : memref<1x640x16xf32, #tpu.memory_space<hbm>> -> memref<640x16xf32, #tpu.memory_space<hbm>>
      tpu.enqueue_dma source(%arg13 : memref<640x16xf32, #tpu.memory_space<vmem>>) target(%dma_start3A_31 : memref<640x16xf32, #tpu.memory_space<hbm>>) target_semaphore(%run_scoped3A : memref<!tpu.dma_semaphore, #tpu.memory_space<semaphore_mem>>)
      %dma_wait3A_32 = arith.constant 0 : i32
      %dma_wait3A_33 = tpu.memref_slice %arg8[%arg0, %mul3A_2, %dma_wait3A_32] : memref<2x10240x16xf32, #tpu.memory_space<hbm>> -> memref<1x640x16xf32, #tpu.memory_space<hbm>>
      %dma_wait3A_34 = tpu.memref_squeeze %dma_wait3A_33 : memref<1x640x16xf32, #tpu.memory_space<hbm>> -> memref<640x16xf32, #tpu.memory_space<hbm>>
      %dma_wait3A_35 = arith.constant 0 : i32
      %dma_wait3A_36 = tpu.memref_slice %arg8[%arg0, %mul3A_2, %dma_wait3A_35] : memref<2x10240x16xf32, #tpu.memory_space<hbm>> -> memref<1x640x16xf32, #tpu.memory_space<hbm>>
      %dma_wait3A_37 = tpu.memref_squeeze %dma_wait3A_36 : memref<1x640x16xf32, #tpu.memory_space<hbm>> -> memref<640x16xf32, #tpu.memory_space<hbm>>
      tpu.wait_dma2 semaphore(%run_scoped3A : memref<!tpu.dma_semaphore, #tpu.memory_space<semaphore_mem>>) src(%arg13 : memref<640x16xf32, #tpu.memory_space<vmem>>) dst(%dma_wait3A_37 : memref<640x16xf32, #tpu.memory_space<hbm>>)
      tpu.yield
    }) : () -> ()
    return
  }
}

#map = affine_map<(d0, d1) -> (0, 0)>
module attributes {stable_mosaic.version = 14 : i64} {
  func.func @_sc_gather_body(%arg0: i32, %arg1: i32, %arg2: memref<10000x16xf32, #tpu.memory_space<hbm>>, %arg3: memref<10000x16xf32, #tpu.memory_space<hbm>>, %arg4: memref<2560x125xi32, #tpu.memory_space<hbm>>, %arg5: memref<2560x125xi32, #tpu.memory_space<hbm>>, %arg6: memref<320000x16xf32, #tpu.memory_space<hbm>>, %arg7: memref<320000x16xf32, #tpu.memory_space<hbm>>, %arg8: memref<80x125xi32, #tpu.memory_space<vmem>>, %arg9: memref<80x125xi32, #tpu.memory_space<vmem>>, %arg10: memref<1000x16xf32, #tpu.memory_space<vmem>>, %arg11: memref<1000x16xf32, #tpu.memory_space<vmem>>, %arg12: memref<!tpu.dma_semaphore, #tpu.memory_space<semaphore_mem>>, %arg13: memref<!tpu.dma_semaphore, #tpu.memory_space<semaphore_mem>>, %arg14: memref<!tpu.dma_semaphore, #tpu.memory_space<semaphore_mem>>) attributes {dimension_semantics = [#tpu.dimension_semantics<core_parallel>, #tpu.dimension_semantics<subcore_parallel>], iteration_bounds = array<i64: 2, 16>, scalar_prefetch = 0 : i64, scratch_operands = 7 : i64, tpu.core_type = #tpu.core_type<sc_vector_subcore>, window_params = [{transform_indices = #map}, {transform_indices = #map}, {transform_indices = #map}, {transform_indices = #map}, {transform_indices = #map}, {transform_indices = #map}]} {
    %mul3A = arith.constant 2 : i32
    %mul3A_0 = arith.muli %arg1, %mul3A : i32
    %add3A = arith.addi %mul3A_0, %arg0 : i32
    %mul3A_1 = arith.constant 80 : i32
    %mul3A_2 = arith.muli %add3A, %mul3A_1 : i32
    %dma_start3A = arith.constant 0 : i32
    %dma_start3A_3 = tpu.memref_slice %arg4[%mul3A_2, %dma_start3A] : memref<2560x125xi32, #tpu.memory_space<hbm>> -> memref<80x125xi32, #tpu.memory_space<hbm>>
    %dma_start3A_4 = arith.constant 0 : i32
    %dma_start3A_5 = tpu.memref_slice %arg4[%mul3A_2, %dma_start3A_4] : memref<2560x125xi32, #tpu.memory_space<hbm>> -> memref<80x125xi32, #tpu.memory_space<hbm>>
    tpu.enqueue_dma source(%dma_start3A_5 : memref<80x125xi32, #tpu.memory_space<hbm>>) target(%arg8 : memref<80x125xi32, #tpu.memory_space<vmem>>) target_semaphore(%arg12 : memref<!tpu.dma_semaphore, #tpu.memory_space<semaphore_mem>>)
    %mul3A_6 = arith.constant 80 : i32
    %mul3A_7 = arith.muli %add3A, %mul3A_6 : i32
    %dma_start3A_8 = arith.constant 0 : i32
    %dma_start3A_9 = tpu.memref_slice %arg5[%mul3A_7, %dma_start3A_8] : memref<2560x125xi32, #tpu.memory_space<hbm>> -> memref<80x125xi32, #tpu.memory_space<hbm>>
    %dma_start3A_10 = arith.constant 0 : i32
    %dma_start3A_11 = tpu.memref_slice %arg5[%mul3A_7, %dma_start3A_10] : memref<2560x125xi32, #tpu.memory_space<hbm>> -> memref<80x125xi32, #tpu.memory_space<hbm>>
    tpu.enqueue_dma source(%dma_start3A_11 : memref<80x125xi32, #tpu.memory_space<hbm>>) target(%arg9 : memref<80x125xi32, #tpu.memory_space<vmem>>) target_semaphore(%arg12 : memref<!tpu.dma_semaphore, #tpu.memory_space<semaphore_mem>>)
    %dma_wait3A = arith.constant 0 : i32
    %dma_wait3A_12 = tpu.memref_slice %arg4[%mul3A_2, %dma_wait3A] : memref<2560x125xi32, #tpu.memory_space<hbm>> -> memref<80x125xi32, #tpu.memory_space<hbm>>
    %dma_wait3A_13 = arith.constant 0 : i32
    %dma_wait3A_14 = tpu.memref_slice %arg4[%mul3A_2, %dma_wait3A_13] : memref<2560x125xi32, #tpu.memory_space<hbm>> -> memref<80x125xi32, #tpu.memory_space<hbm>>
    tpu.wait_dma2 semaphore(%arg12 : memref<!tpu.dma_semaphore, #tpu.memory_space<semaphore_mem>>) src(%dma_wait3A_14 : memref<80x125xi32, #tpu.memory_space<hbm>>) dst(%arg8 : memref<80x125xi32, #tpu.memory_space<vmem>>)
    %dma_wait3A_15 = arith.constant 0 : i32
    %dma_wait3A_16 = tpu.memref_slice %arg5[%mul3A_7, %dma_wait3A_15] : memref<2560x125xi32, #tpu.memory_space<hbm>> -> memref<80x125xi32, #tpu.memory_space<hbm>>
    %dma_wait3A_17 = arith.constant 0 : i32
    %dma_wait3A_18 = tpu.memref_slice %arg5[%mul3A_7, %dma_wait3A_17] : memref<2560x125xi32, #tpu.memory_space<hbm>> -> memref<80x125xi32, #tpu.memory_space<hbm>>
    tpu.wait_dma2 semaphore(%arg12 : memref<!tpu.dma_semaphore, #tpu.memory_space<semaphore_mem>>) src(%dma_wait3A_18 : memref<80x125xi32, #tpu.memory_space<hbm>>) dst(%arg9 : memref<80x125xi32, #tpu.memory_space<vmem>>)
    %scan3A = arith.constant 0 : i32
    %scan3A_19 = arith.constant 10 : i32
    %scan3A_20 = arith.addi %scan3A, %scan3A_19 : i32
    %scan3A_21 = arith.constant 1 : i32
    scf.for %scan3A_35 = %scan3A to %scan3A_20 step %scan3A_21  : i32 {
      %mul3A_36 = arith.constant 1 : i32
      %mul3A_37 = arith.muli %scan3A_35, %mul3A_36 : i32
      %add3A_38 = arith.constant 0 : i32
      %add3A_39 = arith.addi %add3A_38, %mul3A_37 : i32
      %mul3A_40 = arith.constant 10000 : i32
      %mul3A_41 = arith.muli %add3A, %mul3A_40 : i32
      %mul3A_42 = arith.constant 1000 : i32
      %mul3A_43 = arith.muli %add3A_39, %mul3A_42 : i32
      %add3A_44 = arith.addi %mul3A_41, %mul3A_43 : i32
      %gt3A = arith.constant 0 : i32
      %gt3A_45 = arith.cmpi sgt, %add3A_39, %gt3A : i32
      %convert_element_type3A = arith.extui %gt3A_45 : i1 to i32
      %cond3A = arith.constant 0 : i32
      %cond3A_46 = arith.cmpi ne, %convert_element_type3A, %cond3A : i32
      scf.if %cond3A_46 {
        %dma_wait3A_375 = arith.constant 0 : i32
        %dma_wait3A_376 = tpu.memref_slice %arg6[%add3A_44, %dma_wait3A_375] : memref<320000x16xf32, #tpu.memory_space<hbm>> -> memref<1000x16xf32, #tpu.memory_space<hbm>>
        %dma_wait3A_377 = arith.constant 0 : i32
        %dma_wait3A_378 = tpu.memref_slice %arg6[%add3A_44, %dma_wait3A_377] : memref<320000x16xf32, #tpu.memory_space<hbm>> -> memref<1000x16xf32, #tpu.memory_space<hbm>>
        tpu.wait_dma2 semaphore(%arg14 : memref<!tpu.dma_semaphore, #tpu.memory_space<semaphore_mem>>) src(%arg10 : memref<1000x16xf32, #tpu.memory_space<vmem>>) dst(%dma_wait3A_378 : memref<1000x16xf32, #tpu.memory_space<hbm>>)
        %dma_wait3A_379 = arith.constant 0 : i32
        %dma_wait3A_380 = tpu.memref_slice %arg7[%add3A_44, %dma_wait3A_379] : memref<320000x16xf32, #tpu.memory_space<hbm>> -> memref<1000x16xf32, #tpu.memory_space<hbm>>
        %dma_wait3A_381 = arith.constant 0 : i32
        %dma_wait3A_382 = tpu.memref_slice %arg7[%add3A_44, %dma_wait3A_381] : memref<320000x16xf32, #tpu.memory_space<hbm>> -> memref<1000x16xf32, #tpu.memory_space<hbm>>
        tpu.wait_dma2 semaphore(%arg14 : memref<!tpu.dma_semaphore, #tpu.memory_space<semaphore_mem>>) src(%arg11 : memref<1000x16xf32, #tpu.memory_space<vmem>>) dst(%dma_wait3A_382 : memref<1000x16xf32, #tpu.memory_space<hbm>>)
      } else {
      }
      %mul3A_47 = arith.constant 8 : i32
      %mul3A_48 = arith.muli %add3A_39, %mul3A_47 : i32
      %add3A_49 = arith.constant 0 : i32
      %add3A_50 = arith.addi %mul3A_48, %add3A_49 : i32
      %dma_start3A_51 = arith.constant 0 : i32
      %dma_start3A_52 = arith.constant 0 : i32
      %dma_start3A_53 = tpu.memref_slice %arg10[%dma_start3A_51, %dma_start3A_52] : memref<1000x16xf32, #tpu.memory_space<vmem>> -> memref<125x16xf32, #tpu.memory_space<vmem>>
      %dma_start3A_54 = arith.constant 0 : i32
      %dma_start3A_55 = tpu.memref_slice %arg8[%add3A_50, %dma_start3A_54] : memref<80x125xi32, #tpu.memory_space<vmem>> -> memref<1x125xi32, #tpu.memory_space<vmem>>
      %dma_start3A_56 = tpu.memref_squeeze %dma_start3A_55 : memref<1x125xi32, #tpu.memory_space<vmem>> -> memref<125xi32, #tpu.memory_space<vmem>>
      %dma_start3A_57 = arith.constant 0 : i32
      %dma_start3A_58 = arith.constant 0 : i32
      %dma_start3A_59 = tpu.memref_slice %arg2[%dma_start3A_57, %dma_start3A_58] : memref<10000x16xf32, #tpu.memory_space<hbm>> -> memref<10000x16xf32, #tpu.memory_space<hbm>>
      tpu.enqueue_indirect_dma source(%dma_start3A_59 : memref<10000x16xf32, #tpu.memory_space<hbm>>) target(%dma_start3A_53 : memref<125x16xf32, #tpu.memory_space<vmem>>) offsets(%dma_start3A_56 : memref<125xi32, #tpu.memory_space<vmem>>) semaphore(%arg13 : memref<!tpu.dma_semaphore, #tpu.memory_space<semaphore_mem>>)
      %dma_start3A_60 = arith.constant 0 : i32
      %dma_start3A_61 = arith.constant 0 : i32
      %dma_start3A_62 = tpu.memref_slice %arg11[%dma_start3A_60, %dma_start3A_61] : memref<1000x16xf32, #tpu.memory_space<vmem>> -> memref<125x16xf32, #tpu.memory_space<vmem>>
      %dma_start3A_63 = arith.constant 0 : i32
      %dma_start3A_64 = tpu.memref_slice %arg9[%add3A_50, %dma_start3A_63] : memref<80x125xi32, #tpu.memory_space<vmem>> -> memref<1x125xi32, #tpu.memory_space<vmem>>
      %dma_start3A_65 = tpu.memref_squeeze %dma_start3A_64 : memref<1x125xi32, #tpu.memory_space<vmem>> -> memref<125xi32, #tpu.memory_space<vmem>>
      %dma_start3A_66 = arith.constant 0 : i32
      %dma_start3A_67 = arith.constant 0 : i32
      %dma_start3A_68 = tpu.memref_slice %arg3[%dma_start3A_66, %dma_start3A_67] : memref<10000x16xf32, #tpu.memory_space<hbm>> -> memref<10000x16xf32, #tpu.memory_space<hbm>>
      tpu.enqueue_indirect_dma source(%dma_start3A_68 : memref<10000x16xf32, #tpu.memory_space<hbm>>) target(%dma_start3A_62 : memref<125x16xf32, #tpu.memory_space<vmem>>) offsets(%dma_start3A_65 : memref<125xi32, #tpu.memory_space<vmem>>) semaphore(%arg13 : memref<!tpu.dma_semaphore, #tpu.memory_space<semaphore_mem>>)
      %mul3A_69 = arith.constant 8 : i32
      %mul3A_70 = arith.muli %add3A_39, %mul3A_69 : i32
      %add3A_71 = arith.constant 1 : i32
      %add3A_72 = arith.addi %mul3A_70, %add3A_71 : i32
      %dma_start3A_73 = arith.constant 125 : i32
      %dma_start3A_74 = arith.constant 0 : i32
      %dma_start3A_75 = tpu.memref_slice %arg10[%dma_start3A_73, %dma_start3A_74] : memref<1000x16xf32, #tpu.memory_space<vmem>> -> memref<125x16xf32, #tpu.memory_space<vmem>>
      %dma_start3A_76 = arith.constant 0 : i32
      %dma_start3A_77 = tpu.memref_slice %arg8[%add3A_72, %dma_start3A_76] : memref<80x125xi32, #tpu.memory_space<vmem>> -> memref<1x125xi32, #tpu.memory_space<vmem>>
      %dma_start3A_78 = tpu.memref_squeeze %dma_start3A_77 : memref<1x125xi32, #tpu.memory_space<vmem>> -> memref<125xi32, #tpu.memory_space<vmem>>
      %dma_start3A_79 = arith.constant 0 : i32
      %dma_start3A_80 = arith.constant 0 : i32
      %dma_start3A_81 = tpu.memref_slice %arg2[%dma_start3A_79, %dma_start3A_80] : memref<10000x16xf32, #tpu.memory_space<hbm>> -> memref<10000x16xf32, #tpu.memory_space<hbm>>
      tpu.enqueue_indirect_dma source(%dma_start3A_81 : memref<10000x16xf32, #tpu.memory_space<hbm>>) target(%dma_start3A_75 : memref<125x16xf32, #tpu.memory_space<vmem>>) offsets(%dma_start3A_78 : memref<125xi32, #tpu.memory_space<vmem>>) semaphore(%arg13 : memref<!tpu.dma_semaphore, #tpu.memory_space<semaphore_mem>>)
      %dma_start3A_82 = arith.constant 125 : i32
      %dma_start3A_83 = arith.constant 0 : i32
      %dma_start3A_84 = tpu.memref_slice %arg11[%dma_start3A_82, %dma_start3A_83] : memref<1000x16xf32, #tpu.memory_space<vmem>> -> memref<125x16xf32, #tpu.memory_space<vmem>>
      %dma_start3A_85 = arith.constant 0 : i32
      %dma_start3A_86 = tpu.memref_slice %arg9[%add3A_72, %dma_start3A_85] : memref<80x125xi32, #tpu.memory_space<vmem>> -> memref<1x125xi32, #tpu.memory_space<vmem>>
      %dma_start3A_87 = tpu.memref_squeeze %dma_start3A_86 : memref<1x125xi32, #tpu.memory_space<vmem>> -> memref<125xi32, #tpu.memory_space<vmem>>
      %dma_start3A_88 = arith.constant 0 : i32
      %dma_start3A_89 = arith.constant 0 : i32
      %dma_start3A_90 = tpu.memref_slice %arg3[%dma_start3A_88, %dma_start3A_89] : memref<10000x16xf32, #tpu.memory_space<hbm>> -> memref<10000x16xf32, #tpu.memory_space<hbm>>
      tpu.enqueue_indirect_dma source(%dma_start3A_90 : memref<10000x16xf32, #tpu.memory_space<hbm>>) target(%dma_start3A_84 : memref<125x16xf32, #tpu.memory_space<vmem>>) offsets(%dma_start3A_87 : memref<125xi32, #tpu.memory_space<vmem>>) semaphore(%arg13 : memref<!tpu.dma_semaphore, #tpu.memory_space<semaphore_mem>>)
      %mul3A_91 = arith.constant 8 : i32
      %mul3A_92 = arith.muli %add3A_39, %mul3A_91 : i32
      %add3A_93 = arith.constant 2 : i32
      %add3A_94 = arith.addi %mul3A_92, %add3A_93 : i32
      %dma_start3A_95 = arith.constant 250 : i32
      %dma_start3A_96 = arith.constant 0 : i32
      %dma_start3A_97 = tpu.memref_slice %arg10[%dma_start3A_95, %dma_start3A_96] : memref<1000x16xf32, #tpu.memory_space<vmem>> -> memref<125x16xf32, #tpu.memory_space<vmem>>
      %dma_start3A_98 = arith.constant 0 : i32
      %dma_start3A_99 = tpu.memref_slice %arg8[%add3A_94, %dma_start3A_98] : memref<80x125xi32, #tpu.memory_space<vmem>> -> memref<1x125xi32, #tpu.memory_space<vmem>>
      %dma_start3A_100 = tpu.memref_squeeze %dma_start3A_99 : memref<1x125xi32, #tpu.memory_space<vmem>> -> memref<125xi32, #tpu.memory_space<vmem>>
      %dma_start3A_101 = arith.constant 0 : i32
      %dma_start3A_102 = arith.constant 0 : i32
      %dma_start3A_103 = tpu.memref_slice %arg2[%dma_start3A_101, %dma_start3A_102] : memref<10000x16xf32, #tpu.memory_space<hbm>> -> memref<10000x16xf32, #tpu.memory_space<hbm>>
      tpu.enqueue_indirect_dma source(%dma_start3A_103 : memref<10000x16xf32, #tpu.memory_space<hbm>>) target(%dma_start3A_97 : memref<125x16xf32, #tpu.memory_space<vmem>>) offsets(%dma_start3A_100 : memref<125xi32, #tpu.memory_space<vmem>>) semaphore(%arg13 : memref<!tpu.dma_semaphore, #tpu.memory_space<semaphore_mem>>)
      %dma_start3A_104 = arith.constant 250 : i32
      %dma_start3A_105 = arith.constant 0 : i32
      %dma_start3A_106 = tpu.memref_slice %arg11[%dma_start3A_104, %dma_start3A_105] : memref<1000x16xf32, #tpu.memory_space<vmem>> -> memref<125x16xf32, #tpu.memory_space<vmem>>
      %dma_start3A_107 = arith.constant 0 : i32
      %dma_start3A_108 = tpu.memref_slice %arg9[%add3A_94, %dma_start3A_107] : memref<80x125xi32, #tpu.memory_space<vmem>> -> memref<1x125xi32, #tpu.memory_space<vmem>>
      %dma_start3A_109 = tpu.memref_squeeze %dma_start3A_108 : memref<1x125xi32, #tpu.memory_space<vmem>> -> memref<125xi32, #tpu.memory_space<vmem>>
      %dma_start3A_110 = arith.constant 0 : i32
      %dma_start3A_111 = arith.constant 0 : i32
      %dma_start3A_112 = tpu.memref_slice %arg3[%dma_start3A_110, %dma_start3A_111] : memref<10000x16xf32, #tpu.memory_space<hbm>> -> memref<10000x16xf32, #tpu.memory_space<hbm>>
      tpu.enqueue_indirect_dma source(%dma_start3A_112 : memref<10000x16xf32, #tpu.memory_space<hbm>>) target(%dma_start3A_106 : memref<125x16xf32, #tpu.memory_space<vmem>>) offsets(%dma_start3A_109 : memref<125xi32, #tpu.memory_space<vmem>>) semaphore(%arg13 : memref<!tpu.dma_semaphore, #tpu.memory_space<semaphore_mem>>)
      %mul3A_113 = arith.constant 8 : i32
      %mul3A_114 = arith.muli %add3A_39, %mul3A_113 : i32
      %add3A_115 = arith.constant 3 : i32
      %add3A_116 = arith.addi %mul3A_114, %add3A_115 : i32
      %dma_start3A_117 = arith.constant 375 : i32
      %dma_start3A_118 = arith.constant 0 : i32
      %dma_start3A_119 = tpu.memref_slice %arg10[%dma_start3A_117, %dma_start3A_118] : memref<1000x16xf32, #tpu.memory_space<vmem>> -> memref<125x16xf32, #tpu.memory_space<vmem>>
      %dma_start3A_120 = arith.constant 0 : i32
      %dma_start3A_121 = tpu.memref_slice %arg8[%add3A_116, %dma_start3A_120] : memref<80x125xi32, #tpu.memory_space<vmem>> -> memref<1x125xi32, #tpu.memory_space<vmem>>
      %dma_start3A_122 = tpu.memref_squeeze %dma_start3A_121 : memref<1x125xi32, #tpu.memory_space<vmem>> -> memref<125xi32, #tpu.memory_space<vmem>>
      %dma_start3A_123 = arith.constant 0 : i32
      %dma_start3A_124 = arith.constant 0 : i32
      %dma_start3A_125 = tpu.memref_slice %arg2[%dma_start3A_123, %dma_start3A_124] : memref<10000x16xf32, #tpu.memory_space<hbm>> -> memref<10000x16xf32, #tpu.memory_space<hbm>>
      tpu.enqueue_indirect_dma source(%dma_start3A_125 : memref<10000x16xf32, #tpu.memory_space<hbm>>) target(%dma_start3A_119 : memref<125x16xf32, #tpu.memory_space<vmem>>) offsets(%dma_start3A_122 : memref<125xi32, #tpu.memory_space<vmem>>) semaphore(%arg13 : memref<!tpu.dma_semaphore, #tpu.memory_space<semaphore_mem>>)
      %dma_start3A_126 = arith.constant 375 : i32
      %dma_start3A_127 = arith.constant 0 : i32
      %dma_start3A_128 = tpu.memref_slice %arg11[%dma_start3A_126, %dma_start3A_127] : memref<1000x16xf32, #tpu.memory_space<vmem>> -> memref<125x16xf32, #tpu.memory_space<vmem>>
      %dma_start3A_129 = arith.constant 0 : i32
      %dma_start3A_130 = tpu.memref_slice %arg9[%add3A_116, %dma_start3A_129] : memref<80x125xi32, #tpu.memory_space<vmem>> -> memref<1x125xi32, #tpu.memory_space<vmem>>
      %dma_start3A_131 = tpu.memref_squeeze %dma_start3A_130 : memref<1x125xi32, #tpu.memory_space<vmem>> -> memref<125xi32, #tpu.memory_space<vmem>>
      %dma_start3A_132 = arith.constant 0 : i32
      %dma_start3A_133 = arith.constant 0 : i32
      %dma_start3A_134 = tpu.memref_slice %arg3[%dma_start3A_132, %dma_start3A_133] : memref<10000x16xf32, #tpu.memory_space<hbm>> -> memref<10000x16xf32, #tpu.memory_space<hbm>>
      tpu.enqueue_indirect_dma source(%dma_start3A_134 : memref<10000x16xf32, #tpu.memory_space<hbm>>) target(%dma_start3A_128 : memref<125x16xf32, #tpu.memory_space<vmem>>) offsets(%dma_start3A_131 : memref<125xi32, #tpu.memory_space<vmem>>) semaphore(%arg13 : memref<!tpu.dma_semaphore, #tpu.memory_space<semaphore_mem>>)
      %mul3A_135 = arith.constant 8 : i32
      %mul3A_136 = arith.muli %add3A_39, %mul3A_135 : i32
      %add3A_137 = arith.constant 4 : i32
      %add3A_138 = arith.addi %mul3A_136, %add3A_137 : i32
      %dma_start3A_139 = arith.constant 500 : i32
      %dma_start3A_140 = arith.constant 0 : i32
      %dma_start3A_141 = tpu.memref_slice %arg10[%dma_start3A_139, %dma_start3A_140] : memref<1000x16xf32, #tpu.memory_space<vmem>> -> memref<125x16xf32, #tpu.memory_space<vmem>>
      %dma_start3A_142 = arith.constant 0 : i32
      %dma_start3A_143 = tpu.memref_slice %arg8[%add3A_138, %dma_start3A_142] : memref<80x125xi32, #tpu.memory_space<vmem>> -> memref<1x125xi32, #tpu.memory_space<vmem>>
      %dma_start3A_144 = tpu.memref_squeeze %dma_start3A_143 : memref<1x125xi32, #tpu.memory_space<vmem>> -> memref<125xi32, #tpu.memory_space<vmem>>
      %dma_start3A_145 = arith.constant 0 : i32
      %dma_start3A_146 = arith.constant 0 : i32
      %dma_start3A_147 = tpu.memref_slice %arg2[%dma_start3A_145, %dma_start3A_146] : memref<10000x16xf32, #tpu.memory_space<hbm>> -> memref<10000x16xf32, #tpu.memory_space<hbm>>
      tpu.enqueue_indirect_dma source(%dma_start3A_147 : memref<10000x16xf32, #tpu.memory_space<hbm>>) target(%dma_start3A_141 : memref<125x16xf32, #tpu.memory_space<vmem>>) offsets(%dma_start3A_144 : memref<125xi32, #tpu.memory_space<vmem>>) semaphore(%arg13 : memref<!tpu.dma_semaphore, #tpu.memory_space<semaphore_mem>>)
      %dma_start3A_148 = arith.constant 500 : i32
      %dma_start3A_149 = arith.constant 0 : i32
      %dma_start3A_150 = tpu.memref_slice %arg11[%dma_start3A_148, %dma_start3A_149] : memref<1000x16xf32, #tpu.memory_space<vmem>> -> memref<125x16xf32, #tpu.memory_space<vmem>>
      %dma_start3A_151 = arith.constant 0 : i32
      %dma_start3A_152 = tpu.memref_slice %arg9[%add3A_138, %dma_start3A_151] : memref<80x125xi32, #tpu.memory_space<vmem>> -> memref<1x125xi32, #tpu.memory_space<vmem>>
      %dma_start3A_153 = tpu.memref_squeeze %dma_start3A_152 : memref<1x125xi32, #tpu.memory_space<vmem>> -> memref<125xi32, #tpu.memory_space<vmem>>
      %dma_start3A_154 = arith.constant 0 : i32
      %dma_start3A_155 = arith.constant 0 : i32
      %dma_start3A_156 = tpu.memref_slice %arg3[%dma_start3A_154, %dma_start3A_155] : memref<10000x16xf32, #tpu.memory_space<hbm>> -> memref<10000x16xf32, #tpu.memory_space<hbm>>
      tpu.enqueue_indirect_dma source(%dma_start3A_156 : memref<10000x16xf32, #tpu.memory_space<hbm>>) target(%dma_start3A_150 : memref<125x16xf32, #tpu.memory_space<vmem>>) offsets(%dma_start3A_153 : memref<125xi32, #tpu.memory_space<vmem>>) semaphore(%arg13 : memref<!tpu.dma_semaphore, #tpu.memory_space<semaphore_mem>>)
      %mul3A_157 = arith.constant 8 : i32
      %mul3A_158 = arith.muli %add3A_39, %mul3A_157 : i32
      %add3A_159 = arith.constant 5 : i32
      %add3A_160 = arith.addi %mul3A_158, %add3A_159 : i32
      %dma_start3A_161 = arith.constant 625 : i32
      %dma_start3A_162 = arith.constant 0 : i32
      %dma_start3A_163 = tpu.memref_slice %arg10[%dma_start3A_161, %dma_start3A_162] : memref<1000x16xf32, #tpu.memory_space<vmem>> -> memref<125x16xf32, #tpu.memory_space<vmem>>
      %dma_start3A_164 = arith.constant 0 : i32
      %dma_start3A_165 = tpu.memref_slice %arg8[%add3A_160, %dma_start3A_164] : memref<80x125xi32, #tpu.memory_space<vmem>> -> memref<1x125xi32, #tpu.memory_space<vmem>>
      %dma_start3A_166 = tpu.memref_squeeze %dma_start3A_165 : memref<1x125xi32, #tpu.memory_space<vmem>> -> memref<125xi32, #tpu.memory_space<vmem>>
      %dma_start3A_167 = arith.constant 0 : i32
      %dma_start3A_168 = arith.constant 0 : i32
      %dma_start3A_169 = tpu.memref_slice %arg2[%dma_start3A_167, %dma_start3A_168] : memref<10000x16xf32, #tpu.memory_space<hbm>> -> memref<10000x16xf32, #tpu.memory_space<hbm>>
      tpu.enqueue_indirect_dma source(%dma_start3A_169 : memref<10000x16xf32, #tpu.memory_space<hbm>>) target(%dma_start3A_163 : memref<125x16xf32, #tpu.memory_space<vmem>>) offsets(%dma_start3A_166 : memref<125xi32, #tpu.memory_space<vmem>>) semaphore(%arg13 : memref<!tpu.dma_semaphore, #tpu.memory_space<semaphore_mem>>)
      %dma_start3A_170 = arith.constant 625 : i32
      %dma_start3A_171 = arith.constant 0 : i32
      %dma_start3A_172 = tpu.memref_slice %arg11[%dma_start3A_170, %dma_start3A_171] : memref<1000x16xf32, #tpu.memory_space<vmem>> -> memref<125x16xf32, #tpu.memory_space<vmem>>
      %dma_start3A_173 = arith.constant 0 : i32
      %dma_start3A_174 = tpu.memref_slice %arg9[%add3A_160, %dma_start3A_173] : memref<80x125xi32, #tpu.memory_space<vmem>> -> memref<1x125xi32, #tpu.memory_space<vmem>>
      %dma_start3A_175 = tpu.memref_squeeze %dma_start3A_174 : memref<1x125xi32, #tpu.memory_space<vmem>> -> memref<125xi32, #tpu.memory_space<vmem>>
      %dma_start3A_176 = arith.constant 0 : i32
      %dma_start3A_177 = arith.constant 0 : i32
      %dma_start3A_178 = tpu.memref_slice %arg3[%dma_start3A_176, %dma_start3A_177] : memref<10000x16xf32, #tpu.memory_space<hbm>> -> memref<10000x16xf32, #tpu.memory_space<hbm>>
      tpu.enqueue_indirect_dma source(%dma_start3A_178 : memref<10000x16xf32, #tpu.memory_space<hbm>>) target(%dma_start3A_172 : memref<125x16xf32, #tpu.memory_space<vmem>>) offsets(%dma_start3A_175 : memref<125xi32, #tpu.memory_space<vmem>>) semaphore(%arg13 : memref<!tpu.dma_semaphore, #tpu.memory_space<semaphore_mem>>)
      %mul3A_179 = arith.constant 8 : i32
      %mul3A_180 = arith.muli %add3A_39, %mul3A_179 : i32
      %add3A_181 = arith.constant 6 : i32
      %add3A_182 = arith.addi %mul3A_180, %add3A_181 : i32
      %dma_start3A_183 = arith.constant 750 : i32
      %dma_start3A_184 = arith.constant 0 : i32
      %dma_start3A_185 = tpu.memref_slice %arg10[%dma_start3A_183, %dma_start3A_184] : memref<1000x16xf32, #tpu.memory_space<vmem>> -> memref<125x16xf32, #tpu.memory_space<vmem>>
      %dma_start3A_186 = arith.constant 0 : i32
      %dma_start3A_187 = tpu.memref_slice %arg8[%add3A_182, %dma_start3A_186] : memref<80x125xi32, #tpu.memory_space<vmem>> -> memref<1x125xi32, #tpu.memory_space<vmem>>
      %dma_start3A_188 = tpu.memref_squeeze %dma_start3A_187 : memref<1x125xi32, #tpu.memory_space<vmem>> -> memref<125xi32, #tpu.memory_space<vmem>>
      %dma_start3A_189 = arith.constant 0 : i32
      %dma_start3A_190 = arith.constant 0 : i32
      %dma_start3A_191 = tpu.memref_slice %arg2[%dma_start3A_189, %dma_start3A_190] : memref<10000x16xf32, #tpu.memory_space<hbm>> -> memref<10000x16xf32, #tpu.memory_space<hbm>>
      tpu.enqueue_indirect_dma source(%dma_start3A_191 : memref<10000x16xf32, #tpu.memory_space<hbm>>) target(%dma_start3A_185 : memref<125x16xf32, #tpu.memory_space<vmem>>) offsets(%dma_start3A_188 : memref<125xi32, #tpu.memory_space<vmem>>) semaphore(%arg13 : memref<!tpu.dma_semaphore, #tpu.memory_space<semaphore_mem>>)
      %dma_start3A_192 = arith.constant 750 : i32
      %dma_start3A_193 = arith.constant 0 : i32
      %dma_start3A_194 = tpu.memref_slice %arg11[%dma_start3A_192, %dma_start3A_193] : memref<1000x16xf32, #tpu.memory_space<vmem>> -> memref<125x16xf32, #tpu.memory_space<vmem>>
      %dma_start3A_195 = arith.constant 0 : i32
      %dma_start3A_196 = tpu.memref_slice %arg9[%add3A_182, %dma_start3A_195] : memref<80x125xi32, #tpu.memory_space<vmem>> -> memref<1x125xi32, #tpu.memory_space<vmem>>
      %dma_start3A_197 = tpu.memref_squeeze %dma_start3A_196 : memref<1x125xi32, #tpu.memory_space<vmem>> -> memref<125xi32, #tpu.memory_space<vmem>>
      %dma_start3A_198 = arith.constant 0 : i32
      %dma_start3A_199 = arith.constant 0 : i32
      %dma_start3A_200 = tpu.memref_slice %arg3[%dma_start3A_198, %dma_start3A_199] : memref<10000x16xf32, #tpu.memory_space<hbm>> -> memref<10000x16xf32, #tpu.memory_space<hbm>>
      tpu.enqueue_indirect_dma source(%dma_start3A_200 : memref<10000x16xf32, #tpu.memory_space<hbm>>) target(%dma_start3A_194 : memref<125x16xf32, #tpu.memory_space<vmem>>) offsets(%dma_start3A_197 : memref<125xi32, #tpu.memory_space<vmem>>) semaphore(%arg13 : memref<!tpu.dma_semaphore, #tpu.memory_space<semaphore_mem>>)
      %mul3A_201 = arith.constant 8 : i32
      %mul3A_202 = arith.muli %add3A_39, %mul3A_201 : i32
      %add3A_203 = arith.constant 7 : i32
      %add3A_204 = arith.addi %mul3A_202, %add3A_203 : i32
      %dma_start3A_205 = arith.constant 875 : i32
      %dma_start3A_206 = arith.constant 0 : i32
      %dma_start3A_207 = tpu.memref_slice %arg10[%dma_start3A_205, %dma_start3A_206] : memref<1000x16xf32, #tpu.memory_space<vmem>> -> memref<125x16xf32, #tpu.memory_space<vmem>>
      %dma_start3A_208 = arith.constant 0 : i32
      %dma_start3A_209 = tpu.memref_slice %arg8[%add3A_204, %dma_start3A_208] : memref<80x125xi32, #tpu.memory_space<vmem>> -> memref<1x125xi32, #tpu.memory_space<vmem>>
      %dma_start3A_210 = tpu.memref_squeeze %dma_start3A_209 : memref<1x125xi32, #tpu.memory_space<vmem>> -> memref<125xi32, #tpu.memory_space<vmem>>
      %dma_start3A_211 = arith.constant 0 : i32
      %dma_start3A_212 = arith.constant 0 : i32
      %dma_start3A_213 = tpu.memref_slice %arg2[%dma_start3A_211, %dma_start3A_212] : memref<10000x16xf32, #tpu.memory_space<hbm>> -> memref<10000x16xf32, #tpu.memory_space<hbm>>
      tpu.enqueue_indirect_dma source(%dma_start3A_213 : memref<10000x16xf32, #tpu.memory_space<hbm>>) target(%dma_start3A_207 : memref<125x16xf32, #tpu.memory_space<vmem>>) offsets(%dma_start3A_210 : memref<125xi32, #tpu.memory_space<vmem>>) semaphore(%arg13 : memref<!tpu.dma_semaphore, #tpu.memory_space<semaphore_mem>>)
      %dma_start3A_214 = arith.constant 875 : i32
      %dma_start3A_215 = arith.constant 0 : i32
      %dma_start3A_216 = tpu.memref_slice %arg11[%dma_start3A_214, %dma_start3A_215] : memref<1000x16xf32, #tpu.memory_space<vmem>> -> memref<125x16xf32, #tpu.memory_space<vmem>>
      %dma_start3A_217 = arith.constant 0 : i32
      %dma_start3A_218 = tpu.memref_slice %arg9[%add3A_204, %dma_start3A_217] : memref<80x125xi32, #tpu.memory_space<vmem>> -> memref<1x125xi32, #tpu.memory_space<vmem>>
      %dma_start3A_219 = tpu.memref_squeeze %dma_start3A_218 : memref<1x125xi32, #tpu.memory_space<vmem>> -> memref<125xi32, #tpu.memory_space<vmem>>
      %dma_start3A_220 = arith.constant 0 : i32
      %dma_start3A_221 = arith.constant 0 : i32
      %dma_start3A_222 = tpu.memref_slice %arg3[%dma_start3A_220, %dma_start3A_221] : memref<10000x16xf32, #tpu.memory_space<hbm>> -> memref<10000x16xf32, #tpu.memory_space<hbm>>
      tpu.enqueue_indirect_dma source(%dma_start3A_222 : memref<10000x16xf32, #tpu.memory_space<hbm>>) target(%dma_start3A_216 : memref<125x16xf32, #tpu.memory_space<vmem>>) offsets(%dma_start3A_219 : memref<125xi32, #tpu.memory_space<vmem>>) semaphore(%arg13 : memref<!tpu.dma_semaphore, #tpu.memory_space<semaphore_mem>>)
      %dma_wait3A_223 = arith.constant 0 : i32
      %dma_wait3A_224 = arith.constant 0 : i32
      %dma_wait3A_225 = tpu.memref_slice %arg10[%dma_wait3A_223, %dma_wait3A_224] : memref<1000x16xf32, #tpu.memory_space<vmem>> -> memref<125x16xf32, #tpu.memory_space<vmem>>
      %dma_wait3A_226 = arith.constant 0 : i32
      %dma_wait3A_227 = tpu.memref_slice %arg8[%add3A_50, %dma_wait3A_226] : memref<80x125xi32, #tpu.memory_space<vmem>> -> memref<1x125xi32, #tpu.memory_space<vmem>>
      %dma_wait3A_228 = tpu.memref_squeeze %dma_wait3A_227 : memref<1x125xi32, #tpu.memory_space<vmem>> -> memref<125xi32, #tpu.memory_space<vmem>>
      %dma_wait3A_229 = arith.constant 0 : i32
      %dma_wait3A_230 = arith.constant 0 : i32
      %dma_wait3A_231 = tpu.memref_slice %arg2[%dma_wait3A_229, %dma_wait3A_230] : memref<10000x16xf32, #tpu.memory_space<hbm>> -> memref<10000x16xf32, #tpu.memory_space<hbm>>
      tpu.wait_indirect_dma semaphore(%arg13 : memref<!tpu.dma_semaphore, #tpu.memory_space<semaphore_mem>>) src(%dma_wait3A_231 : memref<10000x16xf32, #tpu.memory_space<hbm>>) dst(%dma_wait3A_225 : memref<125x16xf32, #tpu.memory_space<vmem>>)
      %dma_wait3A_232 = arith.constant 0 : i32
      %dma_wait3A_233 = arith.constant 0 : i32
      %dma_wait3A_234 = tpu.memref_slice %arg11[%dma_wait3A_232, %dma_wait3A_233] : memref<1000x16xf32, #tpu.memory_space<vmem>> -> memref<125x16xf32, #tpu.memory_space<vmem>>
      %dma_wait3A_235 = arith.constant 0 : i32
      %dma_wait3A_236 = tpu.memref_slice %arg9[%add3A_50, %dma_wait3A_235] : memref<80x125xi32, #tpu.memory_space<vmem>> -> memref<1x125xi32, #tpu.memory_space<vmem>>
      %dma_wait3A_237 = tpu.memref_squeeze %dma_wait3A_236 : memref<1x125xi32, #tpu.memory_space<vmem>> -> memref<125xi32, #tpu.memory_space<vmem>>
      %dma_wait3A_238 = arith.constant 0 : i32
      %dma_wait3A_239 = arith.constant 0 : i32
      %dma_wait3A_240 = tpu.memref_slice %arg3[%dma_wait3A_238, %dma_wait3A_239] : memref<10000x16xf32, #tpu.memory_space<hbm>> -> memref<10000x16xf32, #tpu.memory_space<hbm>>
      tpu.wait_indirect_dma semaphore(%arg13 : memref<!tpu.dma_semaphore, #tpu.memory_space<semaphore_mem>>) src(%dma_wait3A_240 : memref<10000x16xf32, #tpu.memory_space<hbm>>) dst(%dma_wait3A_234 : memref<125x16xf32, #tpu.memory_space<vmem>>)
      %dma_wait3A_241 = arith.constant 125 : i32
      %dma_wait3A_242 = arith.constant 0 : i32
      %dma_wait3A_243 = tpu.memref_slice %arg10[%dma_wait3A_241, %dma_wait3A_242] : memref<1000x16xf32, #tpu.memory_space<vmem>> -> memref<125x16xf32, #tpu.memory_space<vmem>>
      %dma_wait3A_244 = arith.constant 0 : i32
      %dma_wait3A_245 = tpu.memref_slice %arg8[%add3A_72, %dma_wait3A_244] : memref<80x125xi32, #tpu.memory_space<vmem>> -> memref<1x125xi32, #tpu.memory_space<vmem>>
      %dma_wait3A_246 = tpu.memref_squeeze %dma_wait3A_245 : memref<1x125xi32, #tpu.memory_space<vmem>> -> memref<125xi32, #tpu.memory_space<vmem>>
      %dma_wait3A_247 = arith.constant 0 : i32
      %dma_wait3A_248 = arith.constant 0 : i32
      %dma_wait3A_249 = tpu.memref_slice %arg2[%dma_wait3A_247, %dma_wait3A_248] : memref<10000x16xf32, #tpu.memory_space<hbm>> -> memref<10000x16xf32, #tpu.memory_space<hbm>>
      tpu.wait_indirect_dma semaphore(%arg13 : memref<!tpu.dma_semaphore, #tpu.memory_space<semaphore_mem>>) src(%dma_wait3A_249 : memref<10000x16xf32, #tpu.memory_space<hbm>>) dst(%dma_wait3A_243 : memref<125x16xf32, #tpu.memory_space<vmem>>)
      %dma_wait3A_250 = arith.constant 125 : i32
      %dma_wait3A_251 = arith.constant 0 : i32
      %dma_wait3A_252 = tpu.memref_slice %arg11[%dma_wait3A_250, %dma_wait3A_251] : memref<1000x16xf32, #tpu.memory_space<vmem>> -> memref<125x16xf32, #tpu.memory_space<vmem>>
      %dma_wait3A_253 = arith.constant 0 : i32
      %dma_wait3A_254 = tpu.memref_slice %arg9[%add3A_72, %dma_wait3A_253] : memref<80x125xi32, #tpu.memory_space<vmem>> -> memref<1x125xi32, #tpu.memory_space<vmem>>
      %dma_wait3A_255 = tpu.memref_squeeze %dma_wait3A_254 : memref<1x125xi32, #tpu.memory_space<vmem>> -> memref<125xi32, #tpu.memory_space<vmem>>
      %dma_wait3A_256 = arith.constant 0 : i32
      %dma_wait3A_257 = arith.constant 0 : i32
      %dma_wait3A_258 = tpu.memref_slice %arg3[%dma_wait3A_256, %dma_wait3A_257] : memref<10000x16xf32, #tpu.memory_space<hbm>> -> memref<10000x16xf32, #tpu.memory_space<hbm>>
      tpu.wait_indirect_dma semaphore(%arg13 : memref<!tpu.dma_semaphore, #tpu.memory_space<semaphore_mem>>) src(%dma_wait3A_258 : memref<10000x16xf32, #tpu.memory_space<hbm>>) dst(%dma_wait3A_252 : memref<125x16xf32, #tpu.memory_space<vmem>>)
      %dma_wait3A_259 = arith.constant 250 : i32
      %dma_wait3A_260 = arith.constant 0 : i32
      %dma_wait3A_261 = tpu.memref_slice %arg10[%dma_wait3A_259, %dma_wait3A_260] : memref<1000x16xf32, #tpu.memory_space<vmem>> -> memref<125x16xf32, #tpu.memory_space<vmem>>
      %dma_wait3A_262 = arith.constant 0 : i32
      %dma_wait3A_263 = tpu.memref_slice %arg8[%add3A_94, %dma_wait3A_262] : memref<80x125xi32, #tpu.memory_space<vmem>> -> memref<1x125xi32, #tpu.memory_space<vmem>>
      %dma_wait3A_264 = tpu.memref_squeeze %dma_wait3A_263 : memref<1x125xi32, #tpu.memory_space<vmem>> -> memref<125xi32, #tpu.memory_space<vmem>>
      %dma_wait3A_265 = arith.constant 0 : i32
      %dma_wait3A_266 = arith.constant 0 : i32
      %dma_wait3A_267 = tpu.memref_slice %arg2[%dma_wait3A_265, %dma_wait3A_266] : memref<10000x16xf32, #tpu.memory_space<hbm>> -> memref<10000x16xf32, #tpu.memory_space<hbm>>
      tpu.wait_indirect_dma semaphore(%arg13 : memref<!tpu.dma_semaphore, #tpu.memory_space<semaphore_mem>>) src(%dma_wait3A_267 : memref<10000x16xf32, #tpu.memory_space<hbm>>) dst(%dma_wait3A_261 : memref<125x16xf32, #tpu.memory_space<vmem>>)
      %dma_wait3A_268 = arith.constant 250 : i32
      %dma_wait3A_269 = arith.constant 0 : i32
      %dma_wait3A_270 = tpu.memref_slice %arg11[%dma_wait3A_268, %dma_wait3A_269] : memref<1000x16xf32, #tpu.memory_space<vmem>> -> memref<125x16xf32, #tpu.memory_space<vmem>>
      %dma_wait3A_271 = arith.constant 0 : i32
      %dma_wait3A_272 = tpu.memref_slice %arg9[%add3A_94, %dma_wait3A_271] : memref<80x125xi32, #tpu.memory_space<vmem>> -> memref<1x125xi32, #tpu.memory_space<vmem>>
      %dma_wait3A_273 = tpu.memref_squeeze %dma_wait3A_272 : memref<1x125xi32, #tpu.memory_space<vmem>> -> memref<125xi32, #tpu.memory_space<vmem>>
      %dma_wait3A_274 = arith.constant 0 : i32
      %dma_wait3A_275 = arith.constant 0 : i32
      %dma_wait3A_276 = tpu.memref_slice %arg3[%dma_wait3A_274, %dma_wait3A_275] : memref<10000x16xf32, #tpu.memory_space<hbm>> -> memref<10000x16xf32, #tpu.memory_space<hbm>>
      tpu.wait_indirect_dma semaphore(%arg13 : memref<!tpu.dma_semaphore, #tpu.memory_space<semaphore_mem>>) src(%dma_wait3A_276 : memref<10000x16xf32, #tpu.memory_space<hbm>>) dst(%dma_wait3A_270 : memref<125x16xf32, #tpu.memory_space<vmem>>)
      %dma_wait3A_277 = arith.constant 375 : i32
      %dma_wait3A_278 = arith.constant 0 : i32
      %dma_wait3A_279 = tpu.memref_slice %arg10[%dma_wait3A_277, %dma_wait3A_278] : memref<1000x16xf32, #tpu.memory_space<vmem>> -> memref<125x16xf32, #tpu.memory_space<vmem>>
      %dma_wait3A_280 = arith.constant 0 : i32
      %dma_wait3A_281 = tpu.memref_slice %arg8[%add3A_116, %dma_wait3A_280] : memref<80x125xi32, #tpu.memory_space<vmem>> -> memref<1x125xi32, #tpu.memory_space<vmem>>
      %dma_wait3A_282 = tpu.memref_squeeze %dma_wait3A_281 : memref<1x125xi32, #tpu.memory_space<vmem>> -> memref<125xi32, #tpu.memory_space<vmem>>
      %dma_wait3A_283 = arith.constant 0 : i32
      %dma_wait3A_284 = arith.constant 0 : i32
      %dma_wait3A_285 = tpu.memref_slice %arg2[%dma_wait3A_283, %dma_wait3A_284] : memref<10000x16xf32, #tpu.memory_space<hbm>> -> memref<10000x16xf32, #tpu.memory_space<hbm>>
      tpu.wait_indirect_dma semaphore(%arg13 : memref<!tpu.dma_semaphore, #tpu.memory_space<semaphore_mem>>) src(%dma_wait3A_285 : memref<10000x16xf32, #tpu.memory_space<hbm>>) dst(%dma_wait3A_279 : memref<125x16xf32, #tpu.memory_space<vmem>>)
      %dma_wait3A_286 = arith.constant 375 : i32
      %dma_wait3A_287 = arith.constant 0 : i32
      %dma_wait3A_288 = tpu.memref_slice %arg11[%dma_wait3A_286, %dma_wait3A_287] : memref<1000x16xf32, #tpu.memory_space<vmem>> -> memref<125x16xf32, #tpu.memory_space<vmem>>
      %dma_wait3A_289 = arith.constant 0 : i32
      %dma_wait3A_290 = tpu.memref_slice %arg9[%add3A_116, %dma_wait3A_289] : memref<80x125xi32, #tpu.memory_space<vmem>> -> memref<1x125xi32, #tpu.memory_space<vmem>>
      %dma_wait3A_291 = tpu.memref_squeeze %dma_wait3A_290 : memref<1x125xi32, #tpu.memory_space<vmem>> -> memref<125xi32, #tpu.memory_space<vmem>>
      %dma_wait3A_292 = arith.constant 0 : i32
      %dma_wait3A_293 = arith.constant 0 : i32
      %dma_wait3A_294 = tpu.memref_slice %arg3[%dma_wait3A_292, %dma_wait3A_293] : memref<10000x16xf32, #tpu.memory_space<hbm>> -> memref<10000x16xf32, #tpu.memory_space<hbm>>
      tpu.wait_indirect_dma semaphore(%arg13 : memref<!tpu.dma_semaphore, #tpu.memory_space<semaphore_mem>>) src(%dma_wait3A_294 : memref<10000x16xf32, #tpu.memory_space<hbm>>) dst(%dma_wait3A_288 : memref<125x16xf32, #tpu.memory_space<vmem>>)
      %dma_wait3A_295 = arith.constant 500 : i32
      %dma_wait3A_296 = arith.constant 0 : i32
      %dma_wait3A_297 = tpu.memref_slice %arg10[%dma_wait3A_295, %dma_wait3A_296] : memref<1000x16xf32, #tpu.memory_space<vmem>> -> memref<125x16xf32, #tpu.memory_space<vmem>>
      %dma_wait3A_298 = arith.constant 0 : i32
      %dma_wait3A_299 = tpu.memref_slice %arg8[%add3A_138, %dma_wait3A_298] : memref<80x125xi32, #tpu.memory_space<vmem>> -> memref<1x125xi32, #tpu.memory_space<vmem>>
      %dma_wait3A_300 = tpu.memref_squeeze %dma_wait3A_299 : memref<1x125xi32, #tpu.memory_space<vmem>> -> memref<125xi32, #tpu.memory_space<vmem>>
      %dma_wait3A_301 = arith.constant 0 : i32
      %dma_wait3A_302 = arith.constant 0 : i32
      %dma_wait3A_303 = tpu.memref_slice %arg2[%dma_wait3A_301, %dma_wait3A_302] : memref<10000x16xf32, #tpu.memory_space<hbm>> -> memref<10000x16xf32, #tpu.memory_space<hbm>>
      tpu.wait_indirect_dma semaphore(%arg13 : memref<!tpu.dma_semaphore, #tpu.memory_space<semaphore_mem>>) src(%dma_wait3A_303 : memref<10000x16xf32, #tpu.memory_space<hbm>>) dst(%dma_wait3A_297 : memref<125x16xf32, #tpu.memory_space<vmem>>)
      %dma_wait3A_304 = arith.constant 500 : i32
      %dma_wait3A_305 = arith.constant 0 : i32
      %dma_wait3A_306 = tpu.memref_slice %arg11[%dma_wait3A_304, %dma_wait3A_305] : memref<1000x16xf32, #tpu.memory_space<vmem>> -> memref<125x16xf32, #tpu.memory_space<vmem>>
      %dma_wait3A_307 = arith.constant 0 : i32
      %dma_wait3A_308 = tpu.memref_slice %arg9[%add3A_138, %dma_wait3A_307] : memref<80x125xi32, #tpu.memory_space<vmem>> -> memref<1x125xi32, #tpu.memory_space<vmem>>
      %dma_wait3A_309 = tpu.memref_squeeze %dma_wait3A_308 : memref<1x125xi32, #tpu.memory_space<vmem>> -> memref<125xi32, #tpu.memory_space<vmem>>
      %dma_wait3A_310 = arith.constant 0 : i32
      %dma_wait3A_311 = arith.constant 0 : i32
      %dma_wait3A_312 = tpu.memref_slice %arg3[%dma_wait3A_310, %dma_wait3A_311] : memref<10000x16xf32, #tpu.memory_space<hbm>> -> memref<10000x16xf32, #tpu.memory_space<hbm>>
      tpu.wait_indirect_dma semaphore(%arg13 : memref<!tpu.dma_semaphore, #tpu.memory_space<semaphore_mem>>) src(%dma_wait3A_312 : memref<10000x16xf32, #tpu.memory_space<hbm>>) dst(%dma_wait3A_306 : memref<125x16xf32, #tpu.memory_space<vmem>>)
      %dma_wait3A_313 = arith.constant 625 : i32
      %dma_wait3A_314 = arith.constant 0 : i32
      %dma_wait3A_315 = tpu.memref_slice %arg10[%dma_wait3A_313, %dma_wait3A_314] : memref<1000x16xf32, #tpu.memory_space<vmem>> -> memref<125x16xf32, #tpu.memory_space<vmem>>
      %dma_wait3A_316 = arith.constant 0 : i32
      %dma_wait3A_317 = tpu.memref_slice %arg8[%add3A_160, %dma_wait3A_316] : memref<80x125xi32, #tpu.memory_space<vmem>> -> memref<1x125xi32, #tpu.memory_space<vmem>>
      %dma_wait3A_318 = tpu.memref_squeeze %dma_wait3A_317 : memref<1x125xi32, #tpu.memory_space<vmem>> -> memref<125xi32, #tpu.memory_space<vmem>>
      %dma_wait3A_319 = arith.constant 0 : i32
      %dma_wait3A_320 = arith.constant 0 : i32
      %dma_wait3A_321 = tpu.memref_slice %arg2[%dma_wait3A_319, %dma_wait3A_320] : memref<10000x16xf32, #tpu.memory_space<hbm>> -> memref<10000x16xf32, #tpu.memory_space<hbm>>
      tpu.wait_indirect_dma semaphore(%arg13 : memref<!tpu.dma_semaphore, #tpu.memory_space<semaphore_mem>>) src(%dma_wait3A_321 : memref<10000x16xf32, #tpu.memory_space<hbm>>) dst(%dma_wait3A_315 : memref<125x16xf32, #tpu.memory_space<vmem>>)
      %dma_wait3A_322 = arith.constant 625 : i32
      %dma_wait3A_323 = arith.constant 0 : i32
      %dma_wait3A_324 = tpu.memref_slice %arg11[%dma_wait3A_322, %dma_wait3A_323] : memref<1000x16xf32, #tpu.memory_space<vmem>> -> memref<125x16xf32, #tpu.memory_space<vmem>>
      %dma_wait3A_325 = arith.constant 0 : i32
      %dma_wait3A_326 = tpu.memref_slice %arg9[%add3A_160, %dma_wait3A_325] : memref<80x125xi32, #tpu.memory_space<vmem>> -> memref<1x125xi32, #tpu.memory_space<vmem>>
      %dma_wait3A_327 = tpu.memref_squeeze %dma_wait3A_326 : memref<1x125xi32, #tpu.memory_space<vmem>> -> memref<125xi32, #tpu.memory_space<vmem>>
      %dma_wait3A_328 = arith.constant 0 : i32
      %dma_wait3A_329 = arith.constant 0 : i32
      %dma_wait3A_330 = tpu.memref_slice %arg3[%dma_wait3A_328, %dma_wait3A_329] : memref<10000x16xf32, #tpu.memory_space<hbm>> -> memref<10000x16xf32, #tpu.memory_space<hbm>>
      tpu.wait_indirect_dma semaphore(%arg13 : memref<!tpu.dma_semaphore, #tpu.memory_space<semaphore_mem>>) src(%dma_wait3A_330 : memref<10000x16xf32, #tpu.memory_space<hbm>>) dst(%dma_wait3A_324 : memref<125x16xf32, #tpu.memory_space<vmem>>)
      %dma_wait3A_331 = arith.constant 750 : i32
      %dma_wait3A_332 = arith.constant 0 : i32
      %dma_wait3A_333 = tpu.memref_slice %arg10[%dma_wait3A_331, %dma_wait3A_332] : memref<1000x16xf32, #tpu.memory_space<vmem>> -> memref<125x16xf32, #tpu.memory_space<vmem>>
      %dma_wait3A_334 = arith.constant 0 : i32
      %dma_wait3A_335 = tpu.memref_slice %arg8[%add3A_182, %dma_wait3A_334] : memref<80x125xi32, #tpu.memory_space<vmem>> -> memref<1x125xi32, #tpu.memory_space<vmem>>
      %dma_wait3A_336 = tpu.memref_squeeze %dma_wait3A_335 : memref<1x125xi32, #tpu.memory_space<vmem>> -> memref<125xi32, #tpu.memory_space<vmem>>
      %dma_wait3A_337 = arith.constant 0 : i32
      %dma_wait3A_338 = arith.constant 0 : i32
      %dma_wait3A_339 = tpu.memref_slice %arg2[%dma_wait3A_337, %dma_wait3A_338] : memref<10000x16xf32, #tpu.memory_space<hbm>> -> memref<10000x16xf32, #tpu.memory_space<hbm>>
      tpu.wait_indirect_dma semaphore(%arg13 : memref<!tpu.dma_semaphore, #tpu.memory_space<semaphore_mem>>) src(%dma_wait3A_339 : memref<10000x16xf32, #tpu.memory_space<hbm>>) dst(%dma_wait3A_333 : memref<125x16xf32, #tpu.memory_space<vmem>>)
      %dma_wait3A_340 = arith.constant 750 : i32
      %dma_wait3A_341 = arith.constant 0 : i32
      %dma_wait3A_342 = tpu.memref_slice %arg11[%dma_wait3A_340, %dma_wait3A_341] : memref<1000x16xf32, #tpu.memory_space<vmem>> -> memref<125x16xf32, #tpu.memory_space<vmem>>
      %dma_wait3A_343 = arith.constant 0 : i32
      %dma_wait3A_344 = tpu.memref_slice %arg9[%add3A_182, %dma_wait3A_343] : memref<80x125xi32, #tpu.memory_space<vmem>> -> memref<1x125xi32, #tpu.memory_space<vmem>>
      %dma_wait3A_345 = tpu.memref_squeeze %dma_wait3A_344 : memref<1x125xi32, #tpu.memory_space<vmem>> -> memref<125xi32, #tpu.memory_space<vmem>>
      %dma_wait3A_346 = arith.constant 0 : i32
      %dma_wait3A_347 = arith.constant 0 : i32
      %dma_wait3A_348 = tpu.memref_slice %arg3[%dma_wait3A_346, %dma_wait3A_347] : memref<10000x16xf32, #tpu.memory_space<hbm>> -> memref<10000x16xf32, #tpu.memory_space<hbm>>
      tpu.wait_indirect_dma semaphore(%arg13 : memref<!tpu.dma_semaphore, #tpu.memory_space<semaphore_mem>>) src(%dma_wait3A_348 : memref<10000x16xf32, #tpu.memory_space<hbm>>) dst(%dma_wait3A_342 : memref<125x16xf32, #tpu.memory_space<vmem>>)
      %dma_wait3A_349 = arith.constant 875 : i32
      %dma_wait3A_350 = arith.constant 0 : i32
      %dma_wait3A_351 = tpu.memref_slice %arg10[%dma_wait3A_349, %dma_wait3A_350] : memref<1000x16xf32, #tpu.memory_space<vmem>> -> memref<125x16xf32, #tpu.memory_space<vmem>>
      %dma_wait3A_352 = arith.constant 0 : i32
      %dma_wait3A_353 = tpu.memref_slice %arg8[%add3A_204, %dma_wait3A_352] : memref<80x125xi32, #tpu.memory_space<vmem>> -> memref<1x125xi32, #tpu.memory_space<vmem>>
      %dma_wait3A_354 = tpu.memref_squeeze %dma_wait3A_353 : memref<1x125xi32, #tpu.memory_space<vmem>> -> memref<125xi32, #tpu.memory_space<vmem>>
      %dma_wait3A_355 = arith.constant 0 : i32
      %dma_wait3A_356 = arith.constant 0 : i32
      %dma_wait3A_357 = tpu.memref_slice %arg2[%dma_wait3A_355, %dma_wait3A_356] : memref<10000x16xf32, #tpu.memory_space<hbm>> -> memref<10000x16xf32, #tpu.memory_space<hbm>>
      tpu.wait_indirect_dma semaphore(%arg13 : memref<!tpu.dma_semaphore, #tpu.memory_space<semaphore_mem>>) src(%dma_wait3A_357 : memref<10000x16xf32, #tpu.memory_space<hbm>>) dst(%dma_wait3A_351 : memref<125x16xf32, #tpu.memory_space<vmem>>)
      %dma_wait3A_358 = arith.constant 875 : i32
      %dma_wait3A_359 = arith.constant 0 : i32
      %dma_wait3A_360 = tpu.memref_slice %arg11[%dma_wait3A_358, %dma_wait3A_359] : memref<1000x16xf32, #tpu.memory_space<vmem>> -> memref<125x16xf32, #tpu.memory_space<vmem>>
      %dma_wait3A_361 = arith.constant 0 : i32
      %dma_wait3A_362 = tpu.memref_slice %arg9[%add3A_204, %dma_wait3A_361] : memref<80x125xi32, #tpu.memory_space<vmem>> -> memref<1x125xi32, #tpu.memory_space<vmem>>
      %dma_wait3A_363 = tpu.memref_squeeze %dma_wait3A_362 : memref<1x125xi32, #tpu.memory_space<vmem>> -> memref<125xi32, #tpu.memory_space<vmem>>
      %dma_wait3A_364 = arith.constant 0 : i32
      %dma_wait3A_365 = arith.constant 0 : i32
      %dma_wait3A_366 = tpu.memref_slice %arg3[%dma_wait3A_364, %dma_wait3A_365] : memref<10000x16xf32, #tpu.memory_space<hbm>> -> memref<10000x16xf32, #tpu.memory_space<hbm>>
      tpu.wait_indirect_dma semaphore(%arg13 : memref<!tpu.dma_semaphore, #tpu.memory_space<semaphore_mem>>) src(%dma_wait3A_366 : memref<10000x16xf32, #tpu.memory_space<hbm>>) dst(%dma_wait3A_360 : memref<125x16xf32, #tpu.memory_space<vmem>>)
      %dma_start3A_367 = arith.constant 0 : i32
      %dma_start3A_368 = tpu.memref_slice %arg6[%add3A_44, %dma_start3A_367] : memref<320000x16xf32, #tpu.memory_space<hbm>> -> memref<1000x16xf32, #tpu.memory_space<hbm>>
      %dma_start3A_369 = arith.constant 0 : i32
      %dma_start3A_370 = tpu.memref_slice %arg6[%add3A_44, %dma_start3A_369] : memref<320000x16xf32, #tpu.memory_space<hbm>> -> memref<1000x16xf32, #tpu.memory_space<hbm>>
      tpu.enqueue_dma source(%arg10 : memref<1000x16xf32, #tpu.memory_space<vmem>>) target(%dma_start3A_370 : memref<1000x16xf32, #tpu.memory_space<hbm>>) target_semaphore(%arg14 : memref<!tpu.dma_semaphore, #tpu.memory_space<semaphore_mem>>)
      %dma_start3A_371 = arith.constant 0 : i32
      %dma_start3A_372 = tpu.memref_slice %arg7[%add3A_44, %dma_start3A_371] : memref<320000x16xf32, #tpu.memory_space<hbm>> -> memref<1000x16xf32, #tpu.memory_space<hbm>>
      %dma_start3A_373 = arith.constant 0 : i32
      %dma_start3A_374 = tpu.memref_slice %arg7[%add3A_44, %dma_start3A_373] : memref<320000x16xf32, #tpu.memory_space<hbm>> -> memref<1000x16xf32, #tpu.memory_space<hbm>>
      tpu.enqueue_dma source(%arg11 : memref<1000x16xf32, #tpu.memory_space<vmem>>) target(%dma_start3A_374 : memref<1000x16xf32, #tpu.memory_space<hbm>>) target_semaphore(%arg14 : memref<!tpu.dma_semaphore, #tpu.memory_space<semaphore_mem>>)
    }
    %scan3A_22 = arith.constant 10 : i32
    %dma_wait3A_23 = arith.constant 0 : i32
    %dma_wait3A_24 = arith.constant 0 : i32
    %dma_wait3A_25 = tpu.memref_slice %arg6[%dma_wait3A_23, %dma_wait3A_24] : memref<320000x16xf32, #tpu.memory_space<hbm>> -> memref<1000x16xf32, #tpu.memory_space<hbm>>
    %dma_wait3A_26 = arith.constant 0 : i32
    %dma_wait3A_27 = arith.constant 0 : i32
    %dma_wait3A_28 = tpu.memref_slice %arg6[%dma_wait3A_26, %dma_wait3A_27] : memref<320000x16xf32, #tpu.memory_space<hbm>> -> memref<1000x16xf32, #tpu.memory_space<hbm>>
    tpu.wait_dma2 semaphore(%arg14 : memref<!tpu.dma_semaphore, #tpu.memory_space<semaphore_mem>>) src(%arg10 : memref<1000x16xf32, #tpu.memory_space<vmem>>) dst(%dma_wait3A_28 : memref<1000x16xf32, #tpu.memory_space<hbm>>)
    %dma_wait3A_29 = arith.constant 0 : i32
    %dma_wait3A_30 = arith.constant 0 : i32
    %dma_wait3A_31 = tpu.memref_slice %arg7[%dma_wait3A_29, %dma_wait3A_30] : memref<320000x16xf32, #tpu.memory_space<hbm>> -> memref<1000x16xf32, #tpu.memory_space<hbm>>
    %dma_wait3A_32 = arith.constant 0 : i32
    %dma_wait3A_33 = arith.constant 0 : i32
    %dma_wait3A_34 = tpu.memref_slice %arg7[%dma_wait3A_32, %dma_wait3A_33] : memref<320000x16xf32, #tpu.memory_space<hbm>> -> memref<1000x16xf32, #tpu.memory_space<hbm>>
    tpu.wait_dma2 semaphore(%arg14 : memref<!tpu.dma_semaphore, #tpu.memory_space<semaphore_mem>>) src(%arg11 : memref<1000x16xf32, #tpu.memory_space<vmem>>) dst(%dma_wait3A_34 : memref<1000x16xf32, #tpu.memory_space<hbm>>)
    return
  }
}

module attributes {stable_mosaic.version = 14 : i64} {
  func.func @_tc_p12_body(%arg0: i32, %arg1: memref<1000x128xf32, #tpu.memory_space<vmem>>, %arg2: memref<128x16xf32, #tpu.memory_space<vmem>>, %arg3: memref<128x16xf32, #tpu.memory_space<vmem>>, %arg4: memref<1000x16xf32, #tpu.memory_space<vmem>>, %arg5: memref<1000x16xf32, #tpu.memory_space<vmem>>) attributes {dimension_semantics = [#tpu.dimension_semantics<arbitrary>], iteration_bounds = array<i64: 10>, scalar_prefetch = 0 : i64, scratch_operands = 0 : i64, tpu.core_type = #tpu.core_type<tc>, window_params = [{transform_indices = @transform_0, window_bounds = array<i64: 1000, 128>}, {pipeline_mode = #tpu.pipeline_mode<synchronous>, transform_indices = @transform_1, window_bounds = array<i64: 128, 16>}, {pipeline_mode = #tpu.pipeline_mode<synchronous>, transform_indices = @transform_2, window_bounds = array<i64: 128, 16>}, {transform_indices = @transform_3, window_bounds = array<i64: 1000, 16>}, {transform_indices = @transform_4, window_bounds = array<i64: 1000, 16>}]} {
    %get3A = arith.constant 0 : index
    %get3A_0 = arith.constant 0 : index
    %get3A_1 = vector.load %arg1[%get3A, %get3A_0] : memref<1000x128xf32, #tpu.memory_space<vmem>>, vector<1000x128xf32>
    %get3A_2 = arith.constant 0 : index
    %get3A_3 = arith.constant 0 : index
    %get3A_4 = vector.load %arg2[%get3A_2, %get3A_3] : memref<128x16xf32, #tpu.memory_space<vmem>>, vector<128x16xf32>
    %dot_general3A = arith.constant dense<0.000000e+00> : vector<1000x16xf32>
    %dot_general3A_5 = tpu.matmul %get3A_1, %get3A_4, %dot_general3A {dimension_numbers = #tpu.dot_dimension_numbers<[1], [0], [0], [1], [0, 0, 1, 1], [], []>, precision = #tpu.contract_precision<fp32>, transpose_lhs_hint = false} : vector<1000x128xf32>, vector<128x16xf32>, vector<1000x16xf32> -> vector<1000x16xf32>
    %swap3A = arith.constant 0 : index
    %swap3A_6 = arith.constant 0 : index
    %swap3A_7 = vector.load %arg4[%swap3A, %swap3A_6] : memref<1000x16xf32, #tpu.memory_space<vmem>>, vector<1000x16xf32>
    tpu.vector_store %arg4[%swap3A, %swap3A_6], %dot_general3A_5 {strides = array<i32>} : memref<1000x16xf32, #tpu.memory_space<vmem>>, vector<1000x16xf32>,
    %get3A_8 = arith.constant 0 : index
    %get3A_9 = arith.constant 0 : index
    %get3A_10 = vector.load %arg3[%get3A_8, %get3A_9] : memref<128x16xf32, #tpu.memory_space<vmem>>, vector<128x16xf32>
    %dot_general3A_11 = arith.constant dense<0.000000e+00> : vector<1000x16xf32>
    %dot_general3A_12 = tpu.matmul %get3A_1, %get3A_10, %dot_general3A_11 {dimension_numbers = #tpu.dot_dimension_numbers<[1], [0], [0], [1], [0, 0, 1, 1], [], []>, precision = #tpu.contract_precision<fp32>, transpose_lhs_hint = false} : vector<1000x128xf32>, vector<128x16xf32>, vector<1000x16xf32> -> vector<1000x16xf32>
    %swap3A_13 = arith.constant 0 : index
    %swap3A_14 = arith.constant 0 : index
    %swap3A_15 = vector.load %arg5[%swap3A_13, %swap3A_14] : memref<1000x16xf32, #tpu.memory_space<vmem>>, vector<1000x16xf32>
    tpu.vector_store %arg5[%swap3A_13, %swap3A_14], %dot_general3A_12 {strides = array<i32>} : memref<1000x16xf32, #tpu.memory_space<vmem>>, vector<1000x16xf32>,
    return
  }
  func.func @transform_0(%arg0: i32) -> (i32, i32) {
    %c0_i32 = arith.constant 0 : i32
    %c0_i32_0 = arith.constant 0 : i32
    return %arg0, %c0_i32 : i32, i32
  }
  func.func @transform_1(%arg0: i32) -> (i32, i32) {
    %c0_i32 = arith.constant 0 : i32
    %c0_i32_0 = arith.constant 0 : i32
    %c0_i32_1 = arith.constant 0 : i32
    return %c0_i32, %c0_i32_0 : i32, i32
  }
  func.func @transform_2(%arg0: i32) -> (i32, i32) {
    %c0_i32 = arith.constant 0 : i32
    %c0_i32_0 = arith.constant 0 : i32
    %c0_i32_1 = arith.constant 0 : i32
    return %c0_i32, %c0_i32_0 : i32, i32
  }
  func.func @transform_3(%arg0: i32) -> (i32, i32) {
    %c0_i32 = arith.constant 0 : i32
    %c0_i32_0 = arith.constant 0 : i32
    return %arg0, %c0_i32 : i32, i32
  }
  func.func @transform_4(%arg0: i32) -> (i32, i32) {
    %c0_i32 = arith.constant 0 : i32
    %c0_i32_0 = arith.constant 0 : i32
    return %arg0, %c0_i32 : i32, i32
  }
}

module attributes {stable_mosaic.version = 14 : i64} {
  func.func @_tc_edge_body(%arg0: i32, %arg1: memref<2000x128xf32, #tpu.memory_space<vmem>>, %arg2: memref<2000x128xf32, #tpu.memory_space<vmem>>, %arg3: memref<2000x128xf32, #tpu.memory_space<vmem>>, %arg4: memref<128x128xf32, #tpu.memory_space<vmem>>, %arg5: memref<128x128xf32, #tpu.memory_space<vmem>>, %arg6: memref<1x128xf32, #tpu.memory_space<vmem>>, %arg7: memref<1x128xf32, #tpu.memory_space<vmem>>, %arg8: memref<1x128xf32, #tpu.memory_space<vmem>>, %arg9: memref<2000x128xf32, #tpu.memory_space<vmem>>) attributes {dimension_semantics = [#tpu.dimension_semantics<arbitrary>], iteration_bounds = array<i64: 20>, scalar_prefetch = 0 : i64, scratch_operands = 0 : i64, tpu.core_type = #tpu.core_type<tc>, window_params = [{transform_indices = @transform_0, window_bounds = array<i64: 2000, 128>}, {transform_indices = @transform_1, window_bounds = array<i64: 2000, 128>}, {transform_indices = @transform_2, window_bounds = array<i64: 2000, 128>}, {pipeline_mode = #tpu.pipeline_mode<synchronous>, transform_indices = @transform_3, window_bounds = array<i64: 128, 128>}, {pipeline_mode = #tpu.pipeline_mode<synchronous>, transform_indices = @transform_4, window_bounds = array<i64: 128, 128>}, {pipeline_mode = #tpu.pipeline_mode<synchronous>, transform_indices = @transform_5, window_bounds = array<i64: 1, 128>}, {pipeline_mode = #tpu.pipeline_mode<synchronous>, transform_indices = @transform_6, window_bounds = array<i64: 1, 128>}, {pipeline_mode = #tpu.pipeline_mode<synchronous>, transform_indices = @transform_7, window_bounds = array<i64: 1, 128>}, {transform_indices = @transform_8, window_bounds = array<i64: 2000, 128>}]} {
    %get3A = arith.constant 0 : index
    %get3A_0 = arith.constant 0 : index
    %get3A_1 = vector.load %arg1[%get3A, %get3A_0] : memref<2000x128xf32, #tpu.memory_space<vmem>>, vector<2000x128xf32>
    %get3A_2 = arith.constant 0 : index
    %get3A_3 = arith.constant 0 : index
    %get3A_4 = vector.load %arg4[%get3A_2, %get3A_3] : memref<128x128xf32, #tpu.memory_space<vmem>>, vector<128x128xf32>
    %dot_general3A = arith.constant dense<0.000000e+00> : vector<2000x128xf32>
    %dot_general3A_5 = tpu.matmul %get3A_1, %get3A_4, %dot_general3A {dimension_numbers = #tpu.dot_dimension_numbers<[1], [0], [0], [1], [0, 0, 1, 1], [], []>, precision = #tpu.contract_precision<fp32>, transpose_lhs_hint = false} : vector<2000x128xf32>, vector<128x128xf32>, vector<2000x128xf32> -> vector<2000x128xf32>
    %get3A_6 = arith.constant 0 : index
    %get3A_7 = arith.constant 0 : index
    %get3A_8 = vector.load %arg6[%get3A_6, %get3A_7] : memref<1x128xf32, #tpu.memory_space<vmem>>, vector<1x128xf32>
    %add3A = vector.broadcast %get3A_8 : vector<1x128xf32> to vector<2000x128xf32>
    %add3A_9 = arith.addf %dot_general3A_5, %add3A : vector<2000x128xf32>
    %get3A_10 = arith.constant 0 : index
    %get3A_11 = arith.constant 0 : index
    %get3A_12 = vector.load %arg2[%get3A_10, %get3A_11] : memref<2000x128xf32, #tpu.memory_space<vmem>>, vector<2000x128xf32>
    %add3A_13 = arith.addf %add3A_9, %get3A_12 : vector<2000x128xf32>
    %get3A_14 = arith.constant 0 : index
    %get3A_15 = arith.constant 0 : index
    %get3A_16 = vector.load %arg3[%get3A_14, %get3A_15] : memref<2000x128xf32, #tpu.memory_space<vmem>>, vector<2000x128xf32>
    %add3A_17 = arith.addf %add3A_13, %get3A_16 : vector<2000x128xf32>
    %get3A_18 = arith.constant 0 : index
    %get3A_19 = arith.constant 0 : index
    %get3A_20 = vector.load %arg5[%get3A_18, %get3A_19] : memref<128x128xf32, #tpu.memory_space<vmem>>, vector<128x128xf32>
    %dot_general3A_21 = arith.constant dense<0.000000e+00> : vector<2000x128xf32>
    %dot_general3A_22 = tpu.matmul %add3A_17, %get3A_20, %dot_general3A_21 {dimension_numbers = #tpu.dot_dimension_numbers<[1], [0], [0], [1], [0, 0, 1, 1], [], []>, precision = #tpu.contract_precision<fp32>, transpose_lhs_hint = false} : vector<2000x128xf32>, vector<128x128xf32>, vector<2000x128xf32> -> vector<2000x128xf32>
    %sub3A = arith.subf %add3A_17, %dot_general3A_22 : vector<2000x128xf32>
    %mul3A = arith.mulf %sub3A, %sub3A : vector<2000x128xf32>
    %get3A_23 = arith.constant 0 : index
    %get3A_24 = arith.constant 0 : index
    %get3A_25 = vector.load %arg5[%get3A_23, %get3A_24] : memref<128x128xf32, #tpu.memory_space<vmem>>, vector<128x128xf32>
    %dot_general3A_26 = arith.constant dense<0.000000e+00> : vector<2000x128xf32>
    %dot_general3A_27 = tpu.matmul %mul3A, %get3A_25, %dot_general3A_26 {dimension_numbers = #tpu.dot_dimension_numbers<[1], [0], [0], [1], [0, 0, 1, 1], [], []>, precision = #tpu.contract_precision<fp32>, transpose_lhs_hint = false} : vector<2000x128xf32>, vector<128x128xf32>, vector<2000x128xf32> -> vector<2000x128xf32>
    %add3A_28 = arith.constant 9.99999974E-6 : f32
    %add3A_29 = vector.broadcast %add3A_28 : f32 to vector<2000x128xf32>
    %add3A_30 = arith.addf %dot_general3A_27, %add3A_29 : vector<2000x128xf32>
    %rsqrt3A = math.rsqrt %add3A_30 : vector<2000x128xf32>
    %mul3A_31 = arith.mulf %sub3A, %rsqrt3A : vector<2000x128xf32>
    %get3A_32 = arith.constant 0 : index
    %get3A_33 = arith.constant 0 : index
    %get3A_34 = vector.load %arg7[%get3A_32, %get3A_33] : memref<1x128xf32, #tpu.memory_space<vmem>>, vector<1x128xf32>
    %mul3A_35 = vector.broadcast %get3A_34 : vector<1x128xf32> to vector<2000x128xf32>
    %mul3A_36 = arith.mulf %mul3A_31, %mul3A_35 : vector<2000x128xf32>
    %get3A_37 = arith.constant 0 : index
    %get3A_38 = arith.constant 0 : index
    %get3A_39 = vector.load %arg8[%get3A_37, %get3A_38] : memref<1x128xf32, #tpu.memory_space<vmem>>, vector<1x128xf32>
    %add3A_40 = vector.broadcast %get3A_39 : vector<1x128xf32> to vector<2000x128xf32>
    %add3A_41 = arith.addf %mul3A_36, %add3A_40 : vector<2000x128xf32>
    %swap3A = arith.constant 0 : index
    %swap3A_42 = arith.constant 0 : index
    %swap3A_43 = vector.load %arg9[%swap3A, %swap3A_42] : memref<2000x128xf32, #tpu.memory_space<vmem>>, vector<2000x128xf32>
    tpu.vector_store %arg9[%swap3A, %swap3A_42], %add3A_41 {strides = array<i32>} : memref<2000x128xf32, #tpu.memory_space<vmem>>, vector<2000x128xf32>,
    return
  }
  func.func @transform_0(%arg0: i32) -> (i32, i32) {
    %c0_i32 = arith.constant 0 : i32
    %c0_i32_0 = arith.constant 0 : i32
    return %arg0, %c0_i32 : i32, i32
  }
  func.func @transform_1(%arg0: i32) -> (i32, i32) {
    %c0_i32 = arith.constant 0 : i32
    %c0_i32_0 = arith.constant 0 : i32
    return %arg0, %c0_i32 : i32, i32
  }
  func.func @transform_2(%arg0: i32) -> (i32, i32) {
    %c0_i32 = arith.constant 0 : i32
    %c0_i32_0 = arith.constant 0 : i32
    return %arg0, %c0_i32 : i32, i32
  }
  func.func @transform_3(%arg0: i32) -> (i32, i32) {
    %c0_i32 = arith.constant 0 : i32
    %c0_i32_0 = arith.constant 0 : i32
    %c0_i32_1 = arith.constant 0 : i32
    return %c0_i32, %c0_i32_0 : i32, i32
  }
  func.func @transform_4(%arg0: i32) -> (i32, i32) {
    %c0_i32 = arith.constant 0 : i32
    %c0_i32_0 = arith.constant 0 : i32
    %c0_i32_1 = arith.constant 0 : i32
    return %c0_i32, %c0_i32_0 : i32, i32
  }
  func.func @transform_5(%arg0: i32) -> (i32, i32) {
    %c0_i32 = arith.constant 0 : i32
    %c0_i32_0 = arith.constant 0 : i32
    %c0_i32_1 = arith.constant 0 : i32
    return %c0_i32, %c0_i32_0 : i32, i32
  }
  func.func @transform_6(%arg0: i32) -> (i32, i32) {
    %c0_i32 = arith.constant 0 : i32
    %c0_i32_0 = arith.constant 0 : i32
    %c0_i32_1 = arith.constant 0 : i32
    return %c0_i32, %c0_i32_0 : i32, i32
  }
  func.func @transform_7(%arg0: i32) -> (i32, i32) {
    %c0_i32 = arith.constant 0 : i32
    %c0_i32_0 = arith.constant 0 : i32
    %c0_i32_1 = arith.constant 0 : i32
    return %c0_i32, %c0_i32_0 : i32, i32
  }
  func.func @transform_8(%arg0: i32) -> (i32, i32) {
    %c0_i32 = arith.constant 0 : i32
    %c0_i32_0 = arith.constant 0 : i32
    return %arg0, %c0_i32 : i32, i32
  }
}

module attributes {stable_mosaic.version = 14 : i64} {
  func.func @_tc_node_body(%arg0: i32, %arg1: memref<1000x128xf32, #tpu.memory_space<vmem>>, %arg2: memref<1000x16xf32, #tpu.memory_space<vmem>>, %arg3: memref<1000x16xf32, #tpu.memory_space<vmem>>, %arg4: memref<1000x16xf32, #tpu.memory_space<vmem>>, %arg5: memref<1000x16xf32, #tpu.memory_space<vmem>>, %arg6: memref<128x128xf32, #tpu.memory_space<vmem>>, %arg7: memref<16x128xf32, #tpu.memory_space<vmem>>, %arg8: memref<1x128xf32, #tpu.memory_space<vmem>>, %arg9: memref<1x128xf32, #tpu.memory_space<vmem>>, %arg10: memref<1x128xf32, #tpu.memory_space<vmem>>, %arg11: memref<1000x128xf32, #tpu.memory_space<vmem>>) attributes {dimension_semantics = [#tpu.dimension_semantics<arbitrary>], iteration_bounds = array<i64: 10>, scalar_prefetch = 0 : i64, scratch_operands = 0 : i64, tpu.core_type = #tpu.core_type<tc>, window_params = [{transform_indices = @transform_0, window_bounds = array<i64: 1000, 128>}, {transform_indices = @transform_1, window_bounds = array<i64: 1000, 16>}, {transform_indices = @transform_2, window_bounds = array<i64: 1000, 16>}, {transform_indices = @transform_3, window_bounds = array<i64: 1000, 16>}, {transform_indices = @transform_4, window_bounds = array<i64: 1000, 16>}, {pipeline_mode = #tpu.pipeline_mode<synchronous>, transform_indices = @transform_5, window_bounds = array<i64: 128, 128>}, {pipeline_mode = #tpu.pipeline_mode<synchronous>, transform_indices = @transform_6, window_bounds = array<i64: 16, 128>}, {pipeline_mode = #tpu.pipeline_mode<synchronous>, transform_indices = @transform_7, window_bounds = array<i64: 1, 128>}, {pipeline_mode = #tpu.pipeline_mode<synchronous>, transform_indices = @transform_8, window_bounds = array<i64: 1, 128>}, {pipeline_mode = #tpu.pipeline_mode<synchronous>, transform_indices = @transform_9, window_bounds = array<i64: 1, 128>}, {transform_indices = @transform_10, window_bounds = array<i64: 1000, 128>}]} {
    %get3A = arith.constant 0 : index
    %get3A_0 = arith.constant 0 : index
    %get3A_1 = vector.load %arg2[%get3A, %get3A_0] : memref<1000x16xf32, #tpu.memory_space<vmem>>, vector<1000x16xf32>
    %get3A_2 = arith.constant 0 : index
    %get3A_3 = arith.constant 0 : index
    %get3A_4 = vector.load %arg3[%get3A_2, %get3A_3] : memref<1000x16xf32, #tpu.memory_space<vmem>>, vector<1000x16xf32>
    %add3A = arith.addf %get3A_1, %get3A_4 : vector<1000x16xf32>
    %get3A_5 = arith.constant 0 : index
    %get3A_6 = arith.constant 0 : index
    %get3A_7 = vector.load %arg4[%get3A_5, %get3A_6] : memref<1000x16xf32, #tpu.memory_space<vmem>>, vector<1000x16xf32>
    %get3A_8 = arith.constant 0 : index
    %get3A_9 = arith.constant 0 : index
    %get3A_10 = vector.load %arg5[%get3A_8, %get3A_9] : memref<1000x16xf32, #tpu.memory_space<vmem>>, vector<1000x16xf32>
    %add3A_11 = arith.addf %get3A_7, %get3A_10 : vector<1000x16xf32>
    %add3A_12 = arith.constant 1.000000e-10 : f32
    %add3A_13 = vector.broadcast %add3A_12 : f32 to vector<1000x16xf32>
    %add3A_14 = arith.addf %add3A_11, %add3A_13 : vector<1000x16xf32>
    %div3A = arith.divf %add3A, %add3A_14 : vector<1000x16xf32>
    %get3A_15 = arith.constant 0 : index
    %get3A_16 = arith.constant 0 : index
    %get3A_17 = vector.load %arg1[%get3A_15, %get3A_16] : memref<1000x128xf32, #tpu.memory_space<vmem>>, vector<1000x128xf32>
    %get3A_18 = arith.constant 0 : index
    %get3A_19 = arith.constant 0 : index
    %get3A_20 = vector.load %arg6[%get3A_18, %get3A_19] : memref<128x128xf32, #tpu.memory_space<vmem>>, vector<128x128xf32>
    %dot_general3A = arith.constant dense<0.000000e+00> : vector<1000x128xf32>
    %dot_general3A_21 = tpu.matmul %get3A_17, %get3A_20, %dot_general3A {dimension_numbers = #tpu.dot_dimension_numbers<[1], [0], [0], [1], [0, 0, 1, 1], [], []>, precision = #tpu.contract_precision<fp32>, transpose_lhs_hint = false} : vector<1000x128xf32>, vector<128x128xf32>, vector<1000x128xf32> -> vector<1000x128xf32>
    %add3A_22 = arith.addf %get3A_17, %dot_general3A_21 : vector<1000x128xf32>
    %get3A_23 = arith.constant 0 : index
    %get3A_24 = arith.constant 0 : index
    %get3A_25 = vector.load %arg7[%get3A_23, %get3A_24] : memref<16x128xf32, #tpu.memory_space<vmem>>, vector<16x128xf32>
    %dot_general3A_26 = arith.constant dense<0.000000e+00> : vector<1000x128xf32>
    %dot_general3A_27 = tpu.matmul %div3A, %get3A_25, %dot_general3A_26 {dimension_numbers = #tpu.dot_dimension_numbers<[1], [0], [0], [1], [0, 0, 1, 1], [], []>, precision = #tpu.contract_precision<fp32>, transpose_lhs_hint = false} : vector<1000x16xf32>, vector<16x128xf32>, vector<1000x128xf32> -> vector<1000x128xf32>
    %add3A_28 = arith.addf %add3A_22, %dot_general3A_27 : vector<1000x128xf32>
    %get3A_29 = arith.constant 0 : index
    %get3A_30 = arith.constant 0 : index
    %get3A_31 = vector.load %arg8[%get3A_29, %get3A_30] : memref<1x128xf32, #tpu.memory_space<vmem>>, vector<1x128xf32>
    %add3A_32 = vector.broadcast %get3A_31 : vector<1x128xf32> to vector<1000x128xf32>
    %add3A_33 = arith.addf %add3A_28, %add3A_32 : vector<1000x128xf32>
    %get3A_34 = arith.constant 0 : index
    %get3A_35 = arith.constant 0 : index
    %get3A_36 = vector.load %arg9[%get3A_34, %get3A_35] : memref<1x128xf32, #tpu.memory_space<vmem>>, vector<1x128xf32>
    %get3A_37 = arith.constant 0 : index
    %get3A_38 = arith.constant 0 : index
    %get3A_39 = vector.load %arg10[%get3A_37, %get3A_38] : memref<1x128xf32, #tpu.memory_space<vmem>>, vector<1x128xf32>
    %reduce_sum3A = arith.constant dense<0.000000e+00> : vector<1000xf32>
    %reduce_sum3A_40 = vector.multi_reduction <add>, %add3A_33, %reduce_sum3A [1] : vector<1000x128xf32> to vector<1000xf32>
    %broadcast_in_dim3A = vector.shape_cast %reduce_sum3A_40 : vector<1000xf32> to vector<1000x1xf32>
    %div3A_41 = arith.constant 1.280000e+02 : f32
    %div3A_42 = vector.broadcast %div3A_41 : f32 to vector<1000x1xf32>
    %div3A_43 = arith.divf %broadcast_in_dim3A, %div3A_42 : vector<1000x1xf32>
    %sub3A = vector.broadcast %div3A_43 : vector<1000x1xf32> to vector<1000x128xf32>
    %sub3A_44 = arith.subf %add3A_33, %sub3A : vector<1000x128xf32>
    %mul3A = arith.mulf %sub3A_44, %sub3A_44 : vector<1000x128xf32>
    %reduce_sum3A_45 = arith.constant dense<0.000000e+00> : vector<1000xf32>
    %reduce_sum3A_46 = vector.multi_reduction <add>, %mul3A, %reduce_sum3A_45 [1] : vector<1000x128xf32> to vector<1000xf32>
    %broadcast_in_dim3A_47 = vector.shape_cast %reduce_sum3A_46 : vector<1000xf32> to vector<1000x1xf32>
    %div3A_48 = arith.constant 1.280000e+02 : f32
    %div3A_49 = vector.broadcast %div3A_48 : f32 to vector<1000x1xf32>
    %div3A_50 = arith.divf %broadcast_in_dim3A_47, %div3A_49 : vector<1000x1xf32>
    %add3A_51 = arith.constant 9.99999974E-6 : f32
    %add3A_52 = vector.broadcast %add3A_51 : f32 to vector<1000x1xf32>
    %add3A_53 = arith.addf %div3A_50, %add3A_52 : vector<1000x1xf32>
    %rsqrt3A = math.rsqrt %add3A_53 : vector<1000x1xf32>
    %mul3A_54 = vector.broadcast %rsqrt3A : vector<1000x1xf32> to vector<1000x128xf32>
    %mul3A_55 = arith.mulf %sub3A_44, %mul3A_54 : vector<1000x128xf32>
    %mul3A_56 = vector.broadcast %get3A_36 : vector<1x128xf32> to vector<1000x128xf32>
    %mul3A_57 = arith.mulf %mul3A_55, %mul3A_56 : vector<1000x128xf32>
    %add3A_58 = vector.broadcast %get3A_39 : vector<1x128xf32> to vector<1000x128xf32>
    %add3A_59 = arith.addf %mul3A_57, %add3A_58 : vector<1000x128xf32>
    %swap3A = arith.constant 0 : index
    %swap3A_60 = arith.constant 0 : index
    %swap3A_61 = vector.load %arg11[%swap3A, %swap3A_60] : memref<1000x128xf32, #tpu.memory_space<vmem>>, vector<1000x128xf32>
    tpu.vector_store %arg11[%swap3A, %swap3A_60], %add3A_59 {strides = array<i32>} : memref<1000x128xf32, #tpu.memory_space<vmem>>, vector<1000x128xf32>,
    return
  }
  func.func @transform_0(%arg0: i32) -> (i32, i32) {
    %c0_i32 = arith.constant 0 : i32
    %c0_i32_0 = arith.constant 0 : i32
    return %arg0, %c0_i32 : i32, i32
  }
  func.func @transform_1(%arg0: i32) -> (i32, i32) {
    %c0_i32 = arith.constant 0 : i32
    %c0_i32_0 = arith.constant 0 : i32
    return %arg0, %c0_i32 : i32, i32
  }
  func.func @transform_2(%arg0: i32) -> (i32, i32) {
    %c0_i32 = arith.constant 0 : i32
    %c0_i32_0 = arith.constant 0 : i32
    return %arg0, %c0_i32 : i32, i32
  }
  func.func @transform_3(%arg0: i32) -> (i32, i32) {
    %c0_i32 = arith.constant 0 : i32
    %c0_i32_0 = arith.constant 0 : i32
    return %arg0, %c0_i32 : i32, i32
  }
  func.func @transform_4(%arg0: i32) -> (i32, i32) {
    %c0_i32 = arith.constant 0 : i32
    %c0_i32_0 = arith.constant 0 : i32
    return %arg0, %c0_i32 : i32, i32
  }
  func.func @transform_5(%arg0: i32) -> (i32, i32) {
    %c0_i32 = arith.constant 0 : i32
    %c0_i32_0 = arith.constant 0 : i32
    %c0_i32_1 = arith.constant 0 : i32
    return %c0_i32, %c0_i32_0 : i32, i32
  }
  func.func @transform_6(%arg0: i32) -> (i32, i32) {
    %c0_i32 = arith.constant 0 : i32
    %c0_i32_0 = arith.constant 0 : i32
    %c0_i32_1 = arith.constant 0 : i32
    return %c0_i32, %c0_i32_0 : i32, i32
  }
  func.func @transform_7(%arg0: i32) -> (i32, i32) {
    %c0_i32 = arith.constant 0 : i32
    %c0_i32_0 = arith.constant 0 : i32
    %c0_i32_1 = arith.constant 0 : i32
    return %c0_i32, %c0_i32_0 : i32, i32
  }
  func.func @transform_8(%arg0: i32) -> (i32, i32) {
    %c0_i32 = arith.constant 0 : i32
    %c0_i32_0 = arith.constant 0 : i32
    %c0_i32_1 = arith.constant 0 : i32
    return %c0_i32, %c0_i32_0 : i32, i32
  }
  func.func @transform_9(%arg0: i32) -> (i32, i32) {
    %c0_i32 = arith.constant 0 : i32
    %c0_i32_0 = arith.constant 0 : i32
    %c0_i32_1 = arith.constant 0 : i32
    return %c0_i32, %c0_i32_0 : i32, i32
  }
  func.func @transform_10(%arg0: i32) -> (i32, i32) {
    %c0_i32 = arith.constant 0 : i32
    %c0_i32_0 = arith.constant 0 : i32
    return %arg0, %c0_i32 : i32, i32
  }
}

</mosaic_0001>

<sc_bundles>
// kernel: kernel.10.cloned.1.call-start
scs
__scs_entry_jumppad:
0x0: {  	(pc) =	sbr.rel $0x88, $3  }
0x1: {  	(tag) =	ssettag $0x0;
	lr =	simm.s32 $0x1  }
0x2: {  	[smem:$0x3F96] =	sst lr;
	_ =	strace $0xD0000000  }
0x3: {  	_ = 	snop  }
0x4: {  	_ = 	snop  }
0x5: {  	_ = 	snop  }
0x6: {  	_ = 	snop  }
0x7: {  	_ = 	snop  }
__scs_overlays_trampoline_lowered:
0x8: {  	[smem:$0x3FA5] =	sst s0  }
0x9: {  	[smem:$0x3FA6] =	sst s1  }
0xa: {  	[smem:$0x3FA7] =	sst s2  }
0xb: {  	[smem:$0x3FA8] =	sst s3  }
0xc: {  	[smem:$0x3FA9] =	sst s4  }
0xd: {  	[smem:$0x3FAA] =	sst s5  }
0xe: {  	[smem:$0x3FAB] =	sst s6  }
0xf: {  	[smem:$0x3FAC] =	sst s7  }
0x10: {  	[smem:$0x3FAD] =	sst s8  }
0x11: {  	[smem:$0x3FAE] =	sst s9;
	s0 =	simm.s32 @!p0 $0x0  }
0x12: {  	s1 =	sld [smem:$0x3F94];
	s0 =	simm.s32 @p0 $0x1  }
0x13: {  	[smem:$0x3FAF] =	sst s0;
	s0 =	simm.s32 @!p1 $0x0  }
0x14: {  	s2 =	sld [smem:$0x3F93];
	s0 =	simm.s32 @p1 $0x1  }
0x15: {  	[smem:$0x3FB0] =	sst s0;
	s0 =	simm.s32 @!p2 $0x0  }
0x16: {  	s3 =	sld [smem:$0x3FDB];
	s0 =	simm.s32 @p2 $0x1  }
0x17: {  	s4 =	simm.s32 $0x1BF5;
	[smem:$0x3FB2] =	sst s0  }
0x18: {  	s0 =	sld [smem:$0x3F95];
	_ =	swait.ge [sflag:s4], $0x0  }
0x19: {  	s7 =	sld [smem:$0x3F96]  }
0x1a: {  	s8 =	sadd.s32 $0xFFFFE003, lr  }
0x1b: {  	s9 =	sadd.s32 $0xFFFFFEF7, lr;
	s5 =	simm.s32 $0xFFFFFFFF;
	p2 =	slt.u32 s8, $0xFFFFF086  }
0x1c: {  	p1 =	slt.u32 s9, $0xF7A;
	s5 =	simm.s32 @!p2 $0x0  }
0x1d: {  	s5 =	simm.s32 @p1 $0x1;
	p0 =	seq.s32 s7, s2  }
0x1e: {  	s7 =	smul.u32 @!p0 $0xF7A, s2;
	p2 =	seq.s32 @!p0 s5, $0x0  }
0x1f: {  	s9 =	smul.u32 $0xF7A, s1;
	s8 =	simm.s32 @!p0 $0x1BF5;
	p2 =	por !p2, p0  }
0x20: {  	[sflag:s8] =	ssyncset.s32 @!p0 $0xFFFFF086;
	s6 =	sadd.s32 @!p0 s3, s7;
	s7 =	simm.s32 @!p0 $0x108  }
0x21: {  	s3 =	sadd.s32 s3, s9;
	s6 =	sadd.s32 @!p0 $0x88, s6;
	s7 =	simm.s32 @p2 $0x1082  }
0x22: {  	[simem:s7], [sflag:s8] =	dma.local @!p0 [hbm:s6], $0xF7A  }
0x23: {  	s9 =	sor.u32 $0xD0000000, s2;
	s6 =	simm.s32 $0x108;
	_ =	swait.ge @!p0 [sflag:s8], $0x0  }
0x24: {  	s3 =	sadd.s32 $0x88, s3;
	s6 =	simm.s32 @!p1 $0x1082;
	[sflag:s4] =	ssyncset.s32 $0xFFFFF086  }
0x25: {  	[simem:s6], [sflag:s4] =	dma.local [hbm:s3], $0xF7A  }
0x26: {  	[smem:$0x3F96] =	sst s1;
	(tag) =	ssettag s2;
	_ =	strace s9  }
0x27: {  	s1 =	sld [smem:$0x3FA6]  }
0x28: {  	s2 =	sld [smem:$0x3FA7]  }
0x29: {  	s4 =	sld [smem:$0x3FA9]  }
0x2a: {  	p0 =	seq.s32 s5, $0x0;
	s5 =	sld [smem:$0x3FAA]  }
0x2b: {  	s6 =	sld [smem:$0x3FAB]  }
0x2c: {  	s7 =	sld [smem:$0x3FAC]  }
0x2d: {  	s3 =	simm.s32 $0x108;
	s8 =	sld [smem:$0x3FAD]  }
0x2e: {  	s3 =	simm.s32 @!p0 $0x1082;
	s9 =	sld [smem:$0x3FAE]  }
0x2f: {  	lr =	sadd.s32 s0, s3;
	s0 =	sld [smem:$0x3FA5]  }
0x30: {  	s3 =	sld [smem:$0x3FA8]  }
0x31: {  	[smem:$0x3FB1] =	sst s10  }
0x32: {  	s10 =	sld [smem:$0x3FAF];
	_ =	sdelay $0x3  }
0x33: {  	p0 =	seq.s32 s10, $0x1;
	s10 =	sld [smem:$0x3FB1];
	_ =	sdelay $0x3  }
0x34: {  	[smem:$0x3FB1] =	sst s10  }
0x35: {  	s10 =	sld [smem:$0x3FB0];
	_ =	sdelay $0x3  }
0x36: {  	p1 =	seq.s32 s10, $0x1;
	s10 =	sld [smem:$0x3FB1];
	_ =	sdelay $0x3  }
0x37: {  	[smem:$0x3FB1] =	sst s10  }
0x38: {  	s10 =	sld [smem:$0x3FB2]  }
0x39: {  	_ = 	snop;
	(pc) =	sbr.ind lr, $3  }
0x3a: {  	_ = 	snop  }
0x3b: {  	_ = 	snop  }
0x3c: {  	p2 =	seq.s32 s10, $0x1;
	s10 =	sld [smem:$0x3FB1]  }
0x3d: {  	_ =	shalt  }
0x3e: {  	_ =	shalt  }
0x3f: {  	_ =	shalt  }
0x40: {  	_ =	shalt  }
0x41: {  	_ =	shalt  }
0x42: {  	_ =	shalt  }
0x43: {  	_ =	shalt  }
0x44: {  	_ =	shalt  }
0x45: {  	_ =	shalt  }
0x46: {  	_ =	shalt  }
0x47: {  	_ =	shalt  }
0x48: {  	_ =	shalt  }
0x49: {  	_ =	shalt  }
0x4a: {  	_ =	shalt  }
0x4b: {  	_ =	shalt  }
0x4c: {  	_ =	shalt  }
0x4d: {  	_ =	shalt  }
0x4e: {  	_ =	shalt  }
0x4f: {  	_ =	shalt  }
0x50: {  	_ =	shalt  }
0x51: {  	_ =	shalt  }
0x52: {  	_ =	shalt  }
0x53: {  	_ =	shalt  }
0x54: {  	_ =	shalt  }
0x55: {  	_ =	shalt  }
0x56: {  	_ =	shalt  }
0x57: {  	_ =	shalt  }
0x58: {  	_ =	shalt  }
0x59: {  	_ =	shalt  }
0x5a: {  	_ =	shalt  }
0x5b: {  	_ =	shalt  }
0x5c: {  	_ =	shalt  }
0x5d: {  	_ =	shalt  }
0x5e: {  	_ =	shalt  }
0x5f: {  	_ =	shalt  }
0x60: {  	_ =	shalt  }
0x61: {  	_ =	shalt  }
0x62: {  	_ =	shalt  }
0x63: {  	_ =	shalt  }
0x64: {  	_ =	shalt  }
0x65: {  	_ =	shalt  }
0x66: {  	_ =	shalt  }
0x67: {  	_ =	shalt  }
0x68: {  	_ =	shalt  }
0x69: {  	_ =	shalt  }
0x6a: {  	_ =	shalt  }
0x6b: {  	_ =	shalt  }
0x6c: {  	_ =	shalt  }
0x6d: {  	_ =	shalt  }
0x6e: {  	_ =	shalt  }
0x6f: {  	_ =	shalt  }
0x70: {  	_ =	shalt  }
0x71: {  	_ =	shalt  }
0x72: {  	_ =	shalt  }
0x73: {  	_ =	shalt  }
0x74: {  	_ =	shalt  }
0x75: {  	_ =	shalt  }
0x76: {  	_ =	shalt  }
0x77: {  	_ =	shalt  }
0x78: {  	_ =	shalt  }
0x79: {  	_ =	shalt  }
0x7a: {  	_ =	shalt  }
0x7b: {  	_ =	shalt  }
0x7c: {  	_ =	shalt  }
0x7d: {  	_ =	shalt  }
0x7e: {  	_ =	shalt  }
0x7f: {  	_ =	shalt  }
0x80: {  	_ =	shalt  }
0x81: {  	_ =	shalt  }
0x82: {  	_ =	shalt  }
0x83: {  	_ =	shalt  }
0x84: {  	_ =	shalt  }
0x85: {  	_ =	shalt  }
0x86: {  	_ =	shalt  }
0x87: {  	_ =	shalt  }
.Lfunc_end0:
.L_simem_size_0:
called_computation.1_lowered:
.L_overlay_start_0:
0x88: {  	s2 =	sld [smem:$0x3FD9]  }
0x89: {  	s3 =	sld [smem:$0x3FFE];
	_ =	sdelay $0x1  }
0x8a: {  	s1 =	srdreg.scid  }
0x8b: {  	s0 =	sand.u32 $0x1, s1  }
0x8c: {  	s14 =	sshll.u32 s0, $0xA;
	s2 =	sadd.s32 s3, s2  }
0x8d: {  	s2 =	sadd.s32 s2, s14  }
0x8e: {  	[smem:$0x3FBD] =	sst s2  }
0x8f: {  	_ = 	snop  }
0x90: {  	s2 =	sld [smem:$0x3FD0];
	_ =	sdelay $0x2  }
0x91: {  	s15 =	simm.s32 $0xA;
	s4 =	simm.s32 $0x10  }
0x92: {  	[smem:s4], [sflag:s15] =	dma.local [hbm:s2], $0x1  }
0x93: {  	_ =	swait.eq [sflag:s15], $0x1  }
0x94: {  	[sflag:s15] =	ssyncset.done $0x0  }
0x95: {  	[sflag:s15] =	ssyncadd.s32 $0xFFFFFFFF  }
0x96: {  	s16 =	sld [smem:$0x10];
	(tm) =	ssettm $0x1  }
0x97: {  	s17 =	sld [smem:$0x3FFB];
	_ =	sdelay $0x3  }
0x98: {  	_ =	strace s17  }
0x99: {  	s3 =	sld [smem:$0x3FFC];
	_ =	sdelay $0x3  }
0x9a: {  	_ =	strace s3  }
0x9b: {  	s3 =	sld [smem:$0x3FFD];
	_ =	sdelay $0x3  }
0x9c: {  	_ =	strace s3  }
0x9d: {  	_ =	strace $0x8FFFFFFF  }
0x9e: {  	s18 =	sld [smem:$0x3FDB];
	_ =	sdelay $0x1  }
0x9f: {  	s19 =	simm.s32 $_scs_section_size  }
0xa0: {  	s5 =	simm.s32 $_size__tile_overlayer_lowered;
	s6 =	simm.s32 $_tile_overlayer_lowered  }
0xa1: {  	s22 =	simm.s32 $0x1BFF;
	s21 =	sshll.u32 s6, $0x1;
	s3 =	sadd.s32 s19, s18  }
0xa2: {  	s7 =	simm.s32 $0x0;
	s20 =	sshll.u32 s5, $0x1;
	s5 =	sadd.s32 s21, s3  }
0xa3: {  	[timem:s7], [sflag:s22] =	dma.local [hbm:s5], s20  }
0xa4: {  	_ =	swait.ge [sflag:s22], s20  }
0xa5: {  	s4 =	ssub.s32 $0x0, s20;
	[sflag:s22] =	ssyncset.done $0x0  }
0xa6: {  	[sflag:s22] =	ssyncadd.s32 s4;
	_ =	sdelay $0x1  }
0xa7: {  	s23 =	simm.s32 $0x1B8B  }
0xa8: {  	_ =	swait.ge [sflag:s23], $0x1  }
0xa9: {  	[sflag:s23] =	ssyncset.done $0x0  }
0xaa: {  	s25 =	simm.s32 $0x1B8E;
	s24 =	sld [smem:$0x3FFE];
	[sflag:s23] =	ssyncadd.s32 $0xFFFFFFFF  }
0xab: {  	s26 =	simm.s32 $execute0_lowered;
	[smem:$0x3FD2] =	sst s25  }
0xac: {  	s5 =	sshll.u32 s26, $0x1;
	_ =	strace $0x80000049;
	[dreg:$0x1] =	wrdreg $0xFFFFFFFF  }
0xad: {  	s28 =	simm.s32 $_size_execute0_lowered;
	s3 =	sadd.s32 s3, s5;
	[dreg:$0x0] =	wrdreg $0x0  }
0xae: {  	s5 =	sshll.u32 s28, $0x1;
	[dreg:$0x2] =	wrdreg s3  }
0xaf: {  	[dreg:$0x3] =	wrdreg s5  }
0xb0: {  	[dreg:$0x4] =	wrdreg $0xC0  }
0xb1: {  	_ =	task [dreg:s7], $0x5FFFF  }
0xb2: {  	[dreg:$0x1] =	wrdreg $0xFFFFFFFF  }
0xb3: {  	[dreg:$0x0] =	wrdreg $0x60  }
0xb4: {  	[dreg:$0x2] =	wrdreg s24  }
0xb5: {  	[dreg:$0x3] =	wrdreg s16  }
0xb6: {  	[dreg:$0x4] =	wrdreg $0xBE500  }
0xb7: {  	[dreg:$0x5] =	wrdreg $0xE6500  }
0xb8: {  	[dreg:$0x6] =	wrdreg $0x9  }
0xb9: {  	_ =	task.clear_ibuf [dreg:s7], $0x7FFFF;
	_ =	strace $0x90000049  }
0xba: {  	s29 =	simm.s32 $0x9;
	_ =	strace $0x8000004B  }
0xbb: {  	_ =	swait.ge [sflag:s29], $0x1  }
0xbc: {  	[sflag:s29] =	ssyncadd.s32 $0xFFFFFFFF  }
0xbd: {  	_ =	strace $0x9000004B  }
0xbe: {  	_ =	sfence  }
0xbf: {  	s30 =	sld [smem:$0x0];
	_ =	sdelay $0x2  }
0xc0: {  	s31 =	sshll.u32 s1, $0xD;
	s1 =	sshrl.u32 s1, $0x2  }
0xc1: {  	s3 =	sand.u32 $0x4000, s31;
	s1 =	sadd.s32 s1, s30  }
0xc2: {  	s0 =	sor.u32 s3, s0;
	s1 =	sshll.u32 s1, $0x11  }
0xc3: {  	s0 =	sor.u32 s1, s0  }
0xc4: {  	s0 =	sadd.s32 $0x8F2B, s0  }
0xc5: {  	[sflag:s0] =	ssyncadd.remote.s32 $0x1  }
0xc6: {  	_ =	sfence.sel $0xFFFF  }
0xc7: {  	[dreg:$0x0] =	wrdreg $0xFFFFFFFF;
	(pc) =	sbr.abs _section_cstart, $3  }
0xc8: {  	[dreg:$0x1] =	wrdreg $0xFFFFFFFF  }
0xc9: {  	_ =	task.clear_ibuf [dreg:s7], $0x2FFFF;
	_ =	strace $0x9FFFFFFF  }
0xca: {  	(tm) =	ssettm $0x7FFFFFFF  }
0xcb: {  	_ =	shalt  }
tec
execute0_lowered:
.L_overlay_start_1:
0x0: {  	(tag) =	ssettag $0x1  }
0x1: {  	s0 =	rddreg [dreg:$0x0]  }
0x2: {  	s6 =	stileid.u32;
	s7 =	rddreg [dreg:$0x1]  }
0x3: {  	s1 =	srdreg.scid;
	s2 =	rddreg [dreg:$0x2];
	s16 =	simm.s32 $0x9650  }
0x4: {  	s17 =	simm.s32 $0x2;
	s18 =	simm.s32 $0x8E80;
	s19 =	simm.s32 $0x1  }
0x5: {  	s20 =	simm.s32 $0x5000;
	s21 =	simm.s32 $0x7D;
	s22 =	simm.s32 $0x57D0  }
0x6: {  	s23 =	simm.s32 $0x5FA0;
	s24 =	simm.s32 $0x6770;
	s25 =	simm.s32 $0x6F40  }
0x7: {  	s28 =	simm.s32 $0x7EE0;
	s29 =	simm.s32 $0x86B0;
	s5 =	smul.u32 $0x9C40, s6  }
0x8: {  	s30 =	simm.s32 $0x0;
	s1 =	sand.u32 $0x1, s1;
	s10 =	smul.u32 $0x2800, s6  }
0x9: {  	s3 =	sshll.u32 s6, $0x1;
	s31 =	sadd.s32 $0x5400, s0;
	s26 =	smul.u32 $0x28000, s1  }
0xa: {  	s4 =	sor.u32 s1, s3;
	s13 =	ssub.s32 $0x2, s1;
	s1 =	smul.u32 $0x4E20, s1  }
0xb: {  	s6 =	sadd.s32 $0x5A00, s0;
	s3 =	rddreg [dreg:$0x3];
	s8 =	smul.u32 $0x500, s4  }
0xc: {  	s4 =	simm.s32 $0x0;
	s12 =	sadd.s32 s5, s0;
	s14 =	sshrl.u32 s13, $0x1  }
0xd: {  	[smem:$0x7FF] =	sst s4;
	s11 =	sadd.s32 s10, s26;
	s13 =	ssub.s32 s13, s14  }
0xe: {  	s1 =	sadd.s32 s1, s12;
	s26 =	simm.s32 $0x7710;
	_ =	strace $0x8000004A  }
0xf: {  	s9 =	sadd.s32 s8, s0;
	[dreg:$0x5] =	wrdreg s31;
	s11 =	sshrl.u32 s11, $0x3  }
0x10: {  	s7 =	sadd.s32 s7, s8;
	s13 =	smax.u32 s13, $0x1;
	s1 =	sadd.s32 $0x19400, s1  }
0x11: {  	s0 =	sadd.s32 s11, s0;
	s8 =	sadd.s32 $0xF400, s9;
	s9 =	sadd.s32 s10, s2  }
0x12: {  	s10 =	sadd.s32 s10, s3;
	s11 =	sadd.s32 $0xBF800, s0;
	s12 =	sadd.s32 $0xB5800, s0  }
.LBB2_1:
0x13: {  	[tilespmem:s4], [sflag:$0x1] =	stream.linear.gather [hbm4b:s7+s4], $0x2800, $0x38;
	[tilespmem:$0x10E50] =	vst v63  }
0x14: {  	s0 =	simm.s32 $0x2800  }
0x15: {  	[tilespmem:s0], [sflag:$0x1] =	stream.linear.gather [hbm4b:s8+s4], $0x2800, $0x38;
	[tilespmem:$0x10E50] =	vst v63  }
0x16: {  	s15 =	rddreg [dreg:$0x5]  }
0x17: {  	[tilespmem:s16], [sflag:$0x2] =	stream.linear.gather [hbm4b:s15+s4], $0x2800, $0x38;
	[tilespmem:$0x10E50] =	vst v63  }
0x18: {  	_ =	swait.ge [sflag:s17], $0x2800  }
0x19: {  	[sflag:s17] =	ssyncset.done $0x0  }
0x1a: {  	[sflag:s17] =	ssyncadd.s32 $0xFFFFD800  }
0x1b: {  	[spmem:s9] =	stream.linear.scatter [tilespmem:s16], [sflag:$0x2], $0x2800, $0x38;
	[tilespmem:$0x10E50] =	vst v63  }
0x1c: {  	_ =	swait.ge [sflag:s17], $0x2800  }
0x1d: {  	[sflag:s17] =	ssyncset.done $0x0  }
0x1e: {  	[sflag:s17] =	ssyncadd.s32 $0xFFFFD800  }
0x1f: {  	[spmem:s10] =	stream.linear.scatter [tilespmem:s16], [sflag:$0x2], $0x2800, $0x38;
	[tilespmem:$0x10E50] =	vst v63  }
0x20: {  	_ =	swait.ge [sflag:s17], $0x2800  }
0x21: {  	[sflag:s17] =	ssyncset.done $0x0  }
0x22: {  	[sflag:s17] =	ssyncadd.s32 $0xFFFFD800  }
0x23: {  	[tilespmem:s18], [sflag:$0x2] =	stream.linear.gather [hbm4b:s6+s4], $0x7D0, $0x38;
	[tilespmem:$0x10E50] =	vst v63  }
0x24: {  	_ =	swait.ge [sflag:s17], $0x7D0  }
0x25: {  	[sflag:s17] =	ssyncset.done $0x0  }
0x26: {  	[sflag:s17] =	ssyncadd.s32 $0xFFFFF830  }
0x27: {  	_ =	swait.ge [sflag:s19], $0x2800  }
0x28: {  	[sflag:s19] =	ssyncset.done $0x0  }
0x29: {  	[sflag:s19] =	ssyncadd.s32 $0xFFFFD800  }
0x2a: {  	_ =	swait.ge [sflag:s19], $0x2800  }
0x2b: {  	[sflag:s19] =	ssyncset.done $0x0  }
0x2c: {  	[sflag:s19] =	ssyncadd.s32 $0xFFFFD800  }
0x2d: {  	[bflag:$0x0] =	sbarrier.arrive $0xFFFF  }
0x2e: {  	[tilespmem:s20], [sflag:$0x2] =	stream.linear.gather [hbm4b:s1+s4], $0x3E80, $0x38;
	[tilespmem:$0x10E50] =	vst v63  }
0x2f: {  	_ =	swait.ge [sflag:s17], $0x3E80  }
0x30: {  	[sflag:s17] =	ssyncset.done $0x0  }
0x31: {  	s5 =	simm.s32 $0x0;
	[sflag:s17] =	ssyncadd.s32 $0xFFFFC180  }
0x32: {  	[spmem:s2] =	stream.indirect.scatter.add.f32 [tilespmem:s20], [sflag:$0x2], $0x10, s5, s21, $0xb8;
	[tilespmem:$0x10E50] =	vst v63  }
0x33: {  	_ =	swait.ge [sflag:s17], $0x7D0  }
0x34: {  	[sflag:s17] =	ssyncset.done $0x0  }
0x35: {  	s14 =	simm.s32 $0x2800;
	[sflag:s17] =	ssyncadd.s32 $0xFFFFF830  }
0x36: {  	[spmem:s2] =	stream.indirect.scatter.add.f32 [tilespmem:s20], [sflag:$0x2], $0x10, s14, s21, $0xb8;
	[tilespmem:$0x10E50] =	vst v63  }
0x37: {  	_ =	swait.ge [sflag:s17], $0x7D0  }
0x38: {  	[sflag:s17] =	ssyncset.done $0x0  }
0x39: {  	[sflag:s17] =	ssyncadd.s32 $0xFFFFF830  }
0x3a: {  	[spmem:s3] =	stream.indirect.scatter.add.f32 [tilespmem:s18], [sflag:$0x2], $0x10, s5, s21, $0xb8;
	[tilespmem:$0x10E50] =	vst v63  }
0x3b: {  	_ =	swait.ge [sflag:s17], $0x7D0  }
0x3c: {  	[sflag:s17] =	ssyncset.done $0x0  }
0x3d: {  	[sflag:s17] =	ssyncadd.s32 $0xFFFFF830  }
0x3e: {  	[spmem:s3] =	stream.indirect.scatter.add.f32 [tilespmem:s18], [sflag:$0x2], $0x10, s14, s21, $0xb8;
	[tilespmem:$0x10E50] =	vst v63  }
0x3f: {  	_ =	swait.ge [sflag:s17], $0x7D0  }
0x40: {  	[sflag:s17] =	ssyncset.done $0x0  }
0x41: {  	s15 =	simm.s32 $0x80;
	[sflag:s17] =	ssyncadd.s32 $0xFFFFF830  }
0x42: {  	[spmem:s2] =	stream.indirect.scatter.add.f32 [tilespmem:s22], [sflag:$0x2], $0x10, s15, s21, $0xb8;
	[tilespmem:$0x10E50] =	vst v63  }
0x43: {  	_ =	swait.ge [sflag:s17], $0x7D0  }
0x44: {  	[sflag:s17] =	ssyncset.done $0x0  }
0x45: {  	s5 =	simm.s32 $0x2880;
	[sflag:s17] =	ssyncadd.s32 $0xFFFFF830  }
0x46: {  	[spmem:s2] =	stream.indirect.scatter.add.f32 [tilespmem:s22], [sflag:$0x2], $0x10, s5, s21, $0xb8;
	[tilespmem:$0x10E50] =	vst v63  }
0x47: {  	_ =	swait.ge [sflag:s17], $0x7D0  }
0x48: {  	[sflag:s17] =	ssyncset.done $0x0  }
0x49: {  	[sflag:s17] =	ssyncadd.s32 $0xFFFFF830  }
0x4a: {  	[spmem:s3] =	stream.indirect.scatter.add.f32 [tilespmem:s18], [sflag:$0x2], $0x10, s15, s21, $0xb8;
	[tilespmem:$0x10E50] =	vst v63  }
0x4b: {  	_ =	swait.ge [sflag:s17], $0x7D0  }
0x4c: {  	[sflag:s17] =	ssyncset.done $0x0  }
0x4d: {  	[sflag:s17] =	ssyncadd.s32 $0xFFFFF830  }
0x4e: {  	[spmem:s3] =	stream.indirect.scatter.add.f32 [tilespmem:s18], [sflag:$0x2], $0x10, s5, s21, $0xb8;
	[tilespmem:$0x10E50] =	vst v63  }
0x4f: {  	_ =	swait.ge [sflag:s17], $0x7D0  }
0x50: {  	[sflag:s17] =	ssyncset.done $0x0  }
0x51: {  	s15 =	simm.s32 $0x100;
	[sflag:s17] =	ssyncadd.s32 $0xFFFFF830  }
0x52: {  	[spmem:s2] =	stream.indirect.scatter.add.f32 [tilespmem:s23], [sflag:$0x2], $0x10, s15, s21, $0xb8;
	[tilespmem:$0x10E50] =	vst v63  }
0x53: {  	_ =	swait.ge [sflag:s17], $0x7D0  }
0x54: {  	[sflag:s17] =	ssyncset.done $0x0  }
0x55: {  	s5 =	simm.s32 $0x2900;
	[sflag:s17] =	ssyncadd.s32 $0xFFFFF830  }
0x56: {  	[spmem:s2] =	stream.indirect.scatter.add.f32 [tilespmem:s23], [sflag:$0x2], $0x10, s5, s21, $0xb8;
	[tilespmem:$0x10E50] =	vst v63  }
0x57: {  	_ =	swait.ge [sflag:s17], $0x7D0  }
0x58: {  	[sflag:s17] =	ssyncset.done $0x0  }
0x59: {  	[sflag:s17] =	ssyncadd.s32 $0xFFFFF830  }
0x5a: {  	[spmem:s3] =	stream.indirect.scatter.add.f32 [tilespmem:s18], [sflag:$0x2], $0x10, s15, s21, $0xb8;
	[tilespmem:$0x10E50] =	vst v63  }
0x5b: {  	_ =	swait.ge [sflag:s17], $0x7D0  }
0x5c: {  	[sflag:s17] =	ssyncset.done $0x0  }
0x5d: {  	[sflag:s17] =	ssyncadd.s32 $0xFFFFF830  }
0x5e: {  	[spmem:s3] =	stream.indirect.scatter.add.f32 [tilespmem:s18], [sflag:$0x2], $0x10, s5, s21, $0xb8;
	[tilespmem:$0x10E50] =	vst v63  }
0x5f: {  	_ =	swait.ge [sflag:s17], $0x7D0  }
0x60: {  	[sflag:s17] =	ssyncset.done $0x0  }
0x61: {  	s15 =	simm.s32 $0x180;
	[sflag:s17] =	ssyncadd.s32 $0xFFFFF830  }
0x62: {  	[spmem:s2] =	stream.indirect.scatter.add.f32 [tilespmem:s24], [sflag:$0x2], $0x10, s15, s21, $0xb8;
	[tilespmem:$0x10E50] =	vst v63  }
0x63: {  	_ =	swait.ge [sflag:s17], $0x7D0  }
0x64: {  	[sflag:s17] =	ssyncset.done $0x0  }
0x65: {  	s5 =	simm.s32 $0x2980;
	[sflag:s17] =	ssyncadd.s32 $0xFFFFF830  }
0x66: {  	[spmem:s2] =	stream.indirect.scatter.add.f32 [tilespmem:s24], [sflag:$0x2], $0x10, s5, s21, $0xb8;
	[tilespmem:$0x10E50] =	vst v63  }
0x67: {  	_ =	swait.ge [sflag:s17], $0x7D0  }
0x68: {  	[sflag:s17] =	ssyncset.done $0x0  }
0x69: {  	[sflag:s17] =	ssyncadd.s32 $0xFFFFF830  }
0x6a: {  	[spmem:s3] =	stream.indirect.scatter.add.f32 [tilespmem:s18], [sflag:$0x2], $0x10, s15, s21, $0xb8;
	[tilespmem:$0x10E50] =	vst v63  }
0x6b: {  	_ =	swait.ge [sflag:s17], $0x7D0  }
0x6c: {  	[sflag:s17] =	ssyncset.done $0x0  }
0x6d: {  	[sflag:s17] =	ssyncadd.s32 $0xFFFFF830  }
0x6e: {  	[spmem:s3] =	stream.indirect.scatter.add.f32 [tilespmem:s18], [sflag:$0x2], $0x10, s5, s21, $0xb8;
	[tilespmem:$0x10E50] =	vst v63  }
0x6f: {  	_ =	swait.ge [sflag:s17], $0x7D0  }
0x70: {  	[sflag:s17] =	ssyncset.done $0x0  }
0x71: {  	s15 =	simm.s32 $0x200;
	[sflag:s17] =	ssyncadd.s32 $0xFFFFF830  }
0x72: {  	[spmem:s2] =	stream.indirect.scatter.add.f32 [tilespmem:s25], [sflag:$0x2], $0x10, s15, s21, $0xb8;
	[tilespmem:$0x10E50] =	vst v63  }
0x73: {  	_ =	swait.ge [sflag:s17], $0x7D0  }
0x74: {  	[sflag:s17] =	ssyncset.done $0x0  }
0x75: {  	s5 =	simm.s32 $0x2A00;
	[sflag:s17] =	ssyncadd.s32 $0xFFFFF830  }
0x76: {  	[spmem:s2] =	stream.indirect.scatter.add.f32 [tilespmem:s25], [sflag:$0x2], $0x10, s5, s21, $0xb8;
	[tilespmem:$0x10E50] =	vst v63  }
0x77: {  	_ =	swait.ge [sflag:s17], $0x7D0  }
0x78: {  	[sflag:s17] =	ssyncset.done $0x0  }
0x79: {  	[sflag:s17] =	ssyncadd.s32 $0xFFFFF830  }
0x7a: {  	[spmem:s3] =	stream.indirect.scatter.add.f32 [tilespmem:s18], [sflag:$0x2], $0x10, s15, s21, $0xb8;
	[tilespmem:$0x10E50] =	vst v63  }
0x7b: {  	_ =	swait.ge [sflag:s17], $0x7D0  }
0x7c: {  	[sflag:s17] =	ssyncset.done $0x0  }
0x7d: {  	[sflag:s17] =	ssyncadd.s32 $0xFFFFF830  }
0x7e: {  	[spmem:s3] =	stream.indirect.scatter.add.f32 [tilespmem:s18], [sflag:$0x2], $0x10, s5, s21, $0xb8;
	[tilespmem:$0x10E50] =	vst v63  }
0x7f: {  	_ =	swait.ge [sflag:s17], $0x7D0  }
0x80: {  	[sflag:s17] =	ssyncset.done $0x0  }
0x81: {  	s15 =	simm.s32 $0x280;
	[sflag:s17] =	ssyncadd.s32 $0xFFFFF830  }
0x82: {  	[spmem:s2] =	stream.indirect.scatter.add.f32 [tilespmem:s26], [sflag:$0x2], $0x10, s15, s21, $0xb8;
	[tilespmem:$0x10E50] =	vst v63  }
0x83: {  	_ =	swait.ge [sflag:s17], $0x7D0  }
0x84: {  	[sflag:s17] =	ssyncset.done $0x0  }
0x85: {  	s5 =	simm.s32 $0x2A80;
	[sflag:s17] =	ssyncadd.s32 $0xFFFFF830  }
0x86: {  	[spmem:s2] =	stream.indirect.scatter.add.f32 [tilespmem:s26], [sflag:$0x2], $0x10, s5, s21, $0xb8;
	[tilespmem:$0x10E50] =	vst v63  }
0x87: {  	_ =	swait.ge [sflag:s17], $0x7D0  }
0x88: {  	[sflag:s17] =	ssyncset.done $0x0  }
0x89: {  	[sflag:s17] =	ssyncadd.s32 $0xFFFFF830  }
0x8a: {  	[spmem:s3] =	stream.indirect.scatter.add.f32 [tilespmem:s18], [sflag:$0x2], $0x10, s15, s21, $0xb8;
	[tilespmem:$0x10E50] =	vst v63  }
0x8b: {  	_ =	swait.ge [sflag:s17], $0x7D0  }
0x8c: {  	[sflag:s17] =	ssyncset.done $0x0  }
0x8d: {  	[sflag:s17] =	ssyncadd.s32 $0xFFFFF830  }
0x8e: {  	[spmem:s3] =	stream.indirect.scatter.add.f32 [tilespmem:s18], [sflag:$0x2], $0x10, s5, s21, $0xb8;
	[tilespmem:$0x10E50] =	vst v63  }
0x8f: {  	_ =	swait.ge [sflag:s17], $0x7D0  }
0x90: {  	[sflag:s17] =	ssyncset.done $0x0  }
0x91: {  	s15 =	simm.s32 $0x300;
	[sflag:s17] =	ssyncadd.s32 $0xFFFFF830  }
0x92: {  	[spmem:s2] =	stream.indirect.scatter.add.f32 [tilespmem:s28], [sflag:$0x2], $0x10, s15, s21, $0xb8;
	[tilespmem:$0x10E50] =	vst v63  }
0x93: {  	_ =	swait.ge [sflag:s17], $0x7D0  }
0x94: {  	[sflag:s17] =	ssyncset.done $0x0  }
0x95: {  	s5 =	simm.s32 $0x2B00;
	[sflag:s17] =	ssyncadd.s32 $0xFFFFF830  }
0x96: {  	[spmem:s2] =	stream.indirect.scatter.add.f32 [tilespmem:s28], [sflag:$0x2], $0x10, s5, s21, $0xb8;
	[tilespmem:$0x10E50] =	vst v63  }
0x97: {  	_ =	swait.ge [sflag:s17], $0x7D0  }
0x98: {  	[sflag:s17] =	ssyncset.done $0x0  }
0x99: {  	[sflag:s17] =	ssyncadd.s32 $0xFFFFF830  }
0x9a: {  	[spmem:s3] =	stream.indirect.scatter.add.f32 [tilespmem:s18], [sflag:$0x2], $0x10, s15, s21, $0xb8;
	[tilespmem:$0x10E50] =	vst v63  }
0x9b: {  	_ =	swait.ge [sflag:s17], $0x7D0  }
0x9c: {  	[sflag:s17] =	ssyncset.done $0x0  }
0x9d: {  	[sflag:s17] =	ssyncadd.s32 $0xFFFFF830  }
0x9e: {  	[spmem:s3] =	stream.indirect.scatter.add.f32 [tilespmem:s18], [sflag:$0x2], $0x10, s5, s21, $0xb8;
	[tilespmem:$0x10E50] =	vst v63  }
0x9f: {  	_ =	swait.ge [sflag:s17], $0x7D0  }
0xa0: {  	[sflag:s17] =	ssyncset.done $0x0  }
0xa1: {  	s14 =	simm.s32 $0x380;
	[sflag:s17] =	ssyncadd.s32 $0xFFFFF830  }
0xa2: {  	[spmem:s2] =	stream.indirect.scatter.add.f32 [tilespmem:s29], [sflag:$0x2], $0x10, s14, s21, $0xb8;
	[tilespmem:$0x10E50] =	vst v63  }
0xa3: {  	_ =	swait.ge [sflag:s17], $0x7D0  }
0xa4: {  	[sflag:s17] =	ssyncset.done $0x0  }
0xa5: {  	s15 =	simm.s32 $0x2B80;
	[sflag:s17] =	ssyncadd.s32 $0xFFFFF830  }
0xa6: {  	[spmem:s2] =	stream.indirect.scatter.add.f32 [tilespmem:s29], [sflag:$0x2], $0x10, s15, s21, $0xb8;
	[tilespmem:$0x10E50] =	vst v63  }
0xa7: {  	_ =	swait.ge [sflag:s17], $0x7D0  }
0xa8: {  	[sflag:s17] =	ssyncset.done $0x0  }
0xa9: {  	[sflag:s17] =	ssyncadd.s32 $0xFFFFF830  }
0xaa: {  	[spmem:s3] =	stream.indirect.scatter.add.f32 [tilespmem:s18], [sflag:$0x2], $0x10, s14, s21, $0xb8;
	[tilespmem:$0x10E50] =	vst v63  }
0xab: {  	_ =	swait.ge [sflag:s17], $0x7D0  }
0xac: {  	[sflag:s17] =	ssyncset.done $0x0  }
0xad: {  	[sflag:s17] =	ssyncadd.s32 $0xFFFFF830  }
0xae: {  	[spmem:s3] =	stream.indirect.scatter.add.f32 [tilespmem:s18], [sflag:$0x2], $0x10, s15, s21, $0xb8;
	[tilespmem:$0x10E50] =	vst v63  }
0xaf: {  	_ =	swait.ge [sflag:s17], $0x7D0  }
0xb0: {  	s31 =	simm.s32 $0x1000;
	s14 =	smov.u32 s1;
	[sflag:s17] =	ssyncset.done $0x0  }
.LBB2_2:
0xb1: {  	p0 =	sne.s32 s31, $0x9000;
	[sflag:s17] =	ssyncadd.s32 $0xFFFFF830;
	s14 =	sadd.s32 $0x7D0, s14  }
0xb2: {  	[tilespmem:s20], [sflag:$0x2] =	stream.linear.gather [hbm4b:s14+s4], $0x3E80, $0x38;
	[tilespmem:$0x10E50] =	vst v63  }
0xb3: {  	s0 =	smov.u32 s31;
	s31 =	sadd.s32 $0x1000, s31;
	_ =	swait.ge [sflag:s17], $0x3E80  }
0xb4: {  	[sflag:s17] =	ssyncset.done $0x0  }
0xb5: {  	s0 =	sshra.s32 s0, $0x2;
	[sflag:s17] =	ssyncadd.s32 $0xFFFFC180  }
0xb6: {  	[spmem:s2] =	stream.indirect.scatter.add.f32 [tilespmem:s20], [sflag:$0x2], $0x10, s0, s21, $0xb8;
	[tilespmem:$0x10E50] =	vst v63  }
0xb7: {  	_ =	swait.ge [sflag:s17], $0x7D0  }
0xb8: {  	[sflag:s17] =	ssyncset.done $0x0  }
0xb9: {  	s15 =	sadd.s32 $0x2800, s0;
	[sflag:s17] =	ssyncadd.s32 $0xFFFFF830  }
0xba: {  	[spmem:s2] =	stream.indirect.scatter.add.f32 [tilespmem:s20], [sflag:$0x2], $0x10, s15, s21, $0xb8;
	[tilespmem:$0x10E50] =	vst v63  }
0xbb: {  	_ =	swait.ge [sflag:s17], $0x7D0  }
0xbc: {  	[sflag:s17] =	ssyncset.done $0x0  }
0xbd: {  	[sflag:s17] =	ssyncadd.s32 $0xFFFFF830  }
0xbe: {  	[spmem:s3] =	stream.indirect.scatter.add.f32 [tilespmem:s18], [sflag:$0x2], $0x10, s0, s21, $0xb8;
	[tilespmem:$0x10E50] =	vst v63  }
0xbf: {  	_ =	swait.ge [sflag:s17], $0x7D0  }
0xc0: {  	[sflag:s17] =	ssyncset.done $0x0  }
0xc1: {  	[sflag:s17] =	ssyncadd.s32 $0xFFFFF830  }
0xc2: {  	[spmem:s3] =	stream.indirect.scatter.add.f32 [tilespmem:s18], [sflag:$0x2], $0x10, s15, s21, $0xb8;
	[tilespmem:$0x10E50] =	vst v63  }
0xc3: {  	_ =	swait.ge [sflag:s17], $0x7D0  }
0xc4: {  	[sflag:s17] =	ssyncset.done $0x0  }
0xc5: {  	s15 =	sadd.s32 $0x80, s0;
	[sflag:s17] =	ssyncadd.s32 $0xFFFFF830  }
0xc6: {  	[spmem:s2] =	stream.indirect.scatter.add.f32 [tilespmem:s22], [sflag:$0x2], $0x10, s15, s21, $0xb8;
	[tilespmem:$0x10E50] =	vst v63  }
0xc7: {  	_ =	swait.ge [sflag:s17], $0x7D0  }
0xc8: {  	[sflag:s17] =	ssyncset.done $0x0  }
0xc9: {  	s5 =	sadd.s32 $0x2880, s0;
	[sflag:s17] =	ssyncadd.s32 $0xFFFFF830  }
0xca: {  	[spmem:s2] =	stream.indirect.scatter.add.f32 [tilespmem:s22], [sflag:$0x2], $0x10, s5, s21, $0xb8;
	[tilespmem:$0x10E50] =	vst v63  }
0xcb: {  	_ =	swait.ge [sflag:s17], $0x7D0  }
0xcc: {  	[sflag:s17] =	ssyncset.done $0x0  }
0xcd: {  	[sflag:s17] =	ssyncadd.s32 $0xFFFFF830  }
0xce: {  	[spmem:s3] =	stream.indirect.scatter.add.f32 [tilespmem:s18], [sflag:$0x2], $0x10, s15, s21, $0xb8;
	[tilespmem:$0x10E50] =	vst v63  }
0xcf: {  	_ =	swait.ge [sflag:s17], $0x7D0  }
0xd0: {  	[sflag:s17] =	ssyncset.done $0x0  }
0xd1: {  	[sflag:s17] =	ssyncadd.s32 $0xFFFFF830  }
0xd2: {  	[spmem:s3] =	stream.indirect.scatter.add.f32 [tilespmem:s18], [sflag:$0x2], $0x10, s5, s21, $0xb8;
	[tilespmem:$0x10E50] =	vst v63  }
0xd3: {  	_ =	swait.ge [sflag:s17], $0x7D0  }
0xd4: {  	[sflag:s17] =	ssyncset.done $0x0  }
0xd5: {  	s5 =	sadd.s32 $0x100, s0;
	[sflag:s17] =	ssyncadd.s32 $0xFFFFF830  }
0xd6: {  	[spmem:s2] =	stream.indirect.scatter.add.f32 [tilespmem:s23], [sflag:$0x2], $0x10, s5, s21, $0xb8;
	[tilespmem:$0x10E50] =	vst v63  }
0xd7: {  	_ =	swait.ge [sflag:s17], $0x7D0  }
0xd8: {  	[sflag:s17] =	ssyncset.done $0x0  }
0xd9: {  	s15 =	sadd.s32 $0x2900, s0;
	[sflag:s17] =	ssyncadd.s32 $0xFFFFF830  }
0xda: {  	[spmem:s2] =	stream.indirect.scatter.add.f32 [tilespmem:s23], [sflag:$0x2], $0x10, s15, s21, $0xb8;
	[tilespmem:$0x10E50] =	vst v63  }
0xdb: {  	_ =	swait.ge [sflag:s17], $0x7D0  }
0xdc: {  	[sflag:s17] =	ssyncset.done $0x0  }
0xdd: {  	[sflag:s17] =	ssyncadd.s32 $0xFFFFF830  }
0xde: {  	[spmem:s3] =	stream.indirect.scatter.add.f32 [tilespmem:s18], [sflag:$0x2], $0x10, s5, s21, $0xb8;
	[tilespmem:$0x10E50] =	vst v63  }
0xdf: {  	_ =	swait.ge [sflag:s17], $0x7D0  }
0xe0: {  	[sflag:s17] =	ssyncset.done $0x0  }
0xe1: {  	[sflag:s17] =	ssyncadd.s32 $0xFFFFF830  }
0xe2: {  	[spmem:s3] =	stream.indirect.scatter.add.f32 [tilespmem:s18], [sflag:$0x2], $0x10, s15, s21, $0xb8;
	[tilespmem:$0x10E50] =	vst v63  }
0xe3: {  	_ =	swait.ge [sflag:s17], $0x7D0  }
0xe4: {  	[sflag:s17] =	ssyncset.done $0x0  }
0xe5: {  	s5 =	sadd.s32 $0x180, s0;
	[sflag:s17] =	ssyncadd.s32 $0xFFFFF830  }
0xe6: {  	[spmem:s2] =	stream.indirect.scatter.add.f32 [tilespmem:s24], [sflag:$0x2], $0x10, s5, s21, $0xb8;
	[tilespmem:$0x10E50] =	vst v63  }
0xe7: {  	_ =	swait.ge [sflag:s17], $0x7D0  }
0xe8: {  	[sflag:s17] =	ssyncset.done $0x0  }
0xe9: {  	s15 =	sadd.s32 $0x2980, s0;
	[sflag:s17] =	ssyncadd.s32 $0xFFFFF830  }
0xea: {  	[spmem:s2] =	stream.indirect.scatter.add.f32 [tilespmem:s24], [sflag:$0x2], $0x10, s15, s21, $0xb8;
	[tilespmem:$0x10E50] =	vst v63  }
0xeb: {  	_ =	swait.ge [sflag:s17], $0x7D0  }
0xec: {  	[sflag:s17] =	ssyncset.done $0x0  }
0xed: {  	[sflag:s17] =	ssyncadd.s32 $0xFFFFF830  }
0xee: {  	[spmem:s3] =	stream.indirect.scatter.add.f32 [tilespmem:s18], [sflag:$0x2], $0x10, s5, s21, $0xb8;
	[tilespmem:$0x10E50] =	vst v63  }
0xef: {  	_ =	swait.ge [sflag:s17], $0x7D0  }
0xf0: {  	[sflag:s17] =	ssyncset.done $0x0  }
0xf1: {  	[sflag:s17] =	ssyncadd.s32 $0xFFFFF830  }
0xf2: {  	[spmem:s3] =	stream.indirect.scatter.add.f32 [tilespmem:s18], [sflag:$0x2], $0x10, s15, s21, $0xb8;
	[tilespmem:$0x10E50] =	vst v63  }
0xf3: {  	_ =	swait.ge [sflag:s17], $0x7D0  }
0xf4: {  	[sflag:s17] =	ssyncset.done $0x0  }
0xf5: {  	s5 =	sadd.s32 $0x200, s0;
	[sflag:s17] =	ssyncadd.s32 $0xFFFFF830  }
0xf6: {  	[spmem:s2] =	stream.indirect.scatter.add.f32 [tilespmem:s25], [sflag:$0x2], $0x10, s5, s21, $0xb8;
	[tilespmem:$0x10E50] =	vst v63  }
0xf7: {  	_ =	swait.ge [sflag:s17], $0x7D0  }
0xf8: {  	[sflag:s17] =	ssyncset.done $0x0  }
0xf9: {  	s15 =	sadd.s32 $0x2A00, s0;
	[sflag:s17] =	ssyncadd.s32 $0xFFFFF830  }
0xfa: {  	[spmem:s2] =	stream.indirect.scatter.add.f32 [tilespmem:s25], [sflag:$0x2], $0x10, s15, s21, $0xb8;
	[tilespmem:$0x10E50] =	vst v63  }
0xfb: {  	_ =	swait.ge [sflag:s17], $0x7D0  }
0xfc: {  	[sflag:s17] =	ssyncset.done $0x0  }
0xfd: {  	[sflag:s17] =	ssyncadd.s32 $0xFFFFF830  }
0xfe: {  	[spmem:s3] =	stream.indirect.scatter.add.f32 [tilespmem:s18], [sflag:$0x2], $0x10, s5, s21, $0xb8;
	[tilespmem:$0x10E50] =	vst v63  }
0xff: {  	_ =	swait.ge [sflag:s17], $0x7D0  }
0x100: {  	[sflag:s17] =	ssyncset.done $0x0  }
0x101: {  	[sflag:s17] =	ssyncadd.s32 $0xFFFFF830  }
0x102: {  	[spmem:s3] =	stream.indirect.scatter.add.f32 [tilespmem:s18], [sflag:$0x2], $0x10, s15, s21, $0xb8;
	[tilespmem:$0x10E50] =	vst v63  }
0x103: {  	_ =	swait.ge [sflag:s17], $0x7D0  }
0x104: {  	[sflag:s17] =	ssyncset.done $0x0  }
0x105: {  	s5 =	sadd.s32 $0x280, s0;
	[sflag:s17] =	ssyncadd.s32 $0xFFFFF830  }
0x106: {  	[spmem:s2] =	stream.indirect.scatter.add.f32 [tilespmem:s26], [sflag:$0x2], $0x10, s5, s21, $0xb8;
	[tilespmem:$0x10E50] =	vst v63  }
0x107: {  	_ =	swait.ge [sflag:s17], $0x7D0  }
0x108: {  	[sflag:s17] =	ssyncset.done $0x0  }
0x109: {  	s15 =	sadd.s32 $0x2A80, s0;
	[sflag:s17] =	ssyncadd.s32 $0xFFFFF830  }
0x10a: {  	[spmem:s2] =	stream.indirect.scatter.add.f32 [tilespmem:s26], [sflag:$0x2], $0x10, s15, s21, $0xb8;
	[tilespmem:$0x10E50] =	vst v63  }
0x10b: {  	_ =	swait.ge [sflag:s17], $0x7D0  }
0x10c: {  	[sflag:s17] =	ssyncset.done $0x0  }
0x10d: {  	[sflag:s17] =	ssyncadd.s32 $0xFFFFF830  }
0x10e: {  	[spmem:s3] =	stream.indirect.scatter.add.f32 [tilespmem:s18], [sflag:$0x2], $0x10, s5, s21, $0xb8;
	[tilespmem:$0x10E50] =	vst v63  }
0x10f: {  	_ =	swait.ge [sflag:s17], $0x7D0  }
0x110: {  	[sflag:s17] =	ssyncset.done $0x0  }
0x111: {  	[sflag:s17] =	ssyncadd.s32 $0xFFFFF830  }
0x112: {  	[spmem:s3] =	stream.indirect.scatter.add.f32 [tilespmem:s18], [sflag:$0x2], $0x10, s15, s21, $0xb8;
	[tilespmem:$0x10E50] =	vst v63  }
0x113: {  	_ =	swait.ge [sflag:s17], $0x7D0  }
0x114: {  	[sflag:s17] =	ssyncset.done $0x0  }
0x115: {  	s5 =	sadd.s32 $0x300, s0;
	[sflag:s17] =	ssyncadd.s32 $0xFFFFF830  }
0x116: {  	[spmem:s2] =	stream.indirect.scatter.add.f32 [tilespmem:s28], [sflag:$0x2], $0x10, s5, s21, $0xb8;
	[tilespmem:$0x10E50] =	vst v63  }
0x117: {  	_ =	swait.ge [sflag:s17], $0x7D0  }
0x118: {  	[sflag:s17] =	ssyncset.done $0x0  }
0x119: {  	s15 =	sadd.s32 $0x2B00, s0;
	[sflag:s17] =	ssyncadd.s32 $0xFFFFF830  }
0x11a: {  	[spmem:s2] =	stream.indirect.scatter.add.f32 [tilespmem:s28], [sflag:$0x2], $0x10, s15, s21, $0xb8;
	[tilespmem:$0x10E50] =	vst v63  }
0x11b: {  	_ =	swait.ge [sflag:s17], $0x7D0  }
0x11c: {  	[sflag:s17] =	ssyncset.done $0x0  }
0x11d: {  	[sflag:s17] =	ssyncadd.s32 $0xFFFFF830  }
0x11e: {  	[spmem:s3] =	stream.indirect.scatter.add.f32 [tilespmem:s18], [sflag:$0x2], $0x10, s5, s21, $0xb8;
	[tilespmem:$0x10E50] =	vst v63  }
0x11f: {  	_ =	swait.ge [sflag:s17], $0x7D0  }
0x120: {  	[sflag:s17] =	ssyncset.done $0x0  }
0x121: {  	[sflag:s17] =	ssyncadd.s32 $0xFFFFF830  }
0x122: {  	[spmem:s3] =	stream.indirect.scatter.add.f32 [tilespmem:s18], [sflag:$0x2], $0x10, s15, s21, $0xb8;
	[tilespmem:$0x10E50] =	vst v63  }
0x123: {  	_ =	swait.ge [sflag:s17], $0x7D0  }
0x124: {  	[sflag:s17] =	ssyncset.done $0x0  }
0x125: {  	s5 =	sadd.s32 $0x380, s0;
	[sflag:s17] =	ssyncadd.s32 $0xFFFFF830  }
0x126: {  	[spmem:s2] =	stream.indirect.scatter.add.f32 [tilespmem:s29], [sflag:$0x2], $0x10, s5, s21, $0xb8;
	[tilespmem:$0x10E50] =	vst v63  }
0x127: {  	_ =	swait.ge [sflag:s17], $0x7D0  }
0x128: {  	[sflag:s17] =	ssyncset.done $0x0  }
0x129: {  	s0 =	sadd.s32 $0x2B80, s0;
	[sflag:s17] =	ssyncadd.s32 $0xFFFFF830  }
0x12a: {  	[spmem:s2] =	stream.indirect.scatter.add.f32 [tilespmem:s29], [sflag:$0x2], $0x10, s0, s21, $0xb8;
	[tilespmem:$0x10E50] =	vst v63  }
0x12b: {  	_ =	swait.ge [sflag:s17], $0x7D0  }
0x12c: {  	[sflag:s17] =	ssyncset.done $0x0  }
0x12d: {  	[sflag:s17] =	ssyncadd.s32 $0xFFFFF830  }
0x12e: {  	[spmem:s3] =	stream.indirect.scatter.add.f32 [tilespmem:s18], [sflag:$0x2], $0x10, s5, s21, $0xb8;
	[tilespmem:$0x10E50] =	vst v63  }
0x12f: {  	_ =	swait.ge [sflag:s17], $0x7D0  }
.Ltmp0:
0x130: {  	[sflag:s17] =	ssyncset.done $0x0;
	(pc) =	sbr.rel @p0 .LBB2_2-.Ltmp0, $4  }
0x131: {  	[sflag:s17] =	ssyncadd.s32 $0xFFFFF830  }
0x132: {  	[spmem:s3] =	stream.indirect.scatter.add.f32 [tilespmem:s18], [sflag:$0x2], $0x10, s0, s21, $0xb8;
	[tilespmem:$0x10E50] =	vst v63  }
0x133: {  	_ =	swait.ge [sflag:s17], $0x7D0  }
0x134: {  	[sflag:s17] =	ssyncset.done $0x0  }
0x135: {  	[sflag:s17] =	ssyncadd.s32 $0xFFFFF830  }
0x136: {  	[bflag:$0x0] =	sbarrier.arrive $0xFFFF  }
0x137: {  	[tilespmem:s16], [sflag:$0x2] =	stream.linear.gather [spmem:s9], $0x2800, $0x38;
	[tilespmem:$0x10E50] =	vst v63  }
0x138: {  	_ =	swait.ge [sflag:s17], $0x2800  }
0x139: {  	[sflag:s17] =	ssyncset.done $0x0  }
0x13a: {  	[sflag:s17] =	ssyncadd.s32 $0xFFFFD800  }
0x13b: {  	[hbm4b:s11+s4] =	stream.linear.scatter [tilespmem:s16], [sflag:$0x2], $0x2800, $0x38;
	[tilespmem:$0x10E50] =	vst v63  }
0x13c: {  	_ =	swait.ge [sflag:s17], $0x2800  }
0x13d: {  	[sflag:s17] =	ssyncset.done $0x0  }
0x13e: {  	[sflag:s17] =	ssyncadd.s32 $0xFFFFD800  }
0x13f: {  	[tilespmem:s16], [sflag:$0x2] =	stream.linear.gather [spmem:s10], $0x2800, $0x38;
	[tilespmem:$0x10E50] =	vst v63  }
0x140: {  	s30 =	sadd.s32 $0x1, s30;
	_ =	swait.ge [sflag:s17], $0x2800  }
0x141: {  	p0 =	sne.s32 s30, s13;
	[sflag:s17] =	ssyncset.done $0x0  }
.Ltmp1:
0x142: {  	[sflag:s17] =	ssyncadd.s32 $0xFFFFD800;
	(pc) =	sbr.rel @p0 .LBB2_1-.Ltmp1, $4  }
0x143: {  	[hbm4b:s12+s4] =	stream.linear.scatter [tilespmem:s16], [sflag:$0x2], $0x2800, $0x38;
	[tilespmem:$0x10E50] =	vst v63  }
0x144: {  	_ =	swait.ge [sflag:s17], $0x2800  }
0x145: {  	[sflag:s17] =	ssyncset.done $0x0  }
0x146: {  	[sflag:s17] =	ssyncadd.s32 $0xFFFFD800  }
0x147: {  	_ =	sfence.sel $0x180000  }
0x148: {  	[bflag:$0x0] =	sbarrier.arrive $0xFFFF  }
0x149: {  	_ =	strace $0x9000004A  }
0x14a: {  	s0 =	stileid.u32;
	[bflag:$0x2] =	sbarrier.arrive $0xFFFF  }
0x14b: {  	p0 =	sne.s32 s0, $0x0;
	s0 =	rddreg [dreg:$0x4]  }
0x14c: {  	s0 =	sadd.s32 @!p0 $0x100000, s0  }
0x14d: {  	[sflag:s0] =	ssyncadd.tile.s32 @!p0 $0x1;
	_ =	shalt  }
.Lfunc_end2:
_tile_overlayer_lowered:
.L_overlay_start_2:
0x14e: {  	(tag) =	ssettag $0x2  }
0x14f: {  	s0 =	rddreg [dreg:$0x0];
	s2 =	stileid.u32  }
0x150: {  	s1 =	rddreg [dreg:$0x1];
	p0 =	sne.s32 s2, $0x0  }
0x151: {  	s3 =	rddreg [dreg:$0x2];
	[bflag:$0x3] =	sbarrier.arrive $0xFFFF;
	s2 =	simm.s32 @!p0 $0x1C02  }
0x152: {  	[timem:s3], [sflag:s2] =	dma.local @!p0 [hbm:s0], s1  }
0x153: {  	s0 =	simm.s32 @!p0 $0x2  }
0x154: {  	_ =	swait.ge @!p0 [sflag:s0], s1  }
0x155: {  	s1 =	ssub.s32 @!p0 $0x0, s1;
	[sflag:s0] =	ssyncset.done @!p0 $0x0  }
0x156: {  	[sflag:s0] =	ssyncadd.s32 @!p0 s1  }
0x157: {  	[bflag:$0x3] =	sbarrier.arrive $0xFFFF  }
0x158: {  	_ =	shalt  }

// kernel: kernel.7.cloned.1.call-start
scs
__scs_entry_jumppad:
0x0: {  	(pc) =	sbr.rel $0x88, $3  }
0x1: {  	(tag) =	ssettag $0x0;
	lr =	simm.s32 $0x1  }
0x2: {  	[smem:$0x3F96] =	sst lr;
	_ =	strace $0xD0000000  }
0x3: {  	_ = 	snop  }
0x4: {  	_ = 	snop  }
0x5: {  	_ = 	snop  }
0x6: {  	_ = 	snop  }
0x7: {  	_ = 	snop  }
__scs_overlays_trampoline_lowered:
0x8: {  	[smem:$0x3FA5] =	sst s0  }
0x9: {  	[smem:$0x3FA6] =	sst s1  }
0xa: {  	[smem:$0x3FA7] =	sst s2  }
0xb: {  	[smem:$0x3FA8] =	sst s3  }
0xc: {  	[smem:$0x3FA9] =	sst s4  }
0xd: {  	[smem:$0x3FAA] =	sst s5  }
0xe: {  	[smem:$0x3FAB] =	sst s6  }
0xf: {  	[smem:$0x3FAC] =	sst s7  }
0x10: {  	[smem:$0x3FAD] =	sst s8  }
0x11: {  	[smem:$0x3FAE] =	sst s9;
	s0 =	simm.s32 @!p0 $0x0  }
0x12: {  	s1 =	sld [smem:$0x3F94];
	s0 =	simm.s32 @p0 $0x1  }
0x13: {  	[smem:$0x3FAF] =	sst s0;
	s0 =	simm.s32 @!p1 $0x0  }
0x14: {  	s2 =	sld [smem:$0x3F93];
	s0 =	simm.s32 @p1 $0x1  }
0x15: {  	[smem:$0x3FB0] =	sst s0;
	s0 =	simm.s32 @!p2 $0x0  }
0x16: {  	s3 =	sld [smem:$0x3FDB];
	s0 =	simm.s32 @p2 $0x1  }
0x17: {  	s4 =	simm.s32 $0x1BF5;
	[smem:$0x3FB2] =	sst s0  }
0x18: {  	s0 =	sld [smem:$0x3F95];
	_ =	swait.ge [sflag:s4], $0x0  }
0x19: {  	s7 =	sld [smem:$0x3F96]  }
0x1a: {  	s8 =	sadd.s32 $0xFFFFE003, lr  }
0x1b: {  	s9 =	sadd.s32 $0xFFFFFEF7, lr;
	s5 =	simm.s32 $0xFFFFFFFF;
	p2 =	slt.u32 s8, $0xFFFFF086  }
0x1c: {  	p1 =	slt.u32 s9, $0xF7A;
	s5 =	simm.s32 @!p2 $0x0  }
0x1d: {  	s5 =	simm.s32 @p1 $0x1;
	p0 =	seq.s32 s7, s2  }
0x1e: {  	s7 =	smul.u32 @!p0 $0xF7A, s2;
	p2 =	seq.s32 @!p0 s5, $0x0  }
0x1f: {  	s9 =	smul.u32 $0xF7A, s1;
	s8 =	simm.s32 @!p0 $0x1BF5;
	p2 =	por !p2, p0  }
0x20: {  	[sflag:s8] =	ssyncset.s32 @!p0 $0xFFFFF086;
	s6 =	sadd.s32 @!p0 s3, s7;
	s7 =	simm.s32 @!p0 $0x108  }
0x21: {  	s3 =	sadd.s32 s3, s9;
	s6 =	sadd.s32 @!p0 $0x88, s6;
	s7 =	simm.s32 @p2 $0x1082  }
0x22: {  	[simem:s7], [sflag:s8] =	dma.local @!p0 [hbm:s6], $0xF7A  }
0x23: {  	s9 =	sor.u32 $0xD0000000, s2;
	s6 =	simm.s32 $0x108;
	_ =	swait.ge @!p0 [sflag:s8], $0x0  }
0x24: {  	s3 =	sadd.s32 $0x88, s3;
	s6 =	simm.s32 @!p1 $0x1082;
	[sflag:s4] =	ssyncset.s32 $0xFFFFF086  }
0x25: {  	[simem:s6], [sflag:s4] =	dma.local [hbm:s3], $0xF7A  }
0x26: {  	[smem:$0x3F96] =	sst s1;
	(tag) =	ssettag s2;
	_ =	strace s9  }
0x27: {  	s1 =	sld [smem:$0x3FA6]  }
0x28: {  	s2 =	sld [smem:$0x3FA7]  }
0x29: {  	s4 =	sld [smem:$0x3FA9]  }
0x2a: {  	p0 =	seq.s32 s5, $0x0;
	s5 =	sld [smem:$0x3FAA]  }
0x2b: {  	s6 =	sld [smem:$0x3FAB]  }
0x2c: {  	s7 =	sld [smem:$0x3FAC]  }
0x2d: {  	s3 =	simm.s32 $0x108;
	s8 =	sld [smem:$0x3FAD]  }
0x2e: {  	s3 =	simm.s32 @!p0 $0x1082;
	s9 =	sld [smem:$0x3FAE]  }
0x2f: {  	lr =	sadd.s32 s0, s3;
	s0 =	sld [smem:$0x3FA5]  }
0x30: {  	s3 =	sld [smem:$0x3FA8]  }
0x31: {  	[smem:$0x3FB1] =	sst s10  }
0x32: {  	s10 =	sld [smem:$0x3FAF];
	_ =	sdelay $0x3  }
0x33: {  	p0 =	seq.s32 s10, $0x1;
	s10 =	sld [smem:$0x3FB1];
	_ =	sdelay $0x3  }
0x34: {  	[smem:$0x3FB1] =	sst s10  }
0x35: {  	s10 =	sld [smem:$0x3FB0];
	_ =	sdelay $0x3  }
0x36: {  	p1 =	seq.s32 s10, $0x1;
	s10 =	sld [smem:$0x3FB1];
	_ =	sdelay $0x3  }
0x37: {  	[smem:$0x3FB1] =	sst s10  }
0x38: {  	s10 =	sld [smem:$0x3FB2]  }
0x39: {  	_ = 	snop;
	(pc) =	sbr.ind lr, $3  }
0x3a: {  	_ = 	snop  }
0x3b: {  	_ = 	snop  }
0x3c: {  	p2 =	seq.s32 s10, $0x1;
	s10 =	sld [smem:$0x3FB1]  }
0x3d: {  	_ =	shalt  }
0x3e: {  	_ =	shalt  }
0x3f: {  	_ =	shalt  }
0x40: {  	_ =	shalt  }
0x41: {  	_ =	shalt  }
0x42: {  	_ =	shalt  }
0x43: {  	_ =	shalt  }
0x44: {  	_ =	shalt  }
0x45: {  	_ =	shalt  }
0x46: {  	_ =	shalt  }
0x47: {  	_ =	shalt  }
0x48: {  	_ =	shalt  }
0x49: {  	_ =	shalt  }
0x4a: {  	_ =	shalt  }
0x4b: {  	_ =	shalt  }
0x4c: {  	_ =	shalt  }
0x4d: {  	_ =	shalt  }
0x4e: {  	_ =	shalt  }
0x4f: {  	_ =	shalt  }
0x50: {  	_ =	shalt  }
0x51: {  	_ =	shalt  }
0x52: {  	_ =	shalt  }
0x53: {  	_ =	shalt  }
0x54: {  	_ =	shalt  }
0x55: {  	_ =	shalt  }
0x56: {  	_ =	shalt  }
0x57: {  	_ =	shalt  }
0x58: {  	_ =	shalt  }
0x59: {  	_ =	shalt  }
0x5a: {  	_ =	shalt  }
0x5b: {  	_ =	shalt  }
0x5c: {  	_ =	shalt  }
0x5d: {  	_ =	shalt  }
0x5e: {  	_ =	shalt  }
0x5f: {  	_ =	shalt  }
0x60: {  	_ =	shalt  }
0x61: {  	_ =	shalt  }
0x62: {  	_ =	shalt  }
0x63: {  	_ =	shalt  }
0x64: {  	_ =	shalt  }
0x65: {  	_ =	shalt  }
0x66: {  	_ =	shalt  }
0x67: {  	_ =	shalt  }
0x68: {  	_ =	shalt  }
0x69: {  	_ =	shalt  }
0x6a: {  	_ =	shalt  }
0x6b: {  	_ =	shalt  }
0x6c: {  	_ =	shalt  }
0x6d: {  	_ =	shalt  }
0x6e: {  	_ =	shalt  }
0x6f: {  	_ =	shalt  }
0x70: {  	_ =	shalt  }
0x71: {  	_ =	shalt  }
0x72: {  	_ =	shalt  }
0x73: {  	_ =	shalt  }
0x74: {  	_ =	shalt  }
0x75: {  	_ =	shalt  }
0x76: {  	_ =	shalt  }
0x77: {  	_ =	shalt  }
0x78: {  	_ =	shalt  }
0x79: {  	_ =	shalt  }
0x7a: {  	_ =	shalt  }
0x7b: {  	_ =	shalt  }
0x7c: {  	_ =	shalt  }
0x7d: {  	_ =	shalt  }
0x7e: {  	_ =	shalt  }
0x7f: {  	_ =	shalt  }
0x80: {  	_ =	shalt  }
0x81: {  	_ =	shalt  }
0x82: {  	_ =	shalt  }
0x83: {  	_ =	shalt  }
0x84: {  	_ =	shalt  }
0x85: {  	_ =	shalt  }
0x86: {  	_ =	shalt  }
0x87: {  	_ =	shalt  }
.Lfunc_end0:
.L_simem_size_0:
called_computation_lowered:
.L_overlay_start_0:
0x88: {  	s2 =	sld [smem:$0x3FD9]  }
0x89: {  	s3 =	sld [smem:$0x3FFE];
	_ =	sdelay $0x1  }
0x8a: {  	s1 =	srdreg.scid  }
0x8b: {  	s0 =	sand.u32 $0x1, s1  }
0x8c: {  	s14 =	sshll.u32 s0, $0xA;
	s2 =	sadd.s32 s3, s2  }
0x8d: {  	s2 =	sadd.s32 s2, s14  }
0x8e: {  	[smem:$0x3FBD] =	sst s2  }
0x8f: {  	_ = 	snop  }
0x90: {  	s2 =	sld [smem:$0x3FD0];
	_ =	sdelay $0x2  }
0x91: {  	s15 =	simm.s32 $0xA;
	s4 =	simm.s32 $0x10  }
0x92: {  	[smem:s4], [sflag:s15] =	dma.local [hbm:s2], $0x1  }
0x93: {  	_ =	swait.eq [sflag:s15], $0x1  }
0x94: {  	[sflag:s15] =	ssyncset.done $0x0  }
0x95: {  	[sflag:s15] =	ssyncadd.s32 $0xFFFFFFFF  }
0x96: {  	s16 =	sld [smem:$0x10];
	(tm) =	ssettm $0x1  }
0x97: {  	s17 =	sld [smem:$0x3FFB];
	_ =	sdelay $0x3  }
0x98: {  	_ =	strace s17  }
0x99: {  	s3 =	sld [smem:$0x3FFC];
	_ =	sdelay $0x3  }
0x9a: {  	_ =	strace s3  }
0x9b: {  	s3 =	sld [smem:$0x3FFD];
	_ =	sdelay $0x3  }
0x9c: {  	_ =	strace s3  }
0x9d: {  	_ =	strace $0x8FFFFFFF  }
0x9e: {  	s18 =	sld [smem:$0x3FDB];
	_ =	sdelay $0x1  }
0x9f: {  	s19 =	simm.s32 $_scs_section_size  }
0xa0: {  	s5 =	simm.s32 $_size__tile_overlayer_lowered;
	s6 =	simm.s32 $_tile_overlayer_lowered  }
0xa1: {  	s22 =	simm.s32 $0x1BFF;
	s21 =	sshll.u32 s6, $0x1;
	s3 =	sadd.s32 s19, s18  }
0xa2: {  	s7 =	simm.s32 $0x0;
	s20 =	sshll.u32 s5, $0x1;
	s5 =	sadd.s32 s21, s3  }
0xa3: {  	[timem:s7], [sflag:s22] =	dma.local [hbm:s5], s20  }
0xa4: {  	_ =	swait.ge [sflag:s22], s20  }
0xa5: {  	s4 =	ssub.s32 $0x0, s20;
	[sflag:s22] =	ssyncset.done $0x0  }
0xa6: {  	[sflag:s22] =	ssyncadd.s32 s4;
	_ =	sdelay $0x1  }
0xa7: {  	s23 =	simm.s32 $0x1B8B  }
0xa8: {  	_ =	swait.ge [sflag:s23], $0x1  }
0xa9: {  	[sflag:s23] =	ssyncset.done $0x0  }
0xaa: {  	s25 =	simm.s32 $0x1B8E;
	s24 =	sld [smem:$0x3FFE];
	[sflag:s23] =	ssyncadd.s32 $0xFFFFFFFF  }
0xab: {  	s26 =	simm.s32 $execute0_lowered;
	[smem:$0x3FD2] =	sst s25  }
0xac: {  	s5 =	sshll.u32 s26, $0x1;
	_ =	strace $0x80000046;
	[dreg:$0x1] =	wrdreg $0xFFFFFFFF  }
0xad: {  	s28 =	simm.s32 $_size_execute0_lowered;
	s3 =	sadd.s32 s3, s5;
	[dreg:$0x0] =	wrdreg $0x0  }
0xae: {  	s5 =	sshll.u32 s28, $0x1;
	[dreg:$0x2] =	wrdreg s3  }
0xaf: {  	[dreg:$0x3] =	wrdreg s5  }
0xb0: {  	[dreg:$0x4] =	wrdreg $0xC0  }
0xb1: {  	_ =	task [dreg:s7], $0x5FFFF  }
0xb2: {  	[dreg:$0x1] =	wrdreg $0xFFFFFFFF  }
0xb3: {  	[dreg:$0x0] =	wrdreg $0x60  }
0xb4: {  	[dreg:$0x2] =	wrdreg s24  }
0xb5: {  	[dreg:$0x3] =	wrdreg s16  }
0xb6: {  	[dreg:$0x4] =	wrdreg $0x9  }
0xb7: {  	_ =	task.clear_ibuf [dreg:s7], $0x5FFFF;
	_ =	strace $0x90000046  }
0xb8: {  	s29 =	simm.s32 $0x9;
	_ =	strace $0x80000048  }
0xb9: {  	_ =	swait.ge [sflag:s29], $0x1  }
0xba: {  	[sflag:s29] =	ssyncadd.s32 $0xFFFFFFFF  }
0xbb: {  	_ =	strace $0x90000048  }
0xbc: {  	_ =	sfence  }
0xbd: {  	s30 =	sld [smem:$0x0];
	_ =	sdelay $0x2  }
0xbe: {  	s31 =	sshll.u32 s1, $0xD;
	s1 =	sshrl.u32 s1, $0x2  }
0xbf: {  	s3 =	sand.u32 $0x4000, s31;
	s1 =	sadd.s32 s1, s30  }
0xc0: {  	s0 =	sor.u32 s3, s0;
	s1 =	sshll.u32 s1, $0x11  }
0xc1: {  	s0 =	sor.u32 s1, s0  }
0xc2: {  	s0 =	sadd.s32 $0x8F2B, s0  }
0xc3: {  	[sflag:s0] =	ssyncadd.remote.s32 $0x1  }
0xc4: {  	_ =	sfence.sel $0xFFFF  }
0xc5: {  	[dreg:$0x0] =	wrdreg $0xFFFFFFFF;
	(pc) =	sbr.abs _section_cstart, $3  }
0xc6: {  	[dreg:$0x1] =	wrdreg $0xFFFFFFFF  }
0xc7: {  	_ =	task.clear_ibuf [dreg:s7], $0x2FFFF;
	_ =	strace $0x9FFFFFFF  }
0xc8: {  	(tm) =	ssettm $0x7FFFFFFF  }
0xc9: {  	_ =	shalt  }
tec
execute0_lowered:
.L_overlay_start_1:
0x0: {  	(tag) =	ssettag $0x1  }
0x1: {  	s5 =	rddreg [dreg:$0x0];
	s1 =	srdreg.scid  }
0x2: {  	s0 =	stileid.u32;
	s6 =	rddreg [dreg:$0x1]  }
0x3: {  	s2 =	simm.s32 $0x0;
	s23 =	simm.s32 $0x57D0;
	s25 =	simm.s32 $0x9650  }
0x4: {  	s26 =	simm.s32 $0x5FA0;
	s28 =	simm.s32 $0x9E20;
	s29 =	simm.s32 $0x6770  }
0x5: {  	s30 =	simm.s32 $0xA5F0;
	s31 =	simm.s32 $0x6F40;
	[smem:$0x7FF] =	sst s2  }
0x6: {  	s13 =	simm.s32 $0xADC0;
	_ =	strace $0x80000047;
	[dreg:$0x3] =	wrdreg s23  }
0x7: {  	s14 =	simm.s32 $0x7710;
	s15 =	simm.s32 $0xB590;
	[dreg:$0x4] =	wrdreg s25  }
0x8: {  	s16 =	simm.s32 $0xBD60;
	s17 =	simm.s32 $0x86B0;
	[dreg:$0x5] =	wrdreg s26  }
0x9: {  	s18 =	simm.s32 $0xC530;
	s19 =	simm.s32 $0x2;
	[dreg:$0x6] =	wrdreg s28  }
0xa: {  	s20 =	simm.s32 $0x3;
	s21 =	simm.s32 $0x0;
	[dreg:$0x7] =	wrdreg s29  }
0xb: {  	s7 =	sand.u32 $0x1, s1;
	s3 =	sshll.u32 s0, $0x1;
	[dreg:$0x8] =	wrdreg s30  }
0xc: {  	s9 =	smul.u32 $0x9C40, s0;
	s4 =	sadd.s32 $0xA400, s5;
	[dreg:$0x9] =	wrdreg s31  }
0xd: {  	s3 =	sor.u32 s7, s3;
	s10 =	ssub.s32 $0x2, s7;
	[dreg:$0xa] =	wrdreg s13  }
0xe: {  	s24 =	smul.u32 $0x4E20, s7;
	s13 =	simm.s32 $0x5000;
	[dreg:$0xb] =	wrdreg s14  }
0xf: {  	s14 =	simm.s32 $0x8E80;
	[dreg:$0xc] =	wrdreg s15;
	s15 =	simm.s32 $0x7EE0  }
0x10: {  	s8 =	smul.u32 $0x500, s3;
	s11 =	sshrl.u32 s10, $0x1;
	s9 =	sadd.s32 s9, s5  }
0x11: {  	s3 =	sadd.s32 $0x5400, s5;
	s10 =	ssub.s32 s10, s11;
	s9 =	sadd.s32 s24, s9  }
0x12: {  	s11 =	simm.s32 $0x1;
	s12 =	sadd.s32 s8, s5;
	s5 =	sadd.s32 s6, s8  }
0x13: {  	s7 =	smax.u32 s10, $0x1;
	s8 =	sadd.s32 $0xB5800, s9;
	s9 =	sadd.s32 $0x19400, s9  }
0x14: {  	s10 =	simm.s32 $0x2800;
	s6 =	sadd.s32 $0xF400, s12;
	s12 =	simm.s32 $0x7D  }
.LBB2_1:
0x15: {  	[tilespmem:s2], [sflag:$0x1] =	stream.linear.gather [hbm4b:s5+s2], $0x2800, $0x38;
	[tilespmem:$0xCD00] =	vst v63  }
0x16: {  	_ = 	snop  }
0x17: {  	[tilespmem:s10], [sflag:$0x1] =	stream.linear.gather [hbm4b:s6+s2], $0x2800, $0x38;
	[tilespmem:$0xCD00] =	vst v63  }
0x18: {  	_ =	swait.ge [sflag:s11], $0x2800  }
0x19: {  	[sflag:s11] =	ssyncset.done $0x0  }
0x1a: {  	[sflag:s11] =	ssyncadd.s32 $0xFFFFD800  }
0x1b: {  	_ =	swait.ge [sflag:s11], $0x2800  }
0x1c: {  	p0 =	por $0x1, $0x1;
	[sflag:s11] =	ssyncset.done $0x0  }
0x1d: {  	s22 =	simm.s32 @!p0 $0x3;
	[sflag:s11] =	ssyncadd.s32 $0xFFFFD800  }
0x1e: {  	_ =	swait.ge @!p0 [sflag:s22], $0x3E80  }
0x1f: {  	[sflag:s22] =	ssyncset.done @!p0 $0x0  }
0x20: {  	[sflag:s22] =	ssyncadd.s32 @!p0 $0xFFFFC180  }
0x21: {  	_ =	swait.ge @!p0 [sflag:s22], $0x3E80  }
0x22: {  	[sflag:s22] =	ssyncset.done @!p0 $0x0  }
0x23: {  	s23 =	simm.s32 $0x0;
	[sflag:s22] =	ssyncadd.s32 @!p0 $0xFFFFC180  }
0x24: {  	[tilespmem:s13], [sflag:$0x2] =	stream.indirect.gather [hbm4b:s3+s12], $0x10, s23, s12, $0xb8;
	[tilespmem:$0xCD00] =	vst v63  }
0x25: {  	s24 =	simm.s32 $0x2800  }
0x26: {  	[tilespmem:s14], [sflag:$0x2] =	stream.indirect.gather [hbm4b:s4+s12], $0x10, s24, s12, $0xb8;
	[tilespmem:$0xCD00] =	vst v63  }
0x27: {  	s25 =	simm.s32 $0x80;
	s23 =	rddreg [dreg:$0x3]  }
0x28: {  	[tilespmem:s23], [sflag:$0x2] =	stream.indirect.gather [hbm4b:s3+s12], $0x10, s25, s12, $0xb8;
	[tilespmem:$0xCD00] =	vst v63  }
0x29: {  	s26 =	simm.s32 $0x2880;
	s24 =	rddreg [dreg:$0x4]  }
0x2a: {  	[tilespmem:s24], [sflag:$0x2] =	stream.indirect.gather [hbm4b:s4+s12], $0x10, s26, s12, $0xb8;
	[tilespmem:$0xCD00] =	vst v63  }
0x2b: {  	s29 =	simm.s32 $0x100;
	s28 =	rddreg [dreg:$0x5]  }
0x2c: {  	[tilespmem:s28], [sflag:$0x2] =	stream.indirect.gather [hbm4b:s3+s12], $0x10, s29, s12, $0xb8;
	[tilespmem:$0xCD00] =	vst v63  }
0x2d: {  	s31 =	simm.s32 $0x2900;
	s30 =	rddreg [dreg:$0x6]  }
0x2e: {  	[tilespmem:s30], [sflag:$0x2] =	stream.indirect.gather [hbm4b:s4+s12], $0x10, s31, s12, $0xb8;
	[tilespmem:$0xCD00] =	vst v63  }
0x2f: {  	s1 =	rddreg [dreg:$0x7];
	s24 =	simm.s32 $0x180  }
0x30: {  	[tilespmem:s1], [sflag:$0x2] =	stream.indirect.gather [hbm4b:s3+s12], $0x10, s24, s12, $0xb8;
	[tilespmem:$0xCD00] =	vst v63  }
0x31: {  	s25 =	rddreg [dreg:$0x8];
	s26 =	simm.s32 $0x2980  }
0x32: {  	[tilespmem:s25], [sflag:$0x2] =	stream.indirect.gather [hbm4b:s4+s12], $0x10, s26, s12, $0xb8;
	[tilespmem:$0xCD00] =	vst v63  }
0x33: {  	s28 =	rddreg [dreg:$0x9];
	s29 =	simm.s32 $0x200  }
0x34: {  	[tilespmem:s28], [sflag:$0x2] =	stream.indirect.gather [hbm4b:s3+s12], $0x10, s29, s12, $0xb8;
	[tilespmem:$0xCD00] =	vst v63  }
0x35: {  	s30 =	rddreg [dreg:$0xa];
	s31 =	simm.s32 $0x2A00  }
0x36: {  	[tilespmem:s30], [sflag:$0x2] =	stream.indirect.gather [hbm4b:s4+s12], $0x10, s31, s12, $0xb8;
	[tilespmem:$0xCD00] =	vst v63  }
0x37: {  	s1 =	rddreg [dreg:$0xb];
	s24 =	simm.s32 $0x280  }
0x38: {  	[tilespmem:s1], [sflag:$0x2] =	stream.indirect.gather [hbm4b:s3+s12], $0x10, s24, s12, $0xb8;
	[tilespmem:$0xCD00] =	vst v63  }
0x39: {  	s25 =	rddreg [dreg:$0xc];
	s26 =	simm.s32 $0x2A80  }
0x3a: {  	[tilespmem:s25], [sflag:$0x2] =	stream.indirect.gather [hbm4b:s4+s12], $0x10, s26, s12, $0xb8;
	[tilespmem:$0xCD00] =	vst v63  }
0x3b: {  	s28 =	simm.s32 $0x300  }
0x3c: {  	[tilespmem:s15], [sflag:$0x2] =	stream.indirect.gather [hbm4b:s3+s12], $0x10, s28, s12, $0xb8;
	[tilespmem:$0xCD00] =	vst v63  }
0x3d: {  	s29 =	simm.s32 $0x2B00  }
0x3e: {  	[tilespmem:s16], [sflag:$0x2] =	stream.indirect.gather [hbm4b:s4+s12], $0x10, s29, s12, $0xb8;
	[tilespmem:$0xCD00] =	vst v63  }
0x3f: {  	s30 =	simm.s32 $0x380  }
0x40: {  	[tilespmem:s17], [sflag:$0x2] =	stream.indirect.gather [hbm4b:s3+s12], $0x10, s30, s12, $0xb8;
	[tilespmem:$0xCD00] =	vst v63  }
0x41: {  	s31 =	simm.s32 $0x2B80  }
0x42: {  	[tilespmem:s18], [sflag:$0x2] =	stream.indirect.gather [hbm4b:s4+s12], $0x10, s31, s12, $0xb8;
	[tilespmem:$0xCD00] =	vst v63  }
0x43: {  	_ =	swait.ge [sflag:s19], $0x7D0  }
0x44: {  	[sflag:s19] =	ssyncset.done $0x0  }
0x45: {  	[sflag:s19] =	ssyncadd.s32 $0xFFFFF830  }
0x46: {  	_ =	swait.ge [sflag:s19], $0x7D0  }
0x47: {  	[sflag:s19] =	ssyncset.done $0x0  }
0x48: {  	[sflag:s19] =	ssyncadd.s32 $0xFFFFF830  }
0x49: {  	_ =	swait.ge [sflag:s19], $0x7D0  }
0x4a: {  	[sflag:s19] =	ssyncset.done $0x0  }
0x4b: {  	[sflag:s19] =	ssyncadd.s32 $0xFFFFF830  }
0x4c: {  	_ =	swait.ge [sflag:s19], $0x7D0  }
0x4d: {  	[sflag:s19] =	ssyncset.done $0x0  }
0x4e: {  	[sflag:s19] =	ssyncadd.s32 $0xFFFFF830  }
0x4f: {  	_ =	swait.ge [sflag:s19], $0x7D0  }
0x50: {  	[sflag:s19] =	ssyncset.done $0x0  }
0x51: {  	[sflag:s19] =	ssyncadd.s32 $0xFFFFF830  }
0x52: {  	_ =	swait.ge [sflag:s19], $0x7D0  }
0x53: {  	[sflag:s19] =	ssyncset.done $0x0  }
0x54: {  	[sflag:s19] =	ssyncadd.s32 $0xFFFFF830  }
0x55: {  	_ =	swait.ge [sflag:s19], $0x7D0  }
0x56: {  	[sflag:s19] =	ssyncset.done $0x0  }
0x57: {  	[sflag:s19] =	ssyncadd.s32 $0xFFFFF830  }
0x58: {  	_ =	swait.ge [sflag:s19], $0x7D0  }
0x59: {  	[sflag:s19] =	ssyncset.done $0x0  }
0x5a: {  	[sflag:s19] =	ssyncadd.s32 $0xFFFFF830  }
0x5b: {  	_ =	swait.ge [sflag:s19], $0x7D0  }
0x5c: {  	[sflag:s19] =	ssyncset.done $0x0  }
0x5d: {  	[sflag:s19] =	ssyncadd.s32 $0xFFFFF830  }
0x5e: {  	_ =	swait.ge [sflag:s19], $0x7D0  }
0x5f: {  	[sflag:s19] =	ssyncset.done $0x0  }
0x60: {  	[sflag:s19] =	ssyncadd.s32 $0xFFFFF830  }
0x61: {  	_ =	swait.ge [sflag:s19], $0x7D0  }
0x62: {  	[sflag:s19] =	ssyncset.done $0x0  }
0x63: {  	[sflag:s19] =	ssyncadd.s32 $0xFFFFF830  }
0x64: {  	_ =	swait.ge [sflag:s19], $0x7D0  }
0x65: {  	[sflag:s19] =	ssyncset.done $0x0  }
0x66: {  	[sflag:s19] =	ssyncadd.s32 $0xFFFFF830  }
0x67: {  	_ =	swait.ge [sflag:s19], $0x7D0  }
0x68: {  	[sflag:s19] =	ssyncset.done $0x0  }
0x69: {  	[sflag:s19] =	ssyncadd.s32 $0xFFFFF830  }
0x6a: {  	_ =	swait.ge [sflag:s19], $0x7D0  }
0x6b: {  	[sflag:s19] =	ssyncset.done $0x0  }
0x6c: {  	[sflag:s19] =	ssyncadd.s32 $0xFFFFF830  }
0x6d: {  	_ =	swait.ge [sflag:s19], $0x7D0  }
0x6e: {  	[sflag:s19] =	ssyncset.done $0x0  }
0x6f: {  	[sflag:s19] =	ssyncadd.s32 $0xFFFFF830  }
0x70: {  	p1 =	por $0x0, $0x0;
	s22 =	smov.u32 s8;
	_ =	swait.ge [sflag:s19], $0x7D0  }
0x71: {  	s23 =	sadd.s32 $0x7D0, s9;
	s24 =	simm.s32 $0x1000;
	[sflag:s19] =	ssyncset.done $0x0  }
0x72: {  	s25 =	simm.s32 $0x2000;
	s26 =	smov.u32 s8;
	[sflag:s19] =	ssyncadd.s32 $0xFFFFF830  }
0x73: {  	[hbm4b:s9+s2] =	stream.linear.scatter [tilespmem:s13], [sflag:$0x3], $0x3E80, $0x38;
	[tilespmem:$0xCD00] =	vst v63  }
.LBB2_2:
0x74: {  	s29 =	simm.s32 @!p1 $0x3  }
0x75: {  	[hbm4b:s26+s2] =	stream.linear.scatter [tilespmem:s14], [sflag:$0x3], $0x3E80, $0x38;
	[tilespmem:$0xCD00] =	vst v63  }
0x76: {  	_ =	swait.ge @!p1 [sflag:s29], $0x3E80  }
0x77: {  	[sflag:s29] =	ssyncset.done @!p1 $0x0  }
0x78: {  	[sflag:s29] =	ssyncadd.s32 @!p1 $0xFFFFC180  }
0x79: {  	_ =	swait.ge @!p1 [sflag:s29], $0x3E80  }
0x7a: {  	[sflag:s29] =	ssyncset.done @!p1 $0x0  }
0x7b: {  	[sflag:s29] =	ssyncadd.s32 @!p1 $0xFFFFC180;
	s29 =	sshra.s32 s24, $0x2  }
0x7c: {  	[tilespmem:s13], [sflag:$0x2] =	stream.indirect.gather [hbm4b:s3+s12], $0x10, s29, s12, $0xb8;
	[tilespmem:$0xCD00] =	vst v63  }
0x7d: {  	s30 =	smov.u32 s25;
	s1 =	sadd.s32 $0x2800, s29  }
0x7e: {  	[tilespmem:s14], [sflag:$0x2] =	stream.indirect.gather [hbm4b:s4+s12], $0x10, s1, s12, $0xb8;
	[tilespmem:$0xCD00] =	vst v63  }
0x7f: {  	s31 =	rddreg [dreg:$0x3];
	s24 =	smov.u32 s30;
	s30 =	sadd.s32 $0x80, s29  }
0x80: {  	[tilespmem:s31], [sflag:$0x2] =	stream.indirect.gather [hbm4b:s3+s12], $0x10, s30, s12, $0xb8;
	[tilespmem:$0xCD00] =	vst v63  }
0x81: {  	s1 =	rddreg [dreg:$0x4];
	s30 =	sadd.s32 $0x2880, s29  }
0x82: {  	[tilespmem:s1], [sflag:$0x2] =	stream.indirect.gather [hbm4b:s4+s12], $0x10, s30, s12, $0xb8;
	[tilespmem:$0xCD00] =	vst v63  }
0x83: {  	s31 =	rddreg [dreg:$0x5];
	s1 =	sadd.s32 $0x100, s29  }
0x84: {  	[tilespmem:s31], [sflag:$0x2] =	stream.indirect.gather [hbm4b:s3+s12], $0x10, s1, s12, $0xb8;
	[tilespmem:$0xCD00] =	vst v63  }
0x85: {  	s30 =	rddreg [dreg:$0x6];
	s1 =	sadd.s32 $0x2900, s29  }
0x86: {  	[tilespmem:s30], [sflag:$0x2] =	stream.indirect.gather [hbm4b:s4+s12], $0x10, s1, s12, $0xb8;
	[tilespmem:$0xCD00] =	vst v63  }
0x87: {  	s31 =	rddreg [dreg:$0x7];
	s1 =	sadd.s32 $0x180, s29  }
0x88: {  	[tilespmem:s31], [sflag:$0x2] =	stream.indirect.gather [hbm4b:s3+s12], $0x10, s1, s12, $0xb8;
	[tilespmem:$0xCD00] =	vst v63  }
0x89: {  	s30 =	rddreg [dreg:$0x8];
	s1 =	sadd.s32 $0x2980, s29  }
0x8a: {  	[tilespmem:s30], [sflag:$0x2] =	stream.indirect.gather [hbm4b:s4+s12], $0x10, s1, s12, $0xb8;
	[tilespmem:$0xCD00] =	vst v63  }
0x8b: {  	s31 =	rddreg [dreg:$0x9];
	s1 =	sadd.s32 $0x200, s29  }
0x8c: {  	[tilespmem:s31], [sflag:$0x2] =	stream.indirect.gather [hbm4b:s3+s12], $0x10, s1, s12, $0xb8;
	[tilespmem:$0xCD00] =	vst v63  }
0x8d: {  	s30 =	rddreg [dreg:$0xa];
	s1 =	sadd.s32 $0x2A00, s29  }
0x8e: {  	[tilespmem:s30], [sflag:$0x2] =	stream.indirect.gather [hbm4b:s4+s12], $0x10, s1, s12, $0xb8;
	[tilespmem:$0xCD00] =	vst v63  }
0x8f: {  	s31 =	rddreg [dreg:$0xb];
	s1 =	sadd.s32 $0x280, s29  }
0x90: {  	[tilespmem:s31], [sflag:$0x2] =	stream.indirect.gather [hbm4b:s3+s12], $0x10, s1, s12, $0xb8;
	[tilespmem:$0xCD00] =	vst v63  }
0x91: {  	s30 =	rddreg [dreg:$0xc];
	s31 =	sadd.s32 $0x2A80, s29  }
0x92: {  	[tilespmem:s30], [sflag:$0x2] =	stream.indirect.gather [hbm4b:s4+s12], $0x10, s31, s12, $0xb8;
	[tilespmem:$0xCD00] =	vst v63  }
0x93: {  	s30 =	sadd.s32 $0x300, s29  }
0x94: {  	[tilespmem:s15], [sflag:$0x2] =	stream.indirect.gather [hbm4b:s3+s12], $0x10, s30, s12, $0xb8;
	[tilespmem:$0xCD00] =	vst v63  }
0x95: {  	s31 =	sadd.s32 $0x2B00, s29  }
0x96: {  	[tilespmem:s16], [sflag:$0x2] =	stream.indirect.gather [hbm4b:s4+s12], $0x10, s31, s12, $0xb8;
	[tilespmem:$0xCD00] =	vst v63  }
0x97: {  	s30 =	sadd.s32 $0x380, s29  }
0x98: {  	[tilespmem:s17], [sflag:$0x2] =	stream.indirect.gather [hbm4b:s3+s12], $0x10, s30, s12, $0xb8;
	[tilespmem:$0xCD00] =	vst v63  }
0x99: {  	s31 =	sadd.s32 $0x2B80, s29  }
0x9a: {  	[tilespmem:s18], [sflag:$0x2] =	stream.indirect.gather [hbm4b:s4+s12], $0x10, s31, s12, $0xb8;
	[tilespmem:$0xCD00] =	vst v63  }
0x9b: {  	_ =	swait.ge [sflag:s19], $0x7D0  }
0x9c: {  	[sflag:s19] =	ssyncset.done $0x0  }
0x9d: {  	[sflag:s19] =	ssyncadd.s32 $0xFFFFF830  }
0x9e: {  	_ =	swait.ge [sflag:s19], $0x7D0  }
0x9f: {  	[sflag:s19] =	ssyncset.done $0x0  }
0xa0: {  	[sflag:s19] =	ssyncadd.s32 $0xFFFFF830  }
0xa1: {  	_ =	swait.ge [sflag:s19], $0x7D0  }
0xa2: {  	[sflag:s19] =	ssyncset.done $0x0  }
0xa3: {  	[sflag:s19] =	ssyncadd.s32 $0xFFFFF830  }
0xa4: {  	_ =	swait.ge [sflag:s19], $0x7D0  }
0xa5: {  	[sflag:s19] =	ssyncset.done $0x0  }
0xa6: {  	[sflag:s19] =	ssyncadd.s32 $0xFFFFF830  }
0xa7: {  	_ =	swait.ge [sflag:s19], $0x7D0  }
0xa8: {  	[sflag:s19] =	ssyncset.done $0x0  }
0xa9: {  	[sflag:s19] =	ssyncadd.s32 $0xFFFFF830  }
0xaa: {  	_ =	swait.ge [sflag:s19], $0x7D0  }
0xab: {  	[sflag:s19] =	ssyncset.done $0x0  }
0xac: {  	[sflag:s19] =	ssyncadd.s32 $0xFFFFF830  }
0xad: {  	_ =	swait.ge [sflag:s19], $0x7D0  }
0xae: {  	[sflag:s19] =	ssyncset.done $0x0  }
0xaf: {  	[sflag:s19] =	ssyncadd.s32 $0xFFFFF830  }
0xb0: {  	_ =	swait.ge [sflag:s19], $0x7D0  }
0xb1: {  	[sflag:s19] =	ssyncset.done $0x0  }
0xb2: {  	[sflag:s19] =	ssyncadd.s32 $0xFFFFF830  }
0xb3: {  	_ =	swait.ge [sflag:s19], $0x7D0  }
0xb4: {  	[sflag:s19] =	ssyncset.done $0x0  }
0xb5: {  	[sflag:s19] =	ssyncadd.s32 $0xFFFFF830  }
0xb6: {  	_ =	swait.ge [sflag:s19], $0x7D0  }
0xb7: {  	[sflag:s19] =	ssyncset.done $0x0  }
0xb8: {  	[sflag:s19] =	ssyncadd.s32 $0xFFFFF830  }
0xb9: {  	_ =	swait.ge [sflag:s19], $0x7D0  }
0xba: {  	[sflag:s19] =	ssyncset.done $0x0  }
0xbb: {  	[sflag:s19] =	ssyncadd.s32 $0xFFFFF830  }
0xbc: {  	_ =	swait.ge [sflag:s19], $0x7D0  }
0xbd: {  	[sflag:s19] =	ssyncset.done $0x0  }
0xbe: {  	[sflag:s19] =	ssyncadd.s32 $0xFFFFF830  }
0xbf: {  	_ =	swait.ge [sflag:s19], $0x7D0  }
0xc0: {  	[sflag:s19] =	ssyncset.done $0x0  }
0xc1: {  	[sflag:s19] =	ssyncadd.s32 $0xFFFFF830  }
0xc2: {  	_ =	swait.ge [sflag:s19], $0x7D0  }
0xc3: {  	[sflag:s19] =	ssyncset.done $0x0  }
0xc4: {  	[sflag:s19] =	ssyncadd.s32 $0xFFFFF830  }
0xc5: {  	s25 =	sadd.s32 $0x1000, s25;
	_ =	swait.ge [sflag:s19], $0x7D0  }
0xc6: {  	p0 =	sne.s32 s25, $0xA000;
	[sflag:s19] =	ssyncset.done $0x0  }
.Ltmp0:
0xc7: {  	[sflag:s19] =	ssyncadd.s32 $0xFFFFF830;
	(pc) =	sbr.rel @p0 .LBB2_2-.Ltmp0, $4  }
0xc8: {  	s22 =	sadd.s32 $0x7D0, s22;
	_ =	swait.ge [sflag:s19], $0x7D0  }
0xc9: {  	s28 =	smov.u32 s23;
	s23 =	sadd.s32 $0x7D0, s23;
	[sflag:s19] =	ssyncset.done $0x0  }
0xca: {  	s26 =	smov.u32 s22;
	p1 =	seq.s32 s24, $0x0;
	[sflag:s19] =	ssyncadd.s32 $0xFFFFF830  }
0xcb: {  	[hbm4b:s28+s2] =	stream.linear.scatter [tilespmem:s13], [sflag:$0x3], $0x3E80, $0x38;
	[tilespmem:$0xCD00] =	vst v63  }
0xcc: {  	s1 =	simm.s32 @!p1 $0x3  }
0xcd: {  	[hbm4b:s26+s2] =	stream.linear.scatter [tilespmem:s14], [sflag:$0x3], $0x3E80, $0x38;
	[tilespmem:$0xCD00] =	vst v63  }
0xce: {  	_ =	swait.ge @!p1 [sflag:s1], $0x3E80  }
0xcf: {  	[sflag:s1] =	ssyncset.done @!p1 $0x0  }
0xd0: {  	[sflag:s1] =	ssyncadd.s32 @!p1 $0xFFFFC180  }
0xd1: {  	_ =	swait.ge @!p1 [sflag:s1], $0x3E80  }
0xd2: {  	[sflag:s1] =	ssyncset.done @!p1 $0x0  }
0xd3: {  	[sflag:s1] =	ssyncadd.s32 @!p1 $0xFFFFC180;
	s1 =	sshra.s32 s24, $0x2  }
0xd4: {  	[tilespmem:s13], [sflag:$0x2] =	stream.indirect.gather [hbm4b:s3+s12], $0x10, s1, s12, $0xb8;
	[tilespmem:$0xCD00] =	vst v63  }
0xd5: {  	s24 =	sadd.s32 $0x2800, s1  }
0xd6: {  	[tilespmem:s14], [sflag:$0x2] =	stream.indirect.gather [hbm4b:s4+s12], $0x10, s24, s12, $0xb8;
	[tilespmem:$0xCD00] =	vst v63  }
0xd7: {  	s25 =	rddreg [dreg:$0x3];
	s30 =	sadd.s32 $0x80, s1  }
0xd8: {  	[tilespmem:s25], [sflag:$0x2] =	stream.indirect.gather [hbm4b:s3+s12], $0x10, s30, s12, $0xb8;
	[tilespmem:$0xCD00] =	vst v63  }
0xd9: {  	s31 =	rddreg [dreg:$0x4];
	s28 =	sadd.s32 $0x2880, s1  }
0xda: {  	[tilespmem:s31], [sflag:$0x2] =	stream.indirect.gather [hbm4b:s4+s12], $0x10, s28, s12, $0xb8;
	[tilespmem:$0xCD00] =	vst v63  }
0xdb: {  	s29 =	rddreg [dreg:$0x5];
	s30 =	sadd.s32 $0x100, s1  }
0xdc: {  	[tilespmem:s29], [sflag:$0x2] =	stream.indirect.gather [hbm4b:s3+s12], $0x10, s30, s12, $0xb8;
	[tilespmem:$0xCD00] =	vst v63  }
0xdd: {  	s31 =	rddreg [dreg:$0x6];
	s28 =	sadd.s32 $0x2900, s1  }
0xde: {  	[tilespmem:s31], [sflag:$0x2] =	stream.indirect.gather [hbm4b:s4+s12], $0x10, s28, s12, $0xb8;
	[tilespmem:$0xCD00] =	vst v63  }
0xdf: {  	s29 =	rddreg [dreg:$0x7];
	s30 =	sadd.s32 $0x180, s1  }
0xe0: {  	[tilespmem:s29], [sflag:$0x2] =	stream.indirect.gather [hbm4b:s3+s12], $0x10, s30, s12, $0xb8;
	[tilespmem:$0xCD00] =	vst v63  }
0xe1: {  	s31 =	rddreg [dreg:$0x8];
	s28 =	sadd.s32 $0x2980, s1  }
0xe2: {  	[tilespmem:s31], [sflag:$0x2] =	stream.indirect.gather [hbm4b:s4+s12], $0x10, s28, s12, $0xb8;
	[tilespmem:$0xCD00] =	vst v63  }
0xe3: {  	s29 =	rddreg [dreg:$0x9];
	s30 =	sadd.s32 $0x200, s1  }
0xe4: {  	[tilespmem:s29], [sflag:$0x2] =	stream.indirect.gather [hbm4b:s3+s12], $0x10, s30, s12, $0xb8;
	[tilespmem:$0xCD00] =	vst v63  }
0xe5: {  	s31 =	rddreg [dreg:$0xa];
	s28 =	sadd.s32 $0x2A00, s1  }
0xe6: {  	[tilespmem:s31], [sflag:$0x2] =	stream.indirect.gather [hbm4b:s4+s12], $0x10, s28, s12, $0xb8;
	[tilespmem:$0xCD00] =	vst v63  }
0xe7: {  	s29 =	rddreg [dreg:$0xb];
	s30 =	sadd.s32 $0x280, s1  }
0xe8: {  	[tilespmem:s29], [sflag:$0x2] =	stream.indirect.gather [hbm4b:s3+s12], $0x10, s30, s12, $0xb8;
	[tilespmem:$0xCD00] =	vst v63  }
0xe9: {  	s25 =	sadd.s32 $0x2A80, s1;
	s31 =	rddreg [dreg:$0xc]  }
0xea: {  	[tilespmem:s31], [sflag:$0x2] =	stream.indirect.gather [hbm4b:s4+s12], $0x10, s25, s12, $0xb8;
	[tilespmem:$0xCD00] =	vst v63  }
0xeb: {  	s28 =	sadd.s32 $0x300, s1  }
0xec: {  	[tilespmem:s15], [sflag:$0x2] =	stream.indirect.gather [hbm4b:s3+s12], $0x10, s28, s12, $0xb8;
	[tilespmem:$0xCD00] =	vst v63  }
0xed: {  	s29 =	sadd.s32 $0x2B00, s1  }
0xee: {  	[tilespmem:s16], [sflag:$0x2] =	stream.indirect.gather [hbm4b:s4+s12], $0x10, s29, s12, $0xb8;
	[tilespmem:$0xCD00] =	vst v63  }
0xef: {  	s30 =	sadd.s32 $0x380, s1  }
0xf0: {  	[tilespmem:s17], [sflag:$0x2] =	stream.indirect.gather [hbm4b:s3+s12], $0x10, s30, s12, $0xb8;
	[tilespmem:$0xCD00] =	vst v63  }
0xf1: {  	s1 =	sadd.s32 $0x2B80, s1  }
0xf2: {  	[tilespmem:s18], [sflag:$0x2] =	stream.indirect.gather [hbm4b:s4+s12], $0x10, s1, s12, $0xb8;
	[tilespmem:$0xCD00] =	vst v63  }
0xf3: {  	_ =	swait.ge [sflag:s19], $0x7D0  }
0xf4: {  	[sflag:s19] =	ssyncset.done $0x0  }
0xf5: {  	[sflag:s19] =	ssyncadd.s32 $0xFFFFF830  }
0xf6: {  	_ =	swait.ge [sflag:s19], $0x7D0  }
0xf7: {  	[sflag:s19] =	ssyncset.done $0x0  }
0xf8: {  	[sflag:s19] =	ssyncadd.s32 $0xFFFFF830  }
0xf9: {  	_ =	swait.ge [sflag:s19], $0x7D0  }
0xfa: {  	[sflag:s19] =	ssyncset.done $0x0  }
0xfb: {  	[sflag:s19] =	ssyncadd.s32 $0xFFFFF830  }
0xfc: {  	_ =	swait.ge [sflag:s19], $0x7D0  }
0xfd: {  	[sflag:s19] =	ssyncset.done $0x0  }
0xfe: {  	[sflag:s19] =	ssyncadd.s32 $0xFFFFF830  }
0xff: {  	_ =	swait.ge [sflag:s19], $0x7D0  }
0x100: {  	[sflag:s19] =	ssyncset.done $0x0  }
0x101: {  	[sflag:s19] =	ssyncadd.s32 $0xFFFFF830  }
0x102: {  	_ =	swait.ge [sflag:s19], $0x7D0  }
0x103: {  	[sflag:s19] =	ssyncset.done $0x0  }
0x104: {  	[sflag:s19] =	ssyncadd.s32 $0xFFFFF830  }
0x105: {  	_ =	swait.ge [sflag:s19], $0x7D0  }
0x106: {  	[sflag:s19] =	ssyncset.done $0x0  }
0x107: {  	[sflag:s19] =	ssyncadd.s32 $0xFFFFF830  }
0x108: {  	_ =	swait.ge [sflag:s19], $0x7D0  }
0x109: {  	[sflag:s19] =	ssyncset.done $0x0  }
0x10a: {  	[sflag:s19] =	ssyncadd.s32 $0xFFFFF830  }
0x10b: {  	_ =	swait.ge [sflag:s19], $0x7D0  }
0x10c: {  	[sflag:s19] =	ssyncset.done $0x0  }
0x10d: {  	[sflag:s19] =	ssyncadd.s32 $0xFFFFF830  }
0x10e: {  	_ =	swait.ge [sflag:s19], $0x7D0  }
0x10f: {  	[sflag:s19] =	ssyncset.done $0x0  }
0x110: {  	[sflag:s19] =	ssyncadd.s32 $0xFFFFF830  }
0x111: {  	_ =	swait.ge [sflag:s19], $0x7D0  }
0x112: {  	[sflag:s19] =	ssyncset.done $0x0  }
0x113: {  	[sflag:s19] =	ssyncadd.s32 $0xFFFFF830  }
0x114: {  	_ =	swait.ge [sflag:s19], $0x7D0  }
0x115: {  	[sflag:s19] =	ssyncset.done $0x0  }
0x116: {  	[sflag:s19] =	ssyncadd.s32 $0xFFFFF830  }
0x117: {  	_ =	swait.ge [sflag:s19], $0x7D0  }
0x118: {  	[sflag:s19] =	ssyncset.done $0x0  }
0x119: {  	[sflag:s19] =	ssyncadd.s32 $0xFFFFF830  }
0x11a: {  	_ =	swait.ge [sflag:s19], $0x7D0  }
0x11b: {  	[sflag:s19] =	ssyncset.done $0x0  }
0x11c: {  	[sflag:s19] =	ssyncadd.s32 $0xFFFFF830  }
0x11d: {  	_ =	swait.ge [sflag:s19], $0x7D0  }
0x11e: {  	[sflag:s19] =	ssyncset.done $0x0  }
0x11f: {  	[sflag:s19] =	ssyncadd.s32 $0xFFFFF830  }
0x120: {  	_ =	swait.ge [sflag:s19], $0x7D0  }
0x121: {  	[sflag:s19] =	ssyncset.done $0x0  }
0x122: {  	[sflag:s19] =	ssyncadd.s32 $0xFFFFF830  }
0x123: {  	[hbm4b:s23+s2] =	stream.linear.scatter [tilespmem:s13], [sflag:$0x3], $0x3E80, $0x38;
	[tilespmem:$0xCD00] =	vst v63  }
0x124: {  	s21 =	sadd.s32 $0x1, s21;
	s31 =	sadd.s32 $0x7D0, s22  }
0x125: {  	[hbm4b:s31+s2] =	stream.linear.scatter [tilespmem:s14], [sflag:$0x3], $0x3E80, $0x38;
	[tilespmem:$0xCD00] =	vst v63  }
0x126: {  	p0 =	sne.s32 s21, s7;
	_ =	swait.ge [sflag:s20], $0x3E80  }
.Ltmp1:
0x127: {  	[sflag:s20] =	ssyncset.done $0x0;
	(pc) =	sbr.rel @p0 .LBB2_1-.Ltmp1, $4  }
0x128: {  	[sflag:s20] =	ssyncadd.s32 $0xFFFFC180  }
0x129: {  	_ =	swait.ge [sflag:s20], $0x3E80  }
0x12a: {  	[sflag:s20] =	ssyncset.done $0x0  }
0x12b: {  	[sflag:s20] =	ssyncadd.s32 $0xFFFFC180  }
0x12c: {  	_ =	sfence.sel $0x180000  }
0x12d: {  	[bflag:$0x0] =	sbarrier.arrive $0xFFFF  }
0x12e: {  	_ =	strace $0x90000047  }
0x12f: {  	[bflag:$0x2] =	sbarrier.arrive $0xFFFF  }
0x130: {  	p0 =	sne.s32 s0, $0x0;
	s0 =	rddreg [dreg:$0x2]  }
0x131: {  	s0 =	sadd.s32 @!p0 $0x100000, s0  }
0x132: {  	[sflag:s0] =	ssyncadd.tile.s32 @!p0 $0x1;
	_ =	shalt  }
.Lfunc_end2:
_tile_overlayer_lowered:
.L_overlay_start_2:
0x133: {  	(tag) =	ssettag $0x2  }
0x134: {  	s0 =	rddreg [dreg:$0x0];
	s2 =	stileid.u32  }
0x135: {  	s1 =	rddreg [dreg:$0x1];
	p0 =	sne.s32 s2, $0x0  }
0x136: {  	s3 =	rddreg [dreg:$0x2];
	[bflag:$0x3] =	sbarrier.arrive $0xFFFF;
	s2 =	simm.s32 @!p0 $0x1C04  }
0x137: {  	[timem:s3], [sflag:s2] =	dma.local @!p0 [hbm:s0], s1  }
0x138: {  	s0 =	simm.s32 @!p0 $0x4  }
0x139: {  	_ =	swait.ge @!p0 [sflag:s0], s1  }
0x13a: {  	s1 =	ssub.s32 @!p0 $0x0, s1;
	[sflag:s0] =	ssyncset.done @!p0 $0x0  }
0x13b: {  	[sflag:s0] =	ssyncadd.s32 @!p0 s1  }
0x13c: {  	[bflag:$0x3] =	sbarrier.arrive $0xFFFF  }
0x13d: {  	_ =	shalt  }

</sc_bundles>
